<compile_context>
chip_gen: v7x
topology: tpu7x:2x2x1
jax: 0.10.2.dev20260603
libtpu: 0.0.44.dev20260713+nightly
codegen_flags: <defaults>
</compile_context>

<pallas_src>
import functools
import jax
import jax.numpy as jnp
from jax import lax
from jax.experimental import pallas as pl
from jax.experimental.pallas import tpu as pltpu
from jax.experimental.pallas import tpu_sc as plsc

NC = 2
NS = 16
BB = 128

N = 10000
E = 160000
NG = 16
NCLS = 10
NP = 10240
EP = 163840
TR = NP // NS
NBF = EP // (NS * BB)
NBH = EP // (NC * NS * BB)
BN = 512
GRID = NP // BN


def _mesh():
    return plsc.VectorSubcoreMesh(core_axis_name="c", subcore_axis_name="s")


def _sc_a_body(embflat, xidx, dsplit, ones16, zeros16,
               h0_out, degpart_out,
               xidx_v, rows_v, didx_v, ones_v, dacc, sem):
    c = lax.axis_index("c")
    t = lax.axis_index("s")
    base = t * TR
    pltpu.sync_copy(xidx.at[c, t], xidx_v)
    for j in range(NP // (NS * BB)):
        pltpu.async_copy(embflat.at[xidx_v.at[j]], rows_v, sem).wait()
        pltpu.sync_copy(rows_v, h0_out.at[c, pl.ds(base + j * BB, BB)])
    pltpu.sync_copy(zeros16.at[pl.ds(base, TR)], dacc.at[pl.ds(base, TR)])
    pltpu.sync_copy(ones16, ones_v)
    pltpu.sync_copy(dsplit.at[c, t], didx_v)
    plsc.subcore_barrier()

    def body(j, carry):
        pltpu.sync_copy(ones_v, dacc.at[didx_v.at[j]], add=True)
        return carry

    lax.fori_loop(0, NBH, body, 0)
    plsc.subcore_barrier()
    pltpu.sync_copy(dacc.at[pl.ds(base, TR)],
                    degpart_out.at[c, pl.ds(base, TR)])


NBUF = 2
EBB = 128
ENBF = EP // (NS * EBB)
ENBS = ENBF // 2


UNROLL = 8


def _agg_loop(hflat, sidx_v, didx_v, rows_v, acc, gsems, nb):

    def body(j, carry):
        pltpu.async_copy(hflat.at[sidx_v.at[j]], rows_v.at[0], gsems[0]).wait()
        pltpu.sync_copy(rows_v.at[0], acc.at[didx_v.at[j]], add=True)
        return carry

    lax.fori_loop(0, nb, body, 0)


def _sc_c_body(hflat, a1src, adst, zerosbig,
               agg_out,
               sidx_v, didx_v, rows_v, acc, g0, g1):
    c = lax.axis_index("c")
    t = lax.axis_index("s")
    base = t * TR
    pltpu.sync_copy(zerosbig.at[pl.ds(base, TR)], acc.at[pl.ds(base, TR)])
    plsc.subcore_barrier()
    for h in range(2):
        pltpu.sync_copy(a1src.at[c, t, pl.ds(h * ENBS, ENBS)], sidx_v)
        pltpu.sync_copy(adst.at[t, pl.ds(h * ENBS, ENBS)], didx_v)
        _agg_loop(hflat, sidx_v, didx_v, rows_v, acc, [g0, g1], ENBS)
    plsc.subcore_barrier()
    pltpu.sync_copy(acc.at[pl.ds(base, TR)], agg_out.at[c, pl.ds(base, TR)])


def _sc_s_body(u, dsplit, ssplit, zeros16,
               spart_out,
               gidx_v, sidx2_v, rows16_v, sacc, ubuf, sem):
    c = lax.axis_index("c")
    t = lax.axis_index("s")
    base = t * TR
    pltpu.sync_copy(zeros16.at[pl.ds(base, TR)], sacc.at[pl.ds(base, TR)])
    pltpu.sync_copy(u.at[pl.ds(base, TR)], ubuf.at[pl.ds(base, TR)])
    pltpu.sync_copy(dsplit.at[c, t], gidx_v)
    pltpu.sync_copy(ssplit.at[c, t], sidx2_v)
    plsc.subcore_barrier()

    def body2(j, carry):
        pltpu.async_copy(ubuf.at[gidx_v.at[j]], rows16_v, sem).wait()
        pltpu.sync_copy(rows16_v, sacc.at[sidx2_v.at[j]], add=True)
        return carry

    lax.fori_loop(0, NBH, body2, 0)
    plsc.subcore_barrier()
    pltpu.sync_copy(sacc.at[pl.ds(base, TR)], spart_out.at[c, pl.ds(base, TR)])


def _sc_e_body(hflat, a2src, adst, zerosbig,
               agg_out,
               sidx_v, didx_v, rows_v, acc, g0, g1):
    c = lax.axis_index("c")
    t = lax.axis_index("s")
    base = t * TR
    for p in range(2):
        cc = p * NC + c
        pltpu.sync_copy(zerosbig.at[pl.ds(base, TR)], acc.at[pl.ds(base, TR)])
        plsc.subcore_barrier()
        for h in range(2):
            pltpu.sync_copy(a2src.at[cc, t, pl.ds(h * ENBS, ENBS)], sidx_v)
            pltpu.sync_copy(adst.at[t, pl.ds(h * ENBS, ENBS)], didx_v)
            _agg_loop(hflat, sidx_v, didx_v, rows_v, acc, [g0, g1], ENBS)
        plsc.subcore_barrier()
        pltpu.sync_copy(acc.at[pl.ds(base, TR)],
                        agg_out.at[cc, pl.ds(base, TR)])


def _tc_b_body(degpart, h0, batchp, dinv_o, h0p_o, u_o):
    i = pl.program_id(0)
    deg = degpart[0, :, :1] + degpart[1, :, :1] + 1.0
    rows = i * BN + lax.broadcasted_iota(jnp.int32, (BN, 1), 0)
    dinv = jnp.where(rows < N, lax.rsqrt(deg), 0.0)
    dinv_o[...] = dinv
    h0p_o[...] = h0[...] * dinv[None]
    g = lax.broadcasted_iota(jnp.int32, (BN, NG), 1)
    u_o[...] = dinv * (batchp[...] == g).astype(jnp.float32)


def _tc_d_body(agg1e, h0p, dinv_r, W1, b1, h1p_o):
    dinv = dinv_r[...]
    a = (agg1e[...] + h0p[...]) * dinv[None]
    y = b1[...]
    for cch in range(2):
        y = y + jnp.dot(a[cch], W1[cch * 128:(cch + 1) * 128, :],
                        preferred_element_type=jnp.float32)
    y = jnp.maximum(y, 0.0) * dinv
    for cch in range(4):
        h1p_o[cch] = y[:, cch * 128:(cch + 1) * 128]


def _tc_f_body(agg2e, h1p, dinv_r, spart, batchp, W2, b2, W3, Wlin, b3c, blinc,
               out_o, acc, cnt):
    i = pl.program_id(0)

    @pl.when(i == 0)
    def _():
        acc[...] = jnp.zeros_like(acc)
        cnt[...] = jnp.zeros_like(cnt)

    dinv = dinv_r[...]
    a = (agg2e[...] + h1p[...]) * dinv[None]
    y = b2[...]
    for cch in range(4):
        y = y + jnp.dot(a[cch], W2[cch * 128:(cch + 1) * 128, :],
                        preferred_element_type=jnp.float32)
    h2 = jnp.maximum(y, 0.0)
    g = lax.broadcasted_iota(jnp.int32, (BN, NG), 1)
    oneh = (batchp[...] == g).astype(jnp.float32)
    cblk = dinv * (spart[0] + spart[1]) + dinv * dinv * oneh
    acc[...] += lax.dot_general(cblk, h2, (((0,), (0,)), ((), ())),
                                preferred_element_type=jnp.float32)
    cnt[...] += jnp.sum(oneh, axis=0, keepdims=True).T

    @pl.when(i == GRID - 1)
    def _():
        pooled = acc[...] / jnp.maximum(cnt[...], 1.0)
        z = jnp.dot(pooled, W3[...], preferred_element_type=jnp.float32)
        z = z + b3c[...]
        z = jnp.dot(z, Wlin[...], preferred_element_type=jnp.float32)
        z = z + blinc[...]
        out_o[...] = 1.0 / (1.0 + jnp.exp(-z))


def kernel(x, edge_index, batch, emb, W1, b1, W2, b2, W3, b3, Wlin, blin):
    f32 = jnp.float32
    src = edge_index[0]
    dst = edge_index[1]
    padN = jnp.full((EP - E,), N, jnp.int32)
    src_p = jnp.concatenate([src, padN])
    dst_p = jnp.concatenate([dst, padN])
    x_p = jnp.concatenate([x[:, 0], jnp.zeros((NP - N,), jnp.int32)])
    xidx = jnp.stack([2 * x_p, 2 * x_p + 1]).reshape(NC, NS, NP // (NS * BB), BB)
    dsplit = dst_p.reshape(NC, NS, NBH, BB)
    ssplit = src_p.reshape(NC, NS, NBH, BB)
    adst = dst_p.reshape(NS, ENBF, EBB)
    a1src = jnp.stack([src_p, NP + src_p]).reshape(NC, NS, ENBF, EBB)
    a2src = jnp.stack([src_p, NP + src_p, 2 * NP + src_p, 3 * NP + src_p]
                      ).reshape(4, NS, ENBF, EBB)
    batch_p = jnp.concatenate([batch, jnp.full((NP - N,), NG, jnp.int32)]
                              ).reshape(NP, 1)
    zerosbig = jnp.zeros((NP, BB), f32)
    zeros16 = jnp.zeros((NP, NG), f32)
    ones16 = jnp.ones((BB, NG), f32)
    embflat = emb.reshape(2 * emb.shape[0], 128)

    sc_a = pl.kernel(
        _sc_a_body,
        out_type=[jax.ShapeDtypeStruct((NC, NP, 128), f32),
                  jax.ShapeDtypeStruct((NC, NP, NG), f32)],
        mesh=_mesh(),
        scratch_types=[pltpu.VMEM((NP // (NS * BB), BB), jnp.int32),
                       pltpu.VMEM((BB, 128), f32),
                       pltpu.VMEM((NBH, BB), jnp.int32),
                       pltpu.VMEM((BB, NG), f32),
                       pltpu.VMEM_SHARED((NP, NG), f32),
                       pltpu.SemaphoreType.DMA])
    h0, degpart = sc_a(embflat, xidx, dsplit, ones16, zeros16)

    dinv, h0p, u = pl.pallas_call(
        _tc_b_body,
        grid=(GRID,),
        in_specs=[pl.BlockSpec((NC, BN, NG), lambda i: (0, i, 0)),
                  pl.BlockSpec((NC, BN, 128), lambda i: (0, i, 0)),
                  pl.BlockSpec((BN, 1), lambda i: (i, 0))],
        out_specs=[pl.BlockSpec((BN, 1), lambda i: (i, 0)),
                   pl.BlockSpec((NC, BN, 128), lambda i: (0, i, 0)),
                   pl.BlockSpec((BN, NG), lambda i: (i, 0))],
        out_shape=[jax.ShapeDtypeStruct((NP, 1), f32),
                   jax.ShapeDtypeStruct((NC, NP, 128), f32),
                   jax.ShapeDtypeStruct((NP, NG), f32)],
    )(degpart, h0, batch_p)

    sc_c = pl.kernel(
        _sc_c_body,
        out_type=jax.ShapeDtypeStruct((NC, NP, 128), f32),
        mesh=_mesh(),
        scratch_types=[pltpu.VMEM((ENBS, EBB), jnp.int32),
                       pltpu.VMEM((ENBS, EBB), jnp.int32),
                       pltpu.VMEM((NBUF, EBB, 128), f32),
                       pltpu.VMEM_SHARED((NP, 128), f32)]
                      + [pltpu.SemaphoreType.DMA] * NBUF)
    agg1e = sc_c(h0p.reshape(NC * NP, 128), a1src, adst, zerosbig)

    sc_s = pl.kernel(
        _sc_s_body,
        out_type=jax.ShapeDtypeStruct((NC, NP, NG), f32),
        mesh=_mesh(),
        scratch_types=[pltpu.VMEM((NBH, BB), jnp.int32),
                       pltpu.VMEM((NBH, BB), jnp.int32),
                       pltpu.VMEM((BB, NG), f32),
                       pltpu.VMEM_SHARED((NP, NG), f32),
                       pltpu.VMEM_SHARED((NP, NG), f32),
                       pltpu.SemaphoreType.DMA])
    spart = sc_s(u, dsplit, ssplit, zeros16)

    h1p = pl.pallas_call(
        _tc_d_body,
        grid=(GRID,),
        in_specs=[pl.BlockSpec((NC, BN, 128), lambda i: (0, i, 0)),
                  pl.BlockSpec((NC, BN, 128), lambda i: (0, i, 0)),
                  pl.BlockSpec((BN, 1), lambda i: (i, 0)),
                  pl.BlockSpec((256, 512), lambda i: (0, 0)),
                  pl.BlockSpec((1, 512), lambda i: (0, 0))],
        out_specs=pl.BlockSpec((4, BN, 128), lambda i: (0, i, 0)),
        out_shape=jax.ShapeDtypeStruct((4, NP, 128), f32),
    )(agg1e, h0p, dinv, W1, b1.reshape(1, 512))

    sc_e = pl.kernel(
        _sc_e_body,
        out_type=jax.ShapeDtypeStruct((4, NP, 128), f32),
        mesh=_mesh(),
        scratch_types=[pltpu.VMEM((ENBS, EBB), jnp.int32),
                       pltpu.VMEM((ENBS, EBB), jnp.int32),
                       pltpu.VMEM((NBUF, EBB, 128), f32),
                       pltpu.VMEM_SHARED((NP, 128), f32)]
                      + [pltpu.SemaphoreType.DMA] * NBUF)
    agg2e = sc_e(h1p.reshape(4 * NP, 128), a2src, adst, zerosbig)

    out = pl.pallas_call(
        _tc_f_body,
        grid=(GRID,),
        in_specs=[pl.BlockSpec((4, BN, 128), lambda i: (0, i, 0)),
                  pl.BlockSpec((4, BN, 128), lambda i: (0, i, 0)),
                  pl.BlockSpec((BN, 1), lambda i: (i, 0)),
                  pl.BlockSpec((NC, BN, NG), lambda i: (0, i, 0)),
                  pl.BlockSpec((BN, 1), lambda i: (i, 0)),
                  pl.BlockSpec((512, 512), lambda i: (0, 0)),
                  pl.BlockSpec((1, 512), lambda i: (0, 0)),
                  pl.BlockSpec((512, 512), lambda i: (0, 0)),
                  pl.BlockSpec((512, NCLS), lambda i: (0, 0)),
                  pl.BlockSpec((1, 512), lambda i: (0, 0)),
                  pl.BlockSpec((1, NCLS), lambda i: (0, 0))],
        out_specs=pl.BlockSpec((NG, NCLS), lambda i: (0, 0)),
        out_shape=jax.ShapeDtypeStruct((NG, NCLS), f32),
        scratch_shapes=[pltpu.VMEM((NG, 512), f32),
                        pltpu.VMEM((NG, 1), f32)],
    )(agg2e, h1p, dinv, spart, batch_p, W2, b2.reshape(1, 512),
      W3, Wlin, b3.reshape(1, 512), blin.reshape(1, NCLS))
    return out

# --- scband reference (transcript-rebuilt; emitter-appended) ---
"""Pipeline reference for scband-gcn-39530878992855 (READ-ONLY COPY).

The authoritative reference and input builder live on the scoring server;
editing this copy changes nothing except your own understanding.
"""

import jax, jax.numpy as jnp
import numpy as np

N = 10000
E = 160000
VOCAB = 100000
EMB = 256
HID = 512
NCLS = 10
NGRAPH = 16


def setup_inputs(seed: int = 0) -> dict:
    key = jax.random.key(seed)
    ks = jax.random.split(key, 12)
    x = jax.random.randint(ks[0], (N, 1), 0, VOCAB, dtype=jnp.int32)
    edge_index = jax.random.randint(ks[1], (2, E), 0, N, dtype=jnp.int32)
    batch = jnp.sort(jax.random.randint(ks[2], (N,), 0, NGRAPH, dtype=jnp.int32))
    emb = jax.random.normal(ks[3], (VOCAB, EMB), dtype=jnp.float32) * 0.02
    W1 = jax.random.normal(ks[4], (EMB, HID), dtype=jnp.float32) * (2.0 / EMB) ** 0.5
    b1 = jnp.zeros((HID,), dtype=jnp.float32)
    W2 = jax.random.normal(ks[5], (HID, HID), dtype=jnp.float32) * (2.0 / HID) ** 0.5
    b2 = jnp.zeros((HID,), dtype=jnp.float32)
    W3 = jax.random.normal(ks[6], (HID, HID), dtype=jnp.float32) * (2.0 / HID) ** 0.5
    b3 = jnp.zeros((HID,), dtype=jnp.float32)
    Wlin = jax.random.normal(ks[7], (HID, NCLS), dtype=jnp.float32) * (2.0 / HID) ** 0.5
    blin = jnp.zeros((NCLS,), dtype=jnp.float32)
    return {"x": x, "edge_index": edge_index, "batch": batch, "emb": emb,
            "W1": W1, "b1": b1, "W2": W2, "b2": b2, "W3": W3, "b3": b3,
            "Wlin": Wlin, "blin": blin}


def _gcn_conv(h, edge_index, W, b):
    # PyG GCNConv: add self-loops, symmetric normalization, linear, scatter-add
    n = h.shape[0]
    loop = jnp.arange(n, dtype=edge_index.dtype)
    src = jnp.concatenate([edge_index[0], loop])
    dst = jnp.concatenate([edge_index[1], loop])
    deg = jax.ops.segment_sum(jnp.ones_like(src, dtype=h.dtype), dst, num_segments=n)
    dinv = jnp.where(deg > 0, deg ** -0.5, 0.0)
    norm = dinv[src] * dinv[dst]
    hw = h @ W
    msg = hw[src] * norm[:, None]
    out = jax.ops.segment_sum(msg, dst, num_segments=n)
    return out + b


def reference(x, edge_index, batch, emb, W1, b1, W2, b2, W3, b3, Wlin, blin):
    h = emb[x[:, 0]]  # embedding + squeeze(1)
    h = jax.nn.relu(_gcn_conv(h, edge_index, W1, b1))
    # dropout is identity in eval mode
    h = jax.nn.relu(_gcn_conv(h, edge_index, W2, b2))
    h = _gcn_conv(h, edge_index, W3, b3)
    # global_mean_pool over graph ids
    sums = jax.ops.segment_sum(h, batch, num_segments=NGRAPH)
    cnts = jax.ops.segment_sum(jnp.ones((h.shape[0],), dtype=h.dtype), batch, num_segments=NGRAPH)
    pooled = sums / jnp.clip(cnts, 1.0)[:, None]
    out = pooled @ Wlin + blin
    out = jnp.squeeze(out)  # squeeze(0) is a no-op for NGRAPH>1
    return jax.nn.sigmoid(out)

if __name__ == "__main__":
    import jax
    _d = setup_inputs()
    print(jax.jit(kernel)(*tuple(_d.values())))

</pallas_src>

<mosaic_0001>
#map = affine_map<(d0, d1) -> (0, 0)>
#map1 = affine_map<(d0, d1) -> (0, 0, 0, 0)>
#map2 = affine_map<(d0, d1) -> (0, 0, 0)>
module attributes {stable_mosaic.version = 14 : i64} {
  func.func @_sc_s_body(%arg0: i32, %arg1: i32, %arg2: memref<10240x16xf32, #tpu.memory_space<hbm>>, %arg3: memref<2x16x40x128xi32, #tpu.memory_space<hbm>>, %arg4: memref<2x16x40x128xi32, #tpu.memory_space<hbm>>, %arg5: memref<10240x16xf32, #tpu.memory_space<hbm>>, %arg6: memref<2x10240x16xf32, #tpu.memory_space<hbm>>, %arg7: memref<40x128xi32, #tpu.memory_space<vmem>>, %arg8: memref<40x128xi32, #tpu.memory_space<vmem>>, %arg9: memref<128x16xf32, #tpu.memory_space<vmem>>, %arg10: memref<10240x16xf32, #tpu.memory_space<vmem_shared>>, %arg11: memref<10240x16xf32, #tpu.memory_space<vmem_shared>>, %arg12: memref<!tpu.dma_semaphore, #tpu.memory_space<semaphore_mem>>) attributes {dimension_semantics = [#tpu.dimension_semantics<core_parallel>, #tpu.dimension_semantics<subcore_parallel>], iteration_bounds = array<i64: 2, 16>, scalar_prefetch = 0 : i64, scratch_operands = 6 : i64, tpu.core_type = #tpu.core_type<sc_vector_subcore>, window_params = [{transform_indices = #map}, {transform_indices = #map1}, {transform_indices = #map1}, {transform_indices = #map}, {transform_indices = #map2}]} {
    %mul3A = arith.constant 640 : i32
    %mul3A_0 = arith.muli %arg1, %mul3A : i32
    "tpu.region"() ({
      %run_scoped3A = tpu.sem_alloc : memref<!tpu.dma_semaphore, #tpu.memory_space<semaphore_mem>>
      %dma_start3A = arith.constant 0 : i32
      %dma_start3A_7 = tpu.memref_slice %arg10[%mul3A_0, %dma_start3A] : memref<10240x16xf32, #tpu.memory_space<vmem_shared>> -> memref<640x16xf32, #tpu.memory_space<vmem_shared>>
      %dma_start3A_8 = arith.constant 0 : i32
      %dma_start3A_9 = tpu.memref_slice %arg5[%mul3A_0, %dma_start3A_8] : memref<10240x16xf32, #tpu.memory_space<hbm>> -> memref<640x16xf32, #tpu.memory_space<hbm>>
      tpu.enqueue_dma source(%dma_start3A_9 : memref<640x16xf32, #tpu.memory_space<hbm>>) target(%dma_start3A_7 : memref<640x16xf32, #tpu.memory_space<vmem_shared>>) target_semaphore(%run_scoped3A : memref<!tpu.dma_semaphore, #tpu.memory_space<semaphore_mem>>)
      %dma_wait3A = arith.constant 0 : i32
      %dma_wait3A_10 = tpu.memref_slice %arg10[%mul3A_0, %dma_wait3A] : memref<10240x16xf32, #tpu.memory_space<vmem_shared>> -> memref<640x16xf32, #tpu.memory_space<vmem_shared>>
      %dma_wait3A_11 = arith.constant 0 : i32
      %dma_wait3A_12 = tpu.memref_slice %arg5[%mul3A_0, %dma_wait3A_11] : memref<10240x16xf32, #tpu.memory_space<hbm>> -> memref<640x16xf32, #tpu.memory_space<hbm>>
      tpu.wait_dma2 semaphore(%run_scoped3A : memref<!tpu.dma_semaphore, #tpu.memory_space<semaphore_mem>>) src(%dma_wait3A_12 : memref<640x16xf32, #tpu.memory_space<hbm>>) dst(%dma_wait3A_10 : memref<640x16xf32, #tpu.memory_space<vmem_shared>>)
      tpu.yield
    }) : () -> ()
    "tpu.region"() ({
      %run_scoped3A = tpu.sem_alloc : memref<!tpu.dma_semaphore, #tpu.memory_space<semaphore_mem>>
      %dma_start3A = arith.constant 0 : i32
      %dma_start3A_7 = tpu.memref_slice %arg11[%mul3A_0, %dma_start3A] : memref<10240x16xf32, #tpu.memory_space<vmem_shared>> -> memref<640x16xf32, #tpu.memory_space<vmem_shared>>
      %dma_start3A_8 = arith.constant 0 : i32
      %dma_start3A_9 = tpu.memref_slice %arg2[%mul3A_0, %dma_start3A_8] : memref<10240x16xf32, #tpu.memory_space<hbm>> -> memref<640x16xf32, #tpu.memory_space<hbm>>
      tpu.enqueue_dma source(%dma_start3A_9 : memref<640x16xf32, #tpu.memory_space<hbm>>) target(%dma_start3A_7 : memref<640x16xf32, #tpu.memory_space<vmem_shared>>) target_semaphore(%run_scoped3A : memref<!tpu.dma_semaphore, #tpu.memory_space<semaphore_mem>>)
      %dma_wait3A = arith.constant 0 : i32
      %dma_wait3A_10 = tpu.memref_slice %arg11[%mul3A_0, %dma_wait3A] : memref<10240x16xf32, #tpu.memory_space<vmem_shared>> -> memref<640x16xf32, #tpu.memory_space<vmem_shared>>
      %dma_wait3A_11 = arith.constant 0 : i32
      %dma_wait3A_12 = tpu.memref_slice %arg2[%mul3A_0, %dma_wait3A_11] : memref<10240x16xf32, #tpu.memory_space<hbm>> -> memref<640x16xf32, #tpu.memory_space<hbm>>
      tpu.wait_dma2 semaphore(%run_scoped3A : memref<!tpu.dma_semaphore, #tpu.memory_space<semaphore_mem>>) src(%dma_wait3A_12 : memref<640x16xf32, #tpu.memory_space<hbm>>) dst(%dma_wait3A_10 : memref<640x16xf32, #tpu.memory_space<vmem_shared>>)
      tpu.yield
    }) : () -> ()
    "tpu.region"() ({
      %run_scoped3A = tpu.sem_alloc : memref<!tpu.dma_semaphore, #tpu.memory_space<semaphore_mem>>
      %dma_start3A = arith.constant 0 : i32
      %dma_start3A_7 = arith.constant 0 : i32
      %dma_start3A_8 = tpu.memref_slice %arg3[%arg0, %arg1, %dma_start3A, %dma_start3A_7] : memref<2x16x40x128xi32, #tpu.memory_space<hbm>> -> memref<1x1x40x128xi32, #tpu.memory_space<hbm>>
      %dma_start3A_9 = tpu.memref_squeeze %dma_start3A_8 : memref<1x1x40x128xi32, #tpu.memory_space<hbm>> -> memref<40x128xi32, #tpu.memory_space<hbm>>
      %dma_start3A_10 = arith.constant 0 : i32
      %dma_start3A_11 = arith.constant 0 : i32
      %dma_start3A_12 = tpu.memref_slice %arg3[%arg0, %arg1, %dma_start3A_10, %dma_start3A_11] : memref<2x16x40x128xi32, #tpu.memory_space<hbm>> -> memref<1x1x40x128xi32, #tpu.memory_space<hbm>>
      %dma_start3A_13 = tpu.memref_squeeze %dma_start3A_12 : memref<1x1x40x128xi32, #tpu.memory_space<hbm>> -> memref<40x128xi32, #tpu.memory_space<hbm>>
      tpu.enqueue_dma source(%dma_start3A_13 : memref<40x128xi32, #tpu.memory_space<hbm>>) target(%arg7 : memref<40x128xi32, #tpu.memory_space<vmem>>) target_semaphore(%run_scoped3A : memref<!tpu.dma_semaphore, #tpu.memory_space<semaphore_mem>>)
      %dma_wait3A = arith.constant 0 : i32
      %dma_wait3A_14 = arith.constant 0 : i32
      %dma_wait3A_15 = tpu.memref_slice %arg3[%arg0, %arg1, %dma_wait3A, %dma_wait3A_14] : memref<2x16x40x128xi32, #tpu.memory_space<hbm>> -> memref<1x1x40x128xi32, #tpu.memory_space<hbm>>
      %dma_wait3A_16 = tpu.memref_squeeze %dma_wait3A_15 : memref<1x1x40x128xi32, #tpu.memory_space<hbm>> -> memref<40x128xi32, #tpu.memory_space<hbm>>
      %dma_wait3A_17 = arith.constant 0 : i32
      %dma_wait3A_18 = arith.constant 0 : i32
      %dma_wait3A_19 = tpu.memref_slice %arg3[%arg0, %arg1, %dma_wait3A_17, %dma_wait3A_18] : memref<2x16x40x128xi32, #tpu.memory_space<hbm>> -> memref<1x1x40x128xi32, #tpu.memory_space<hbm>>
      %dma_wait3A_20 = tpu.memref_squeeze %dma_wait3A_19 : memref<1x1x40x128xi32, #tpu.memory_space<hbm>> -> memref<40x128xi32, #tpu.memory_space<hbm>>
      tpu.wait_dma2 semaphore(%run_scoped3A : memref<!tpu.dma_semaphore, #tpu.memory_space<semaphore_mem>>) src(%dma_wait3A_20 : memref<40x128xi32, #tpu.memory_space<hbm>>) dst(%arg7 : memref<40x128xi32, #tpu.memory_space<vmem>>)
      tpu.yield
    }) : () -> ()
    "tpu.region"() ({
      %run_scoped3A = tpu.sem_alloc : memref<!tpu.dma_semaphore, #tpu.memory_space<semaphore_mem>>
      %dma_start3A = arith.constant 0 : i32
      %dma_start3A_7 = arith.constant 0 : i32
      %dma_start3A_8 = tpu.memref_slice %arg4[%arg0, %arg1, %dma_start3A, %dma_start3A_7] : memref<2x16x40x128xi32, #tpu.memory_space<hbm>> -> memref<1x1x40x128xi32, #tpu.memory_space<hbm>>
      %dma_start3A_9 = tpu.memref_squeeze %dma_start3A_8 : memref<1x1x40x128xi32, #tpu.memory_space<hbm>> -> memref<40x128xi32, #tpu.memory_space<hbm>>
      %dma_start3A_10 = arith.constant 0 : i32
      %dma_start3A_11 = arith.constant 0 : i32
      %dma_start3A_12 = tpu.memref_slice %arg4[%arg0, %arg1, %dma_start3A_10, %dma_start3A_11] : memref<2x16x40x128xi32, #tpu.memory_space<hbm>> -> memref<1x1x40x128xi32, #tpu.memory_space<hbm>>
      %dma_start3A_13 = tpu.memref_squeeze %dma_start3A_12 : memref<1x1x40x128xi32, #tpu.memory_space<hbm>> -> memref<40x128xi32, #tpu.memory_space<hbm>>
      tpu.enqueue_dma source(%dma_start3A_13 : memref<40x128xi32, #tpu.memory_space<hbm>>) target(%arg8 : memref<40x128xi32, #tpu.memory_space<vmem>>) target_semaphore(%run_scoped3A : memref<!tpu.dma_semaphore, #tpu.memory_space<semaphore_mem>>)
      %dma_wait3A = arith.constant 0 : i32
      %dma_wait3A_14 = arith.constant 0 : i32
      %dma_wait3A_15 = tpu.memref_slice %arg4[%arg0, %arg1, %dma_wait3A, %dma_wait3A_14] : memref<2x16x40x128xi32, #tpu.memory_space<hbm>> -> memref<1x1x40x128xi32, #tpu.memory_space<hbm>>
      %dma_wait3A_16 = tpu.memref_squeeze %dma_wait3A_15 : memref<1x1x40x128xi32, #tpu.memory_space<hbm>> -> memref<40x128xi32, #tpu.memory_space<hbm>>
      %dma_wait3A_17 = arith.constant 0 : i32
      %dma_wait3A_18 = arith.constant 0 : i32
      %dma_wait3A_19 = tpu.memref_slice %arg4[%arg0, %arg1, %dma_wait3A_17, %dma_wait3A_18] : memref<2x16x40x128xi32, #tpu.memory_space<hbm>> -> memref<1x1x40x128xi32, #tpu.memory_space<hbm>>
      %dma_wait3A_20 = tpu.memref_squeeze %dma_wait3A_19 : memref<1x1x40x128xi32, #tpu.memory_space<hbm>> -> memref<40x128xi32, #tpu.memory_space<hbm>>
      tpu.wait_dma2 semaphore(%run_scoped3A : memref<!tpu.dma_semaphore, #tpu.memory_space<semaphore_mem>>) src(%dma_wait3A_20 : memref<40x128xi32, #tpu.memory_space<hbm>>) dst(%arg8 : memref<40x128xi32, #tpu.memory_space<vmem>>)
      tpu.yield
    }) : () -> ()
    %barrier3A = arith.constant 0 : index
    tpu.barrier barrier_id(%barrier3A)
    %scan3A = arith.constant 0 : i32
    %scan3A_1 = arith.constant 0 : i32
    %scan3A_2 = arith.constant 40 : i32
    %scan3A_3 = arith.addi %scan3A_1, %scan3A_2 : i32
    %scan3A_4 = arith.constant 1 : i32
    scf.for %scan3A_7 = %scan3A_1 to %scan3A_3 step %scan3A_4  : i32 {
      %dma_start3A = arith.constant 0 : i32
      %dma_start3A_8 = tpu.memref_slice %arg7[%scan3A_7, %dma_start3A] : memref<40x128xi32, #tpu.memory_space<vmem>> -> memref<1x128xi32, #tpu.memory_space<vmem>>
      %dma_start3A_9 = tpu.memref_squeeze %dma_start3A_8 : memref<1x128xi32, #tpu.memory_space<vmem>> -> memref<128xi32, #tpu.memory_space<vmem>>
      %dma_start3A_10 = arith.constant 0 : i32
      %dma_start3A_11 = arith.constant 0 : i32
      %dma_start3A_12 = tpu.memref_slice %arg11[%dma_start3A_10, %dma_start3A_11] : memref<10240x16xf32, #tpu.memory_space<vmem_shared>> -> memref<10240x16xf32, #tpu.memory_space<vmem_shared>>
      tpu.enqueue_indirect_dma source(%dma_start3A_12 : memref<10240x16xf32, #tpu.memory_space<vmem_shared>>) target(%arg9 : memref<128x16xf32, #tpu.memory_space<vmem>>) offsets(%dma_start3A_9 : memref<128xi32, #tpu.memory_space<vmem>>) semaphore(%arg12 : memref<!tpu.dma_semaphore, #tpu.memory_space<semaphore_mem>>)
      %dma_wait3A = arith.constant 0 : i32
      %dma_wait3A_13 = tpu.memref_slice %arg7[%scan3A_7, %dma_wait3A] : memref<40x128xi32, #tpu.memory_space<vmem>> -> memref<1x128xi32, #tpu.memory_space<vmem>>
      %dma_wait3A_14 = tpu.memref_squeeze %dma_wait3A_13 : memref<1x128xi32, #tpu.memory_space<vmem>> -> memref<128xi32, #tpu.memory_space<vmem>>
      %dma_wait3A_15 = arith.constant 0 : i32
      %dma_wait3A_16 = arith.constant 0 : i32
      %dma_wait3A_17 = tpu.memref_slice %arg11[%dma_wait3A_15, %dma_wait3A_16] : memref<10240x16xf32, #tpu.memory_space<vmem_shared>> -> memref<10240x16xf32, #tpu.memory_space<vmem_shared>>
      tpu.wait_indirect_dma semaphore(%arg12 : memref<!tpu.dma_semaphore, #tpu.memory_space<semaphore_mem>>) src(%dma_wait3A_17 : memref<10240x16xf32, #tpu.memory_space<vmem_shared>>) dst(%arg9 : memref<128x16xf32, #tpu.memory_space<vmem>>)
      "tpu.region"() ({
        %run_scoped3A = tpu.sem_alloc : memref<!tpu.dma_semaphore, #tpu.memory_space<semaphore_mem>>
        %dma_start3A_18 = arith.constant 0 : i32
        %dma_start3A_19 = tpu.memref_slice %arg8[%scan3A_7, %dma_start3A_18] : memref<40x128xi32, #tpu.memory_space<vmem>> -> memref<1x128xi32, #tpu.memory_space<vmem>>
        %dma_start3A_20 = tpu.memref_squeeze %dma_start3A_19 : memref<1x128xi32, #tpu.memory_space<vmem>> -> memref<128xi32, #tpu.memory_space<vmem>>
        %dma_start3A_21 = arith.constant 0 : i32
        %dma_start3A_22 = arith.constant 0 : i32
        %dma_start3A_23 = tpu.memref_slice %arg10[%dma_start3A_21, %dma_start3A_22] : memref<10240x16xf32, #tpu.memory_space<vmem_shared>> -> memref<10240x16xf32, #tpu.memory_space<vmem_shared>>
        tpu.enqueue_indirect_dma source(%arg9 : memref<128x16xf32, #tpu.memory_space<vmem>>) target(%dma_start3A_23 : memref<10240x16xf32, #tpu.memory_space<vmem_shared>>) offsets(%dma_start3A_20 : memref<128xi32, #tpu.memory_space<vmem>>) semaphore(%run_scoped3A : memref<!tpu.dma_semaphore, #tpu.memory_space<semaphore_mem>>) {add = true}
        %dma_wait3A_24 = arith.constant 0 : i32
        %dma_wait3A_25 = tpu.memref_slice %arg8[%scan3A_7, %dma_wait3A_24] : memref<40x128xi32, #tpu.memory_space<vmem>> -> memref<1x128xi32, #tpu.memory_space<vmem>>
        %dma_wait3A_26 = tpu.memref_squeeze %dma_wait3A_25 : memref<1x128xi32, #tpu.memory_space<vmem>> -> memref<128xi32, #tpu.memory_space<vmem>>
        %dma_wait3A_27 = arith.constant 0 : i32
        %dma_wait3A_28 = arith.constant 0 : i32
        %dma_wait3A_29 = tpu.memref_slice %arg10[%dma_wait3A_27, %dma_wait3A_28] : memref<10240x16xf32, #tpu.memory_space<vmem_shared>> -> memref<10240x16xf32, #tpu.memory_space<vmem_shared>>
        tpu.wait_indirect_dma semaphore(%run_scoped3A : memref<!tpu.dma_semaphore, #tpu.memory_space<semaphore_mem>>) src(%arg9 : memref<128x16xf32, #tpu.memory_space<vmem>>) dst(%dma_wait3A_29 : memref<10240x16xf32, #tpu.memory_space<vmem_shared>>)
        tpu.yield
      }) : () -> ()
    }
    %scan3A_5 = arith.constant 40 : i32
    %barrier3A_6 = arith.constant 0 : index
    tpu.barrier barrier_id(%barrier3A_6)
    "tpu.region"() ({
      %run_scoped3A = tpu.sem_alloc : memref<!tpu.dma_semaphore, #tpu.memory_space<semaphore_mem>>
      %dma_start3A = arith.constant 0 : i32
      %dma_start3A_7 = tpu.memref_slice %arg6[%arg0, %mul3A_0, %dma_start3A] : memref<2x10240x16xf32, #tpu.memory_space<hbm>> -> memref<1x640x16xf32, #tpu.memory_space<hbm>>
      %dma_start3A_8 = tpu.memref_squeeze %dma_start3A_7 : memref<1x640x16xf32, #tpu.memory_space<hbm>> -> memref<640x16xf32, #tpu.memory_space<hbm>>
      %dma_start3A_9 = arith.constant 0 : i32
      %dma_start3A_10 = tpu.memref_slice %arg10[%mul3A_0, %dma_start3A_9] : memref<10240x16xf32, #tpu.memory_space<vmem_shared>> -> memref<640x16xf32, #tpu.memory_space<vmem_shared>>
      tpu.enqueue_dma source(%dma_start3A_10 : memref<640x16xf32, #tpu.memory_space<vmem_shared>>) target(%dma_start3A_8 : memref<640x16xf32, #tpu.memory_space<hbm>>) target_semaphore(%run_scoped3A : memref<!tpu.dma_semaphore, #tpu.memory_space<semaphore_mem>>)
      %dma_wait3A = arith.constant 0 : i32
      %dma_wait3A_11 = tpu.memref_slice %arg6[%arg0, %mul3A_0, %dma_wait3A] : memref<2x10240x16xf32, #tpu.memory_space<hbm>> -> memref<1x640x16xf32, #tpu.memory_space<hbm>>
      %dma_wait3A_12 = tpu.memref_squeeze %dma_wait3A_11 : memref<1x640x16xf32, #tpu.memory_space<hbm>> -> memref<640x16xf32, #tpu.memory_space<hbm>>
      %dma_wait3A_13 = arith.constant 0 : i32
      %dma_wait3A_14 = tpu.memref_slice %arg10[%mul3A_0, %dma_wait3A_13] : memref<10240x16xf32, #tpu.memory_space<vmem_shared>> -> memref<640x16xf32, #tpu.memory_space<vmem_shared>>
      tpu.wait_dma2 semaphore(%run_scoped3A : memref<!tpu.dma_semaphore, #tpu.memory_space<semaphore_mem>>) src(%dma_wait3A_14 : memref<640x16xf32, #tpu.memory_space<vmem_shared>>) dst(%dma_wait3A_12 : memref<640x16xf32, #tpu.memory_space<hbm>>)
      tpu.yield
    }) : () -> ()
    return
  }
}

#map = affine_map<(d0, d1) -> (0, 0)>
#map1 = affine_map<(d0, d1) -> (0, 0, 0, 0)>
#map2 = affine_map<(d0, d1) -> (0, 0, 0)>
module attributes {stable_mosaic.version = 14 : i64} {
  func.func @_sc_c_body(%arg0: i32, %arg1: i32, %arg2: memref<20480x128xf32, #tpu.memory_space<hbm>>, %arg3: memref<2x16x80x128xi32, #tpu.memory_space<hbm>>, %arg4: memref<16x80x128xi32, #tpu.memory_space<hbm>>, %arg5: memref<10240x128xf32, #tpu.memory_space<hbm>>, %arg6: memref<2x10240x128xf32, #tpu.memory_space<hbm>>, %arg7: memref<40x128xi32, #tpu.memory_space<vmem>>, %arg8: memref<40x128xi32, #tpu.memory_space<vmem>>, %arg9: memref<2x128x128xf32, #tpu.memory_space<vmem>>, %arg10: memref<10240x128xf32, #tpu.memory_space<vmem_shared>>, %arg11: memref<!tpu.dma_semaphore, #tpu.memory_space<semaphore_mem>>, %arg12: memref<!tpu.dma_semaphore, #tpu.memory_space<semaphore_mem>>) attributes {dimension_semantics = [#tpu.dimension_semantics<core_parallel>, #tpu.dimension_semantics<subcore_parallel>], iteration_bounds = array<i64: 2, 16>, scalar_prefetch = 0 : i64, scratch_operands = 6 : i64, tpu.core_type = #tpu.core_type<sc_vector_subcore>, window_params = [{transform_indices = #map}, {transform_indices = #map1}, {transform_indices = #map2}, {transform_indices = #map}, {transform_indices = #map2}]} {
    %mul3A = arith.constant 640 : i32
    %mul3A_0 = arith.muli %arg1, %mul3A : i32
    "tpu.region"() ({
      %run_scoped3A = tpu.sem_alloc : memref<!tpu.dma_semaphore, #tpu.memory_space<semaphore_mem>>
      %dma_start3A = arith.constant 0 : i32
      %dma_start3A_13 = tpu.memref_slice %arg10[%mul3A_0, %dma_start3A] : memref<10240x128xf32, #tpu.memory_space<vmem_shared>> -> memref<640x128xf32, #tpu.memory_space<vmem_shared>>
      %dma_start3A_14 = arith.constant 0 : i32
      %dma_start3A_15 = tpu.memref_slice %arg5[%mul3A_0, %dma_start3A_14] : memref<10240x128xf32, #tpu.memory_space<hbm>> -> memref<640x128xf32, #tpu.memory_space<hbm>>
      tpu.enqueue_dma source(%dma_start3A_15 : memref<640x128xf32, #tpu.memory_space<hbm>>) target(%dma_start3A_13 : memref<640x128xf32, #tpu.memory_space<vmem_shared>>) target_semaphore(%run_scoped3A : memref<!tpu.dma_semaphore, #tpu.memory_space<semaphore_mem>>)
      %dma_wait3A = arith.constant 0 : i32
      %dma_wait3A_16 = tpu.memref_slice %arg10[%mul3A_0, %dma_wait3A] : memref<10240x128xf32, #tpu.memory_space<vmem_shared>> -> memref<640x128xf32, #tpu.memory_space<vmem_shared>>
      %dma_wait3A_17 = arith.constant 0 : i32
      %dma_wait3A_18 = tpu.memref_slice %arg5[%mul3A_0, %dma_wait3A_17] : memref<10240x128xf32, #tpu.memory_space<hbm>> -> memref<640x128xf32, #tpu.memory_space<hbm>>
      tpu.wait_dma2 semaphore(%run_scoped3A : memref<!tpu.dma_semaphore, #tpu.memory_space<semaphore_mem>>) src(%dma_wait3A_18 : memref<640x128xf32, #tpu.memory_space<hbm>>) dst(%dma_wait3A_16 : memref<640x128xf32, #tpu.memory_space<vmem_shared>>)
      tpu.yield
    }) : () -> ()
    %barrier3A = arith.constant 0 : index
    tpu.barrier barrier_id(%barrier3A)
    "tpu.region"() ({
      %run_scoped3A = tpu.sem_alloc : memref<!tpu.dma_semaphore, #tpu.memory_space<semaphore_mem>>
      %dma_start3A = arith.constant 0 : i32
      %dma_start3A_13 = arith.constant 0 : i32
      %dma_start3A_14 = tpu.memref_slice %arg3[%arg0, %arg1, %dma_start3A, %dma_start3A_13] : memref<2x16x80x128xi32, #tpu.memory_space<hbm>> -> memref<1x1x40x128xi32, #tpu.memory_space<hbm>>
      %dma_start3A_15 = tpu.memref_squeeze %dma_start3A_14 : memref<1x1x40x128xi32, #tpu.memory_space<hbm>> -> memref<40x128xi32, #tpu.memory_space<hbm>>
      %dma_start3A_16 = arith.constant 0 : i32
      %dma_start3A_17 = arith.constant 0 : i32
      %dma_start3A_18 = tpu.memref_slice %arg3[%arg0, %arg1, %dma_start3A_16, %dma_start3A_17] : memref<2x16x80x128xi32, #tpu.memory_space<hbm>> -> memref<1x1x40x128xi32, #tpu.memory_space<hbm>>
      %dma_start3A_19 = tpu.memref_squeeze %dma_start3A_18 : memref<1x1x40x128xi32, #tpu.memory_space<hbm>> -> memref<40x128xi32, #tpu.memory_space<hbm>>
      tpu.enqueue_dma source(%dma_start3A_19 : memref<40x128xi32, #tpu.memory_space<hbm>>) target(%arg7 : memref<40x128xi32, #tpu.memory_space<vmem>>) target_semaphore(%run_scoped3A : memref<!tpu.dma_semaphore, #tpu.memory_space<semaphore_mem>>)
      %dma_wait3A = arith.constant 0 : i32
      %dma_wait3A_20 = arith.constant 0 : i32
      %dma_wait3A_21 = tpu.memref_slice %arg3[%arg0, %arg1, %dma_wait3A, %dma_wait3A_20] : memref<2x16x80x128xi32, #tpu.memory_space<hbm>> -> memref<1x1x40x128xi32, #tpu.memory_space<hbm>>
      %dma_wait3A_22 = tpu.memref_squeeze %dma_wait3A_21 : memref<1x1x40x128xi32, #tpu.memory_space<hbm>> -> memref<40x128xi32, #tpu.memory_space<hbm>>
      %dma_wait3A_23 = arith.constant 0 : i32
      %dma_wait3A_24 = arith.constant 0 : i32
      %dma_wait3A_25 = tpu.memref_slice %arg3[%arg0, %arg1, %dma_wait3A_23, %dma_wait3A_24] : memref<2x16x80x128xi32, #tpu.memory_space<hbm>> -> memref<1x1x40x128xi32, #tpu.memory_space<hbm>>
      %dma_wait3A_26 = tpu.memref_squeeze %dma_wait3A_25 : memref<1x1x40x128xi32, #tpu.memory_space<hbm>> -> memref<40x128xi32, #tpu.memory_space<hbm>>
      tpu.wait_dma2 semaphore(%run_scoped3A : memref<!tpu.dma_semaphore, #tpu.memory_space<semaphore_mem>>) src(%dma_wait3A_26 : memref<40x128xi32, #tpu.memory_space<hbm>>) dst(%arg7 : memref<40x128xi32, #tpu.memory_space<vmem>>)
      tpu.yield
    }) : () -> ()
    "tpu.region"() ({
      %run_scoped3A = tpu.sem_alloc : memref<!tpu.dma_semaphore, #tpu.memory_space<semaphore_mem>>
      %dma_start3A = arith.constant 0 : i32
      %dma_start3A_13 = arith.constant 0 : i32
      %dma_start3A_14 = tpu.memref_slice %arg4[%arg1, %dma_start3A, %dma_start3A_13] : memref<16x80x128xi32, #tpu.memory_space<hbm>> -> memref<1x40x128xi32, #tpu.memory_space<hbm>>
      %dma_start3A_15 = tpu.memref_squeeze %dma_start3A_14 : memref<1x40x128xi32, #tpu.memory_space<hbm>> -> memref<40x128xi32, #tpu.memory_space<hbm>>
      %dma_start3A_16 = arith.constant 0 : i32
      %dma_start3A_17 = arith.constant 0 : i32
      %dma_start3A_18 = tpu.memref_slice %arg4[%arg1, %dma_start3A_16, %dma_start3A_17] : memref<16x80x128xi32, #tpu.memory_space<hbm>> -> memref<1x40x128xi32, #tpu.memory_space<hbm>>
      %dma_start3A_19 = tpu.memref_squeeze %dma_start3A_18 : memref<1x40x128xi32, #tpu.memory_space<hbm>> -> memref<40x128xi32, #tpu.memory_space<hbm>>
      tpu.enqueue_dma source(%dma_start3A_19 : memref<40x128xi32, #tpu.memory_space<hbm>>) target(%arg8 : memref<40x128xi32, #tpu.memory_space<vmem>>) target_semaphore(%run_scoped3A : memref<!tpu.dma_semaphore, #tpu.memory_space<semaphore_mem>>)
      %dma_wait3A = arith.constant 0 : i32
      %dma_wait3A_20 = arith.constant 0 : i32
      %dma_wait3A_21 = tpu.memref_slice %arg4[%arg1, %dma_wait3A, %dma_wait3A_20] : memref<16x80x128xi32, #tpu.memory_space<hbm>> -> memref<1x40x128xi32, #tpu.memory_space<hbm>>
      %dma_wait3A_22 = tpu.memref_squeeze %dma_wait3A_21 : memref<1x40x128xi32, #tpu.memory_space<hbm>> -> memref<40x128xi32, #tpu.memory_space<hbm>>
      %dma_wait3A_23 = arith.constant 0 : i32
      %dma_wait3A_24 = arith.constant 0 : i32
      %dma_wait3A_25 = tpu.memref_slice %arg4[%arg1, %dma_wait3A_23, %dma_wait3A_24] : memref<16x80x128xi32, #tpu.memory_space<hbm>> -> memref<1x40x128xi32, #tpu.memory_space<hbm>>
      %dma_wait3A_26 = tpu.memref_squeeze %dma_wait3A_25 : memref<1x40x128xi32, #tpu.memory_space<hbm>> -> memref<40x128xi32, #tpu.memory_space<hbm>>
      tpu.wait_dma2 semaphore(%run_scoped3A : memref<!tpu.dma_semaphore, #tpu.memory_space<semaphore_mem>>) src(%dma_wait3A_26 : memref<40x128xi32, #tpu.memory_space<hbm>>) dst(%arg8 : memref<40x128xi32, #tpu.memory_space<vmem>>)
      tpu.yield
    }) : () -> ()
    %scan3A = arith.constant 0 : i32
    %scan3A_1 = arith.constant 0 : i32
    %scan3A_2 = arith.constant 40 : i32
    %scan3A_3 = arith.addi %scan3A_1, %scan3A_2 : i32
    %scan3A_4 = arith.constant 1 : i32
    scf.for %scan3A_13 = %scan3A_1 to %scan3A_3 step %scan3A_4  : i32 {
      %dma_start3A = arith.constant 0 : i32
      %dma_start3A_14 = arith.constant 0 : i32
      %dma_start3A_15 = arith.constant 0 : i32
      %dma_start3A_16 = tpu.memref_slice %arg9[%dma_start3A, %dma_start3A_14, %dma_start3A_15] : memref<2x128x128xf32, #tpu.memory_space<vmem>> -> memref<1x128x128xf32, #tpu.memory_space<vmem>>
      %dma_start3A_17 = tpu.memref_squeeze %dma_start3A_16 : memref<1x128x128xf32, #tpu.memory_space<vmem>> -> memref<128x128xf32, #tpu.memory_space<vmem>>
      %dma_start3A_18 = arith.constant 0 : i32
      %dma_start3A_19 = tpu.memref_slice %arg7[%scan3A_13, %dma_start3A_18] : memref<40x128xi32, #tpu.memory_space<vmem>> -> memref<1x128xi32, #tpu.memory_space<vmem>>
      %dma_start3A_20 = tpu.memref_squeeze %dma_start3A_19 : memref<1x128xi32, #tpu.memory_space<vmem>> -> memref<128xi32, #tpu.memory_space<vmem>>
      %dma_start3A_21 = arith.constant 0 : i32
      %dma_start3A_22 = arith.constant 0 : i32
      %dma_start3A_23 = tpu.memref_slice %arg2[%dma_start3A_21, %dma_start3A_22] : memref<20480x128xf32, #tpu.memory_space<hbm>> -> memref<20480x128xf32, #tpu.memory_space<hbm>>
      tpu.enqueue_indirect_dma source(%dma_start3A_23 : memref<20480x128xf32, #tpu.memory_space<hbm>>) target(%dma_start3A_17 : memref<128x128xf32, #tpu.memory_space<vmem>>) offsets(%dma_start3A_20 : memref<128xi32, #tpu.memory_space<vmem>>) semaphore(%arg11 : memref<!tpu.dma_semaphore, #tpu.memory_space<semaphore_mem>>)
      %dma_wait3A = arith.constant 0 : i32
      %dma_wait3A_24 = arith.constant 0 : i32
      %dma_wait3A_25 = arith.constant 0 : i32
      %dma_wait3A_26 = tpu.memref_slice %arg9[%dma_wait3A, %dma_wait3A_24, %dma_wait3A_25] : memref<2x128x128xf32, #tpu.memory_space<vmem>> -> memref<1x128x128xf32, #tpu.memory_space<vmem>>
      %dma_wait3A_27 = tpu.memref_squeeze %dma_wait3A_26 : memref<1x128x128xf32, #tpu.memory_space<vmem>> -> memref<128x128xf32, #tpu.memory_space<vmem>>
      %dma_wait3A_28 = arith.constant 0 : i32
      %dma_wait3A_29 = tpu.memref_slice %arg7[%scan3A_13, %dma_wait3A_28] : memref<40x128xi32, #tpu.memory_space<vmem>> -> memref<1x128xi32, #tpu.memory_space<vmem>>
      %dma_wait3A_30 = tpu.memref_squeeze %dma_wait3A_29 : memref<1x128xi32, #tpu.memory_space<vmem>> -> memref<128xi32, #tpu.memory_space<vmem>>
      %dma_wait3A_31 = arith.constant 0 : i32
      %dma_wait3A_32 = arith.constant 0 : i32
      %dma_wait3A_33 = tpu.memref_slice %arg2[%dma_wait3A_31, %dma_wait3A_32] : memref<20480x128xf32, #tpu.memory_space<hbm>> -> memref<20480x128xf32, #tpu.memory_space<hbm>>
      tpu.wait_indirect_dma semaphore(%arg11 : memref<!tpu.dma_semaphore, #tpu.memory_space<semaphore_mem>>) src(%dma_wait3A_33 : memref<20480x128xf32, #tpu.memory_space<hbm>>) dst(%dma_wait3A_27 : memref<128x128xf32, #tpu.memory_space<vmem>>)
      %run_scoped3A = arith.constant 0 : i32
      "tpu.region"() ({
        %run_scoped3A_34 = tpu.sem_alloc : memref<!tpu.dma_semaphore, #tpu.memory_space<semaphore_mem>>
        %dma_start3A_35 = arith.constant 0 : i32
        %dma_start3A_36 = arith.constant 0 : i32
        %dma_start3A_37 = tpu.memref_slice %arg9[%run_scoped3A, %dma_start3A_35, %dma_start3A_36] : memref<2x128x128xf32, #tpu.memory_space<vmem>> -> memref<1x128x128xf32, #tpu.memory_space<vmem>>
        %dma_start3A_38 = tpu.memref_squeeze %dma_start3A_37 : memref<1x128x128xf32, #tpu.memory_space<vmem>> -> memref<128x128xf32, #tpu.memory_space<vmem>>
        %dma_start3A_39 = arith.constant 0 : i32
        %dma_start3A_40 = tpu.memref_slice %arg8[%scan3A_13, %dma_start3A_39] : memref<40x128xi32, #tpu.memory_space<vmem>> -> memref<1x128xi32, #tpu.memory_space<vmem>>
        %dma_start3A_41 = tpu.memref_squeeze %dma_start3A_40 : memref<1x128xi32, #tpu.memory_space<vmem>> -> memref<128xi32, #tpu.memory_space<vmem>>
        %dma_start3A_42 = arith.constant 0 : i32
        %dma_start3A_43 = arith.constant 0 : i32
        %dma_start3A_44 = tpu.memref_slice %arg10[%dma_start3A_42, %dma_start3A_43] : memref<10240x128xf32, #tpu.memory_space<vmem_shared>> -> memref<10240x128xf32, #tpu.memory_space<vmem_shared>>
        tpu.enqueue_indirect_dma source(%dma_start3A_38 : memref<128x128xf32, #tpu.memory_space<vmem>>) target(%dma_start3A_44 : memref<10240x128xf32, #tpu.memory_space<vmem_shared>>) offsets(%dma_start3A_41 : memref<128xi32, #tpu.memory_space<vmem>>) semaphore(%run_scoped3A_34 : memref<!tpu.dma_semaphore, #tpu.memory_space<semaphore_mem>>) {add = true}
        %dma_wait3A_45 = arith.constant 0 : i32
        %dma_wait3A_46 = arith.constant 0 : i32
        %dma_wait3A_47 = tpu.memref_slice %arg9[%run_scoped3A, %dma_wait3A_45, %dma_wait3A_46] : memref<2x128x128xf32, #tpu.memory_space<vmem>> -> memref<1x128x128xf32, #tpu.memory_space<vmem>>
        %dma_wait3A_48 = tpu.memref_squeeze %dma_wait3A_47 : memref<1x128x128xf32, #tpu.memory_space<vmem>> -> memref<128x128xf32, #tpu.memory_space<vmem>>
        %dma_wait3A_49 = arith.constant 0 : i32
        %dma_wait3A_50 = tpu.memref_slice %arg8[%scan3A_13, %dma_wait3A_49] : memref<40x128xi32, #tpu.memory_space<vmem>> -> memref<1x128xi32, #tpu.memory_space<vmem>>
        %dma_wait3A_51 = tpu.memref_squeeze %dma_wait3A_50 : memref<1x128xi32, #tpu.memory_space<vmem>> -> memref<128xi32, #tpu.memory_space<vmem>>
        %dma_wait3A_52 = arith.constant 0 : i32
        %dma_wait3A_53 = arith.constant 0 : i32
        %dma_wait3A_54 = tpu.memref_slice %arg10[%dma_wait3A_52, %dma_wait3A_53] : memref<10240x128xf32, #tpu.memory_space<vmem_shared>> -> memref<10240x128xf32, #tpu.memory_space<vmem_shared>>
        tpu.wait_indirect_dma semaphore(%run_scoped3A_34 : memref<!tpu.dma_semaphore, #tpu.memory_space<semaphore_mem>>) src(%dma_wait3A_48 : memref<128x128xf32, #tpu.memory_space<vmem>>) dst(%dma_wait3A_54 : memref<10240x128xf32, #tpu.memory_space<vmem_shared>>)
        tpu.yield
      }) : () -> ()
    }
    %scan3A_5 = arith.constant 40 : i32
    "tpu.region"() ({
      %run_scoped3A = tpu.sem_alloc : memref<!tpu.dma_semaphore, #tpu.memory_space<semaphore_mem>>
      %dma_start3A = arith.constant 40 : i32
      %dma_start3A_13 = arith.constant 0 : i32
      %dma_start3A_14 = tpu.memref_slice %arg3[%arg0, %arg1, %dma_start3A, %dma_start3A_13] : memref<2x16x80x128xi32, #tpu.memory_space<hbm>> -> memref<1x1x40x128xi32, #tpu.memory_space<hbm>>
      %dma_start3A_15 = tpu.memref_squeeze %dma_start3A_14 : memref<1x1x40x128xi32, #tpu.memory_space<hbm>> -> memref<40x128xi32, #tpu.memory_space<hbm>>
      %dma_start3A_16 = arith.constant 40 : i32
      %dma_start3A_17 = arith.constant 0 : i32
      %dma_start3A_18 = tpu.memref_slice %arg3[%arg0, %arg1, %dma_start3A_16, %dma_start3A_17] : memref<2x16x80x128xi32, #tpu.memory_space<hbm>> -> memref<1x1x40x128xi32, #tpu.memory_space<hbm>>
      %dma_start3A_19 = tpu.memref_squeeze %dma_start3A_18 : memref<1x1x40x128xi32, #tpu.memory_space<hbm>> -> memref<40x128xi32, #tpu.memory_space<hbm>>
      tpu.enqueue_dma source(%dma_start3A_19 : memref<40x128xi32, #tpu.memory_space<hbm>>) target(%arg7 : memref<40x128xi32, #tpu.memory_space<vmem>>) target_semaphore(%run_scoped3A : memref<!tpu.dma_semaphore, #tpu.memory_space<semaphore_mem>>)
      %dma_wait3A = arith.constant 40 : i32
      %dma_wait3A_20 = arith.constant 0 : i32
      %dma_wait3A_21 = tpu.memref_slice %arg3[%arg0, %arg1, %dma_wait3A, %dma_wait3A_20] : memref<2x16x80x128xi32, #tpu.memory_space<hbm>> -> memref<1x1x40x128xi32, #tpu.memory_space<hbm>>
      %dma_wait3A_22 = tpu.memref_squeeze %dma_wait3A_21 : memref<1x1x40x128xi32, #tpu.memory_space<hbm>> -> memref<40x128xi32, #tpu.memory_space<hbm>>
      %dma_wait3A_23 = arith.constant 40 : i32
      %dma_wait3A_24 = arith.constant 0 : i32
      %dma_wait3A_25 = tpu.memref_slice %arg3[%arg0, %arg1, %dma_wait3A_23, %dma_wait3A_24] : memref<2x16x80x128xi32, #tpu.memory_space<hbm>> -> memref<1x1x40x128xi32, #tpu.memory_space<hbm>>
      %dma_wait3A_26 = tpu.memref_squeeze %dma_wait3A_25 : memref<1x1x40x128xi32, #tpu.memory_space<hbm>> -> memref<40x128xi32, #tpu.memory_space<hbm>>
      tpu.wait_dma2 semaphore(%run_scoped3A : memref<!tpu.dma_semaphore, #tpu.memory_space<semaphore_mem>>) src(%dma_wait3A_26 : memref<40x128xi32, #tpu.memory_space<hbm>>) dst(%arg7 : memref<40x128xi32, #tpu.memory_space<vmem>>)
      tpu.yield
    }) : () -> ()
    "tpu.region"() ({
      %run_scoped3A = tpu.sem_alloc : memref<!tpu.dma_semaphore, #tpu.memory_space<semaphore_mem>>
      %dma_start3A = arith.constant 40 : i32
      %dma_start3A_13 = arith.constant 0 : i32
      %dma_start3A_14 = tpu.memref_slice %arg4[%arg1, %dma_start3A, %dma_start3A_13] : memref<16x80x128xi32, #tpu.memory_space<hbm>> -> memref<1x40x128xi32, #tpu.memory_space<hbm>>
      %dma_start3A_15 = tpu.memref_squeeze %dma_start3A_14 : memref<1x40x128xi32, #tpu.memory_space<hbm>> -> memref<40x128xi32, #tpu.memory_space<hbm>>
      %dma_start3A_16 = arith.constant 40 : i32
      %dma_start3A_17 = arith.constant 0 : i32
      %dma_start3A_18 = tpu.memref_slice %arg4[%arg1, %dma_start3A_16, %dma_start3A_17] : memref<16x80x128xi32, #tpu.memory_space<hbm>> -> memref<1x40x128xi32, #tpu.memory_space<hbm>>
      %dma_start3A_19 = tpu.memref_squeeze %dma_start3A_18 : memref<1x40x128xi32, #tpu.memory_space<hbm>> -> memref<40x128xi32, #tpu.memory_space<hbm>>
      tpu.enqueue_dma source(%dma_start3A_19 : memref<40x128xi32, #tpu.memory_space<hbm>>) target(%arg8 : memref<40x128xi32, #tpu.memory_space<vmem>>) target_semaphore(%run_scoped3A : memref<!tpu.dma_semaphore, #tpu.memory_space<semaphore_mem>>)
      %dma_wait3A = arith.constant 40 : i32
      %dma_wait3A_20 = arith.constant 0 : i32
      %dma_wait3A_21 = tpu.memref_slice %arg4[%arg1, %dma_wait3A, %dma_wait3A_20] : memref<16x80x128xi32, #tpu.memory_space<hbm>> -> memref<1x40x128xi32, #tpu.memory_space<hbm>>
      %dma_wait3A_22 = tpu.memref_squeeze %dma_wait3A_21 : memref<1x40x128xi32, #tpu.memory_space<hbm>> -> memref<40x128xi32, #tpu.memory_space<hbm>>
      %dma_wait3A_23 = arith.constant 40 : i32
      %dma_wait3A_24 = arith.constant 0 : i32
      %dma_wait3A_25 = tpu.memref_slice %arg4[%arg1, %dma_wait3A_23, %dma_wait3A_24] : memref<16x80x128xi32, #tpu.memory_space<hbm>> -> memref<1x40x128xi32, #tpu.memory_space<hbm>>
      %dma_wait3A_26 = tpu.memref_squeeze %dma_wait3A_25 : memref<1x40x128xi32, #tpu.memory_space<hbm>> -> memref<40x128xi32, #tpu.memory_space<hbm>>
      tpu.wait_dma2 semaphore(%run_scoped3A : memref<!tpu.dma_semaphore, #tpu.memory_space<semaphore_mem>>) src(%dma_wait3A_26 : memref<40x128xi32, #tpu.memory_space<hbm>>) dst(%arg8 : memref<40x128xi32, #tpu.memory_space<vmem>>)
      tpu.yield
    }) : () -> ()
    %scan3A_6 = arith.constant 0 : i32
    %scan3A_7 = arith.constant 0 : i32
    %scan3A_8 = arith.constant 40 : i32
    %scan3A_9 = arith.addi %scan3A_7, %scan3A_8 : i32
    %scan3A_10 = arith.constant 1 : i32
    scf.for %scan3A_13 = %scan3A_7 to %scan3A_9 step %scan3A_10  : i32 {
      %dma_start3A = arith.constant 0 : i32
      %dma_start3A_14 = arith.constant 0 : i32
      %dma_start3A_15 = arith.constant 0 : i32
      %dma_start3A_16 = tpu.memref_slice %arg9[%dma_start3A, %dma_start3A_14, %dma_start3A_15] : memref<2x128x128xf32, #tpu.memory_space<vmem>> -> memref<1x128x128xf32, #tpu.memory_space<vmem>>
      %dma_start3A_17 = tpu.memref_squeeze %dma_start3A_16 : memref<1x128x128xf32, #tpu.memory_space<vmem>> -> memref<128x128xf32, #tpu.memory_space<vmem>>
      %dma_start3A_18 = arith.constant 0 : i32
      %dma_start3A_19 = tpu.memref_slice %arg7[%scan3A_13, %dma_start3A_18] : memref<40x128xi32, #tpu.memory_space<vmem>> -> memref<1x128xi32, #tpu.memory_space<vmem>>
      %dma_start3A_20 = tpu.memref_squeeze %dma_start3A_19 : memref<1x128xi32, #tpu.memory_space<vmem>> -> memref<128xi32, #tpu.memory_space<vmem>>
      %dma_start3A_21 = arith.constant 0 : i32
      %dma_start3A_22 = arith.constant 0 : i32
      %dma_start3A_23 = tpu.memref_slice %arg2[%dma_start3A_21, %dma_start3A_22] : memref<20480x128xf32, #tpu.memory_space<hbm>> -> memref<20480x128xf32, #tpu.memory_space<hbm>>
      tpu.enqueue_indirect_dma source(%dma_start3A_23 : memref<20480x128xf32, #tpu.memory_space<hbm>>) target(%dma_start3A_17 : memref<128x128xf32, #tpu.memory_space<vmem>>) offsets(%dma_start3A_20 : memref<128xi32, #tpu.memory_space<vmem>>) semaphore(%arg11 : memref<!tpu.dma_semaphore, #tpu.memory_space<semaphore_mem>>)
      %dma_wait3A = arith.constant 0 : i32
      %dma_wait3A_24 = arith.constant 0 : i32
      %dma_wait3A_25 = arith.constant 0 : i32
      %dma_wait3A_26 = tpu.memref_slice %arg9[%dma_wait3A, %dma_wait3A_24, %dma_wait3A_25] : memref<2x128x128xf32, #tpu.memory_space<vmem>> -> memref<1x128x128xf32, #tpu.memory_space<vmem>>
      %dma_wait3A_27 = tpu.memref_squeeze %dma_wait3A_26 : memref<1x128x128xf32, #tpu.memory_space<vmem>> -> memref<128x128xf32, #tpu.memory_space<vmem>>
      %dma_wait3A_28 = arith.constant 0 : i32
      %dma_wait3A_29 = tpu.memref_slice %arg7[%scan3A_13, %dma_wait3A_28] : memref<40x128xi32, #tpu.memory_space<vmem>> -> memref<1x128xi32, #tpu.memory_space<vmem>>
      %dma_wait3A_30 = tpu.memref_squeeze %dma_wait3A_29 : memref<1x128xi32, #tpu.memory_space<vmem>> -> memref<128xi32, #tpu.memory_space<vmem>>
      %dma_wait3A_31 = arith.constant 0 : i32
      %dma_wait3A_32 = arith.constant 0 : i32
      %dma_wait3A_33 = tpu.memref_slice %arg2[%dma_wait3A_31, %dma_wait3A_32] : memref<20480x128xf32, #tpu.memory_space<hbm>> -> memref<20480x128xf32, #tpu.memory_space<hbm>>
      tpu.wait_indirect_dma semaphore(%arg11 : memref<!tpu.dma_semaphore, #tpu.memory_space<semaphore_mem>>) src(%dma_wait3A_33 : memref<20480x128xf32, #tpu.memory_space<hbm>>) dst(%dma_wait3A_27 : memref<128x128xf32, #tpu.memory_space<vmem>>)
      %run_scoped3A = arith.constant 0 : i32
      "tpu.region"() ({
        %run_scoped3A_34 = tpu.sem_alloc : memref<!tpu.dma_semaphore, #tpu.memory_space<semaphore_mem>>
        %dma_start3A_35 = arith.constant 0 : i32
        %dma_start3A_36 = arith.constant 0 : i32
        %dma_start3A_37 = tpu.memref_slice %arg9[%run_scoped3A, %dma_start3A_35, %dma_start3A_36] : memref<2x128x128xf32, #tpu.memory_space<vmem>> -> memref<1x128x128xf32, #tpu.memory_space<vmem>>
        %dma_start3A_38 = tpu.memref_squeeze %dma_start3A_37 : memref<1x128x128xf32, #tpu.memory_space<vmem>> -> memref<128x128xf32, #tpu.memory_space<vmem>>
        %dma_start3A_39 = arith.constant 0 : i32
        %dma_start3A_40 = tpu.memref_slice %arg8[%scan3A_13, %dma_start3A_39] : memref<40x128xi32, #tpu.memory_space<vmem>> -> memref<1x128xi32, #tpu.memory_space<vmem>>
        %dma_start3A_41 = tpu.memref_squeeze %dma_start3A_40 : memref<1x128xi32, #tpu.memory_space<vmem>> -> memref<128xi32, #tpu.memory_space<vmem>>
        %dma_start3A_42 = arith.constant 0 : i32
        %dma_start3A_43 = arith.constant 0 : i32
        %dma_start3A_44 = tpu.memref_slice %arg10[%dma_start3A_42, %dma_start3A_43] : memref<10240x128xf32, #tpu.memory_space<vmem_shared>> -> memref<10240x128xf32, #tpu.memory_space<vmem_shared>>
        tpu.enqueue_indirect_dma source(%dma_start3A_38 : memref<128x128xf32, #tpu.memory_space<vmem>>) target(%dma_start3A_44 : memref<10240x128xf32, #tpu.memory_space<vmem_shared>>) offsets(%dma_start3A_41 : memref<128xi32, #tpu.memory_space<vmem>>) semaphore(%run_scoped3A_34 : memref<!tpu.dma_semaphore, #tpu.memory_space<semaphore_mem>>) {add = true}
        %dma_wait3A_45 = arith.constant 0 : i32
        %dma_wait3A_46 = arith.constant 0 : i32
        %dma_wait3A_47 = tpu.memref_slice %arg9[%run_scoped3A, %dma_wait3A_45, %dma_wait3A_46] : memref<2x128x128xf32, #tpu.memory_space<vmem>> -> memref<1x128x128xf32, #tpu.memory_space<vmem>>
        %dma_wait3A_48 = tpu.memref_squeeze %dma_wait3A_47 : memref<1x128x128xf32, #tpu.memory_space<vmem>> -> memref<128x128xf32, #tpu.memory_space<vmem>>
        %dma_wait3A_49 = arith.constant 0 : i32
        %dma_wait3A_50 = tpu.memref_slice %arg8[%scan3A_13, %dma_wait3A_49] : memref<40x128xi32, #tpu.memory_space<vmem>> -> memref<1x128xi32, #tpu.memory_space<vmem>>
        %dma_wait3A_51 = tpu.memref_squeeze %dma_wait3A_50 : memref<1x128xi32, #tpu.memory_space<vmem>> -> memref<128xi32, #tpu.memory_space<vmem>>
        %dma_wait3A_52 = arith.constant 0 : i32
        %dma_wait3A_53 = arith.constant 0 : i32
        %dma_wait3A_54 = tpu.memref_slice %arg10[%dma_wait3A_52, %dma_wait3A_53] : memref<10240x128xf32, #tpu.memory_space<vmem_shared>> -> memref<10240x128xf32, #tpu.memory_space<vmem_shared>>
        tpu.wait_indirect_dma semaphore(%run_scoped3A_34 : memref<!tpu.dma_semaphore, #tpu.memory_space<semaphore_mem>>) src(%dma_wait3A_48 : memref<128x128xf32, #tpu.memory_space<vmem>>) dst(%dma_wait3A_54 : memref<10240x128xf32, #tpu.memory_space<vmem_shared>>)
        tpu.yield
      }) : () -> ()
    }
    %scan3A_11 = arith.constant 40 : i32
    %barrier3A_12 = arith.constant 0 : index
    tpu.barrier barrier_id(%barrier3A_12)
    "tpu.region"() ({
      %run_scoped3A = tpu.sem_alloc : memref<!tpu.dma_semaphore, #tpu.memory_space<semaphore_mem>>
      %dma_start3A = arith.constant 0 : i32
      %dma_start3A_13 = tpu.memref_slice %arg6[%arg0, %mul3A_0, %dma_start3A] : memref<2x10240x128xf32, #tpu.memory_space<hbm>> -> memref<1x640x128xf32, #tpu.memory_space<hbm>>
      %dma_start3A_14 = tpu.memref_squeeze %dma_start3A_13 : memref<1x640x128xf32, #tpu.memory_space<hbm>> -> memref<640x128xf32, #tpu.memory_space<hbm>>
      %dma_start3A_15 = arith.constant 0 : i32
      %dma_start3A_16 = tpu.memref_slice %arg10[%mul3A_0, %dma_start3A_15] : memref<10240x128xf32, #tpu.memory_space<vmem_shared>> -> memref<640x128xf32, #tpu.memory_space<vmem_shared>>
      tpu.enqueue_dma source(%dma_start3A_16 : memref<640x128xf32, #tpu.memory_space<vmem_shared>>) target(%dma_start3A_14 : memref<640x128xf32, #tpu.memory_space<hbm>>) target_semaphore(%run_scoped3A : memref<!tpu.dma_semaphore, #tpu.memory_space<semaphore_mem>>)
      %dma_wait3A = arith.constant 0 : i32
      %dma_wait3A_17 = tpu.memref_slice %arg6[%arg0, %mul3A_0, %dma_wait3A] : memref<2x10240x128xf32, #tpu.memory_space<hbm>> -> memref<1x640x128xf32, #tpu.memory_space<hbm>>
      %dma_wait3A_18 = tpu.memref_squeeze %dma_wait3A_17 : memref<1x640x128xf32, #tpu.memory_space<hbm>> -> memref<640x128xf32, #tpu.memory_space<hbm>>
      %dma_wait3A_19 = arith.constant 0 : i32
      %dma_wait3A_20 = tpu.memref_slice %arg10[%mul3A_0, %dma_wait3A_19] : memref<10240x128xf32, #tpu.memory_space<vmem_shared>> -> memref<640x128xf32, #tpu.memory_space<vmem_shared>>
      tpu.wait_dma2 semaphore(%run_scoped3A : memref<!tpu.dma_semaphore, #tpu.memory_space<semaphore_mem>>) src(%dma_wait3A_20 : memref<640x128xf32, #tpu.memory_space<vmem_shared>>) dst(%dma_wait3A_18 : memref<640x128xf32, #tpu.memory_space<hbm>>)
      tpu.yield
    }) : () -> ()
    return
  }
}

#map = affine_map<(d0, d1) -> (0, 0)>
#map1 = affine_map<(d0, d1) -> (0, 0, 0, 0)>
#map2 = affine_map<(d0, d1) -> (0, 0, 0)>
module attributes {stable_mosaic.version = 14 : i64} {
  func.func @_sc_a_body(%arg0: i32, %arg1: i32, %arg2: memref<200000x128xf32, #tpu.memory_space<hbm>>, %arg3: memref<2x16x5x128xi32, #tpu.memory_space<hbm>>, %arg4: memref<2x16x40x128xi32, #tpu.memory_space<hbm>>, %arg5: memref<128x16xf32, #tpu.memory_space<hbm>>, %arg6: memref<10240x16xf32, #tpu.memory_space<hbm>>, %arg7: memref<2x10240x128xf32, #tpu.memory_space<hbm>>, %arg8: memref<2x10240x16xf32, #tpu.memory_space<hbm>>, %arg9: memref<5x128xi32, #tpu.memory_space<vmem>>, %arg10: memref<128x128xf32, #tpu.memory_space<vmem>>, %arg11: memref<40x128xi32, #tpu.memory_space<vmem>>, %arg12: memref<128x16xf32, #tpu.memory_space<vmem>>, %arg13: memref<10240x16xf32, #tpu.memory_space<vmem_shared>>, %arg14: memref<!tpu.dma_semaphore, #tpu.memory_space<semaphore_mem>>) attributes {dimension_semantics = [#tpu.dimension_semantics<core_parallel>, #tpu.dimension_semantics<subcore_parallel>], iteration_bounds = array<i64: 2, 16>, scalar_prefetch = 0 : i64, scratch_operands = 6 : i64, tpu.core_type = #tpu.core_type<sc_vector_subcore>, window_params = [{transform_indices = #map}, {transform_indices = #map1}, {transform_indices = #map1}, {transform_indices = #map}, {transform_indices = #map}, {transform_indices = #map2}, {transform_indices = #map2}]} {
    %mul3A = arith.constant 640 : i32
    %mul3A_0 = arith.muli %arg1, %mul3A : i32
    "tpu.region"() ({
      %run_scoped3A = tpu.sem_alloc : memref<!tpu.dma_semaphore, #tpu.memory_space<semaphore_mem>>
      %dma_start3A_84 = arith.constant 0 : i32
      %dma_start3A_85 = arith.constant 0 : i32
      %dma_start3A_86 = tpu.memref_slice %arg3[%arg0, %arg1, %dma_start3A_84, %dma_start3A_85] : memref<2x16x5x128xi32, #tpu.memory_space<hbm>> -> memref<1x1x5x128xi32, #tpu.memory_space<hbm>>
      %dma_start3A_87 = tpu.memref_squeeze %dma_start3A_86 : memref<1x1x5x128xi32, #tpu.memory_space<hbm>> -> memref<5x128xi32, #tpu.memory_space<hbm>>
      %dma_start3A_88 = arith.constant 0 : i32
      %dma_start3A_89 = arith.constant 0 : i32
      %dma_start3A_90 = tpu.memref_slice %arg3[%arg0, %arg1, %dma_start3A_88, %dma_start3A_89] : memref<2x16x5x128xi32, #tpu.memory_space<hbm>> -> memref<1x1x5x128xi32, #tpu.memory_space<hbm>>
      %dma_start3A_91 = tpu.memref_squeeze %dma_start3A_90 : memref<1x1x5x128xi32, #tpu.memory_space<hbm>> -> memref<5x128xi32, #tpu.memory_space<hbm>>
      tpu.enqueue_dma source(%dma_start3A_91 : memref<5x128xi32, #tpu.memory_space<hbm>>) target(%arg9 : memref<5x128xi32, #tpu.memory_space<vmem>>) target_semaphore(%run_scoped3A : memref<!tpu.dma_semaphore, #tpu.memory_space<semaphore_mem>>)
      %dma_wait3A_92 = arith.constant 0 : i32
      %dma_wait3A_93 = arith.constant 0 : i32
      %dma_wait3A_94 = tpu.memref_slice %arg3[%arg0, %arg1, %dma_wait3A_92, %dma_wait3A_93] : memref<2x16x5x128xi32, #tpu.memory_space<hbm>> -> memref<1x1x5x128xi32, #tpu.memory_space<hbm>>
      %dma_wait3A_95 = tpu.memref_squeeze %dma_wait3A_94 : memref<1x1x5x128xi32, #tpu.memory_space<hbm>> -> memref<5x128xi32, #tpu.memory_space<hbm>>
      %dma_wait3A_96 = arith.constant 0 : i32
      %dma_wait3A_97 = arith.constant 0 : i32
      %dma_wait3A_98 = tpu.memref_slice %arg3[%arg0, %arg1, %dma_wait3A_96, %dma_wait3A_97] : memref<2x16x5x128xi32, #tpu.memory_space<hbm>> -> memref<1x1x5x128xi32, #tpu.memory_space<hbm>>
      %dma_wait3A_99 = tpu.memref_squeeze %dma_wait3A_98 : memref<1x1x5x128xi32, #tpu.memory_space<hbm>> -> memref<5x128xi32, #tpu.memory_space<hbm>>
      tpu.wait_dma2 semaphore(%run_scoped3A : memref<!tpu.dma_semaphore, #tpu.memory_space<semaphore_mem>>) src(%dma_wait3A_99 : memref<5x128xi32, #tpu.memory_space<hbm>>) dst(%arg9 : memref<5x128xi32, #tpu.memory_space<vmem>>)
      tpu.yield
    }) : () -> ()
    %dma_start3A = arith.constant 0 : i32
    %dma_start3A_1 = arith.constant 0 : i32
    %dma_start3A_2 = tpu.memref_slice %arg9[%dma_start3A, %dma_start3A_1] : memref<5x128xi32, #tpu.memory_space<vmem>> -> memref<1x128xi32, #tpu.memory_space<vmem>>
    %dma_start3A_3 = tpu.memref_squeeze %dma_start3A_2 : memref<1x128xi32, #tpu.memory_space<vmem>> -> memref<128xi32, #tpu.memory_space<vmem>>
    %dma_start3A_4 = arith.constant 0 : i32
    %dma_start3A_5 = arith.constant 0 : i32
    %dma_start3A_6 = tpu.memref_slice %arg2[%dma_start3A_4, %dma_start3A_5] : memref<200000x128xf32, #tpu.memory_space<hbm>> -> memref<200000x128xf32, #tpu.memory_space<hbm>>
    tpu.enqueue_indirect_dma source(%dma_start3A_6 : memref<200000x128xf32, #tpu.memory_space<hbm>>) target(%arg10 : memref<128x128xf32, #tpu.memory_space<vmem>>) offsets(%dma_start3A_3 : memref<128xi32, #tpu.memory_space<vmem>>) semaphore(%arg14 : memref<!tpu.dma_semaphore, #tpu.memory_space<semaphore_mem>>)
    %dma_wait3A = arith.constant 0 : i32
    %dma_wait3A_7 = arith.constant 0 : i32
    %dma_wait3A_8 = tpu.memref_slice %arg9[%dma_wait3A, %dma_wait3A_7] : memref<5x128xi32, #tpu.memory_space<vmem>> -> memref<1x128xi32, #tpu.memory_space<vmem>>
    %dma_wait3A_9 = tpu.memref_squeeze %dma_wait3A_8 : memref<1x128xi32, #tpu.memory_space<vmem>> -> memref<128xi32, #tpu.memory_space<vmem>>
    %dma_wait3A_10 = arith.constant 0 : i32
    %dma_wait3A_11 = arith.constant 0 : i32
    %dma_wait3A_12 = tpu.memref_slice %arg2[%dma_wait3A_10, %dma_wait3A_11] : memref<200000x128xf32, #tpu.memory_space<hbm>> -> memref<200000x128xf32, #tpu.memory_space<hbm>>
    tpu.wait_indirect_dma semaphore(%arg14 : memref<!tpu.dma_semaphore, #tpu.memory_space<semaphore_mem>>) src(%dma_wait3A_12 : memref<200000x128xf32, #tpu.memory_space<hbm>>) dst(%arg10 : memref<128x128xf32, #tpu.memory_space<vmem>>)
    %add3A = arith.constant 0 : i32
    %add3A_13 = arith.addi %mul3A_0, %add3A : i32
    "tpu.region"() ({
      %run_scoped3A = tpu.sem_alloc : memref<!tpu.dma_semaphore, #tpu.memory_space<semaphore_mem>>
      %dma_start3A_84 = arith.constant 0 : i32
      %dma_start3A_85 = tpu.memref_slice %arg7[%arg0, %add3A_13, %dma_start3A_84] : memref<2x10240x128xf32, #tpu.memory_space<hbm>> -> memref<1x128x128xf32, #tpu.memory_space<hbm>>
      %dma_start3A_86 = tpu.memref_squeeze %dma_start3A_85 : memref<1x128x128xf32, #tpu.memory_space<hbm>> -> memref<128x128xf32, #tpu.memory_space<hbm>>
      %dma_start3A_87 = arith.constant 0 : i32
      %dma_start3A_88 = tpu.memref_slice %arg7[%arg0, %add3A_13, %dma_start3A_87] : memref<2x10240x128xf32, #tpu.memory_space<hbm>> -> memref<1x128x128xf32, #tpu.memory_space<hbm>>
      %dma_start3A_89 = tpu.memref_squeeze %dma_start3A_88 : memref<1x128x128xf32, #tpu.memory_space<hbm>> -> memref<128x128xf32, #tpu.memory_space<hbm>>
      tpu.enqueue_dma source(%arg10 : memref<128x128xf32, #tpu.memory_space<vmem>>) target(%dma_start3A_89 : memref<128x128xf32, #tpu.memory_space<hbm>>) target_semaphore(%run_scoped3A : memref<!tpu.dma_semaphore, #tpu.memory_space<semaphore_mem>>)
      %dma_wait3A_90 = arith.constant 0 : i32
      %dma_wait3A_91 = tpu.memref_slice %arg7[%arg0, %add3A_13, %dma_wait3A_90] : memref<2x10240x128xf32, #tpu.memory_space<hbm>> -> memref<1x128x128xf32, #tpu.memory_space<hbm>>
      %dma_wait3A_92 = tpu.memref_squeeze %dma_wait3A_91 : memref<1x128x128xf32, #tpu.memory_space<hbm>> -> memref<128x128xf32, #tpu.memory_space<hbm>>
      %dma_wait3A_93 = arith.constant 0 : i32
      %dma_wait3A_94 = tpu.memref_slice %arg7[%arg0, %add3A_13, %dma_wait3A_93] : memref<2x10240x128xf32, #tpu.memory_space<hbm>> -> memref<1x128x128xf32, #tpu.memory_space<hbm>>
      %dma_wait3A_95 = tpu.memref_squeeze %dma_wait3A_94 : memref<1x128x128xf32, #tpu.memory_space<hbm>> -> memref<128x128xf32, #tpu.memory_space<hbm>>
      tpu.wait_dma2 semaphore(%run_scoped3A : memref<!tpu.dma_semaphore, #tpu.memory_space<semaphore_mem>>) src(%arg10 : memref<128x128xf32, #tpu.memory_space<vmem>>) dst(%dma_wait3A_95 : memref<128x128xf32, #tpu.memory_space<hbm>>)
      tpu.yield
    }) : () -> ()
    %dma_start3A_14 = arith.constant 1 : i32
    %dma_start3A_15 = arith.constant 0 : i32
    %dma_start3A_16 = tpu.memref_slice %arg9[%dma_start3A_14, %dma_start3A_15] : memref<5x128xi32, #tpu.memory_space<vmem>> -> memref<1x128xi32, #tpu.memory_space<vmem>>
    %dma_start3A_17 = tpu.memref_squeeze %dma_start3A_16 : memref<1x128xi32, #tpu.memory_space<vmem>> -> memref<128xi32, #tpu.memory_space<vmem>>
    %dma_start3A_18 = arith.constant 0 : i32
    %dma_start3A_19 = arith.constant 0 : i32
    %dma_start3A_20 = tpu.memref_slice %arg2[%dma_start3A_18, %dma_start3A_19] : memref<200000x128xf32, #tpu.memory_space<hbm>> -> memref<200000x128xf32, #tpu.memory_space<hbm>>
    tpu.enqueue_indirect_dma source(%dma_start3A_20 : memref<200000x128xf32, #tpu.memory_space<hbm>>) target(%arg10 : memref<128x128xf32, #tpu.memory_space<vmem>>) offsets(%dma_start3A_17 : memref<128xi32, #tpu.memory_space<vmem>>) semaphore(%arg14 : memref<!tpu.dma_semaphore, #tpu.memory_space<semaphore_mem>>)
    %dma_wait3A_21 = arith.constant 1 : i32
    %dma_wait3A_22 = arith.constant 0 : i32
    %dma_wait3A_23 = tpu.memref_slice %arg9[%dma_wait3A_21, %dma_wait3A_22] : memref<5x128xi32, #tpu.memory_space<vmem>> -> memref<1x128xi32, #tpu.memory_space<vmem>>
    %dma_wait3A_24 = tpu.memref_squeeze %dma_wait3A_23 : memref<1x128xi32, #tpu.memory_space<vmem>> -> memref<128xi32, #tpu.memory_space<vmem>>
    %dma_wait3A_25 = arith.constant 0 : i32
    %dma_wait3A_26 = arith.constant 0 : i32
    %dma_wait3A_27 = tpu.memref_slice %arg2[%dma_wait3A_25, %dma_wait3A_26] : memref<200000x128xf32, #tpu.memory_space<hbm>> -> memref<200000x128xf32, #tpu.memory_space<hbm>>
    tpu.wait_indirect_dma semaphore(%arg14 : memref<!tpu.dma_semaphore, #tpu.memory_space<semaphore_mem>>) src(%dma_wait3A_27 : memref<200000x128xf32, #tpu.memory_space<hbm>>) dst(%arg10 : memref<128x128xf32, #tpu.memory_space<vmem>>)
    %add3A_28 = arith.constant 128 : i32
    %add3A_29 = arith.addi %mul3A_0, %add3A_28 : i32
    "tpu.region"() ({
      %run_scoped3A = tpu.sem_alloc : memref<!tpu.dma_semaphore, #tpu.memory_space<semaphore_mem>>
      %dma_start3A_84 = arith.constant 0 : i32
      %dma_start3A_85 = tpu.memref_slice %arg7[%arg0, %add3A_29, %dma_start3A_84] : memref<2x10240x128xf32, #tpu.memory_space<hbm>> -> memref<1x128x128xf32, #tpu.memory_space<hbm>>
      %dma_start3A_86 = tpu.memref_squeeze %dma_start3A_85 : memref<1x128x128xf32, #tpu.memory_space<hbm>> -> memref<128x128xf32, #tpu.memory_space<hbm>>
      %dma_start3A_87 = arith.constant 0 : i32
      %dma_start3A_88 = tpu.memref_slice %arg7[%arg0, %add3A_29, %dma_start3A_87] : memref<2x10240x128xf32, #tpu.memory_space<hbm>> -> memref<1x128x128xf32, #tpu.memory_space<hbm>>
      %dma_start3A_89 = tpu.memref_squeeze %dma_start3A_88 : memref<1x128x128xf32, #tpu.memory_space<hbm>> -> memref<128x128xf32, #tpu.memory_space<hbm>>
      tpu.enqueue_dma source(%arg10 : memref<128x128xf32, #tpu.memory_space<vmem>>) target(%dma_start3A_89 : memref<128x128xf32, #tpu.memory_space<hbm>>) target_semaphore(%run_scoped3A : memref<!tpu.dma_semaphore, #tpu.memory_space<semaphore_mem>>)
      %dma_wait3A_90 = arith.constant 0 : i32
      %dma_wait3A_91 = tpu.memref_slice %arg7[%arg0, %add3A_29, %dma_wait3A_90] : memref<2x10240x128xf32, #tpu.memory_space<hbm>> -> memref<1x128x128xf32, #tpu.memory_space<hbm>>
      %dma_wait3A_92 = tpu.memref_squeeze %dma_wait3A_91 : memref<1x128x128xf32, #tpu.memory_space<hbm>> -> memref<128x128xf32, #tpu.memory_space<hbm>>
      %dma_wait3A_93 = arith.constant 0 : i32
      %dma_wait3A_94 = tpu.memref_slice %arg7[%arg0, %add3A_29, %dma_wait3A_93] : memref<2x10240x128xf32, #tpu.memory_space<hbm>> -> memref<1x128x128xf32, #tpu.memory_space<hbm>>
      %dma_wait3A_95 = tpu.memref_squeeze %dma_wait3A_94 : memref<1x128x128xf32, #tpu.memory_space<hbm>> -> memref<128x128xf32, #tpu.memory_space<hbm>>
      tpu.wait_dma2 semaphore(%run_scoped3A : memref<!tpu.dma_semaphore, #tpu.memory_space<semaphore_mem>>) src(%arg10 : memref<128x128xf32, #tpu.memory_space<vmem>>) dst(%dma_wait3A_95 : memref<128x128xf32, #tpu.memory_space<hbm>>)
      tpu.yield
    }) : () -> ()
    %dma_start3A_30 = arith.constant 2 : i32
    %dma_start3A_31 = arith.constant 0 : i32
    %dma_start3A_32 = tpu.memref_slice %arg9[%dma_start3A_30, %dma_start3A_31] : memref<5x128xi32, #tpu.memory_space<vmem>> -> memref<1x128xi32, #tpu.memory_space<vmem>>
    %dma_start3A_33 = tpu.memref_squeeze %dma_start3A_32 : memref<1x128xi32, #tpu.memory_space<vmem>> -> memref<128xi32, #tpu.memory_space<vmem>>
    %dma_start3A_34 = arith.constant 0 : i32
    %dma_start3A_35 = arith.constant 0 : i32
    %dma_start3A_36 = tpu.memref_slice %arg2[%dma_start3A_34, %dma_start3A_35] : memref<200000x128xf32, #tpu.memory_space<hbm>> -> memref<200000x128xf32, #tpu.memory_space<hbm>>
    tpu.enqueue_indirect_dma source(%dma_start3A_36 : memref<200000x128xf32, #tpu.memory_space<hbm>>) target(%arg10 : memref<128x128xf32, #tpu.memory_space<vmem>>) offsets(%dma_start3A_33 : memref<128xi32, #tpu.memory_space<vmem>>) semaphore(%arg14 : memref<!tpu.dma_semaphore, #tpu.memory_space<semaphore_mem>>)
    %dma_wait3A_37 = arith.constant 2 : i32
    %dma_wait3A_38 = arith.constant 0 : i32
    %dma_wait3A_39 = tpu.memref_slice %arg9[%dma_wait3A_37, %dma_wait3A_38] : memref<5x128xi32, #tpu.memory_space<vmem>> -> memref<1x128xi32, #tpu.memory_space<vmem>>
    %dma_wait3A_40 = tpu.memref_squeeze %dma_wait3A_39 : memref<1x128xi32, #tpu.memory_space<vmem>> -> memref<128xi32, #tpu.memory_space<vmem>>
    %dma_wait3A_41 = arith.constant 0 : i32
    %dma_wait3A_42 = arith.constant 0 : i32
    %dma_wait3A_43 = tpu.memref_slice %arg2[%dma_wait3A_41, %dma_wait3A_42] : memref<200000x128xf32, #tpu.memory_space<hbm>> -> memref<200000x128xf32, #tpu.memory_space<hbm>>
    tpu.wait_indirect_dma semaphore(%arg14 : memref<!tpu.dma_semaphore, #tpu.memory_space<semaphore_mem>>) src(%dma_wait3A_43 : memref<200000x128xf32, #tpu.memory_space<hbm>>) dst(%arg10 : memref<128x128xf32, #tpu.memory_space<vmem>>)
    %add3A_44 = arith.constant 256 : i32
    %add3A_45 = arith.addi %mul3A_0, %add3A_44 : i32
    "tpu.region"() ({
      %run_scoped3A = tpu.sem_alloc : memref<!tpu.dma_semaphore, #tpu.memory_space<semaphore_mem>>
      %dma_start3A_84 = arith.constant 0 : i32
      %dma_start3A_85 = tpu.memref_slice %arg7[%arg0, %add3A_45, %dma_start3A_84] : memref<2x10240x128xf32, #tpu.memory_space<hbm>> -> memref<1x128x128xf32, #tpu.memory_space<hbm>>
      %dma_start3A_86 = tpu.memref_squeeze %dma_start3A_85 : memref<1x128x128xf32, #tpu.memory_space<hbm>> -> memref<128x128xf32, #tpu.memory_space<hbm>>
      %dma_start3A_87 = arith.constant 0 : i32
      %dma_start3A_88 = tpu.memref_slice %arg7[%arg0, %add3A_45, %dma_start3A_87] : memref<2x10240x128xf32, #tpu.memory_space<hbm>> -> memref<1x128x128xf32, #tpu.memory_space<hbm>>
      %dma_start3A_89 = tpu.memref_squeeze %dma_start3A_88 : memref<1x128x128xf32, #tpu.memory_space<hbm>> -> memref<128x128xf32, #tpu.memory_space<hbm>>
      tpu.enqueue_dma source(%arg10 : memref<128x128xf32, #tpu.memory_space<vmem>>) target(%dma_start3A_89 : memref<128x128xf32, #tpu.memory_space<hbm>>) target_semaphore(%run_scoped3A : memref<!tpu.dma_semaphore, #tpu.memory_space<semaphore_mem>>)
      %dma_wait3A_90 = arith.constant 0 : i32
      %dma_wait3A_91 = tpu.memref_slice %arg7[%arg0, %add3A_45, %dma_wait3A_90] : memref<2x10240x128xf32, #tpu.memory_space<hbm>> -> memref<1x128x128xf32, #tpu.memory_space<hbm>>
      %dma_wait3A_92 = tpu.memref_squeeze %dma_wait3A_91 : memref<1x128x128xf32, #tpu.memory_space<hbm>> -> memref<128x128xf32, #tpu.memory_space<hbm>>
      %dma_wait3A_93 = arith.constant 0 : i32
      %dma_wait3A_94 = tpu.memref_slice %arg7[%arg0, %add3A_45, %dma_wait3A_93] : memref<2x10240x128xf32, #tpu.memory_space<hbm>> -> memref<1x128x128xf32, #tpu.memory_space<hbm>>
      %dma_wait3A_95 = tpu.memref_squeeze %dma_wait3A_94 : memref<1x128x128xf32, #tpu.memory_space<hbm>> -> memref<128x128xf32, #tpu.memory_space<hbm>>
      tpu.wait_dma2 semaphore(%run_scoped3A : memref<!tpu.dma_semaphore, #tpu.memory_space<semaphore_mem>>) src(%arg10 : memref<128x128xf32, #tpu.memory_space<vmem>>) dst(%dma_wait3A_95 : memref<128x128xf32, #tpu.memory_space<hbm>>)
      tpu.yield
    }) : () -> ()
    %dma_start3A_46 = arith.constant 3 : i32
    %dma_start3A_47 = arith.constant 0 : i32
    %dma_start3A_48 = tpu.memref_slice %arg9[%dma_start3A_46, %dma_start3A_47] : memref<5x128xi32, #tpu.memory_space<vmem>> -> memref<1x128xi32, #tpu.memory_space<vmem>>
    %dma_start3A_49 = tpu.memref_squeeze %dma_start3A_48 : memref<1x128xi32, #tpu.memory_space<vmem>> -> memref<128xi32, #tpu.memory_space<vmem>>
    %dma_start3A_50 = arith.constant 0 : i32
    %dma_start3A_51 = arith.constant 0 : i32
    %dma_start3A_52 = tpu.memref_slice %arg2[%dma_start3A_50, %dma_start3A_51] : memref<200000x128xf32, #tpu.memory_space<hbm>> -> memref<200000x128xf32, #tpu.memory_space<hbm>>
    tpu.enqueue_indirect_dma source(%dma_start3A_52 : memref<200000x128xf32, #tpu.memory_space<hbm>>) target(%arg10 : memref<128x128xf32, #tpu.memory_space<vmem>>) offsets(%dma_start3A_49 : memref<128xi32, #tpu.memory_space<vmem>>) semaphore(%arg14 : memref<!tpu.dma_semaphore, #tpu.memory_space<semaphore_mem>>)
    %dma_wait3A_53 = arith.constant 3 : i32
    %dma_wait3A_54 = arith.constant 0 : i32
    %dma_wait3A_55 = tpu.memref_slice %arg9[%dma_wait3A_53, %dma_wait3A_54] : memref<5x128xi32, #tpu.memory_space<vmem>> -> memref<1x128xi32, #tpu.memory_space<vmem>>
    %dma_wait3A_56 = tpu.memref_squeeze %dma_wait3A_55 : memref<1x128xi32, #tpu.memory_space<vmem>> -> memref<128xi32, #tpu.memory_space<vmem>>
    %dma_wait3A_57 = arith.constant 0 : i32
    %dma_wait3A_58 = arith.constant 0 : i32
    %dma_wait3A_59 = tpu.memref_slice %arg2[%dma_wait3A_57, %dma_wait3A_58] : memref<200000x128xf32, #tpu.memory_space<hbm>> -> memref<200000x128xf32, #tpu.memory_space<hbm>>
    tpu.wait_indirect_dma semaphore(%arg14 : memref<!tpu.dma_semaphore, #tpu.memory_space<semaphore_mem>>) src(%dma_wait3A_59 : memref<200000x128xf32, #tpu.memory_space<hbm>>) dst(%arg10 : memref<128x128xf32, #tpu.memory_space<vmem>>)
    %add3A_60 = arith.constant 384 : i32
    %add3A_61 = arith.addi %mul3A_0, %add3A_60 : i32
    "tpu.region"() ({
      %run_scoped3A = tpu.sem_alloc : memref<!tpu.dma_semaphore, #tpu.memory_space<semaphore_mem>>
      %dma_start3A_84 = arith.constant 0 : i32
      %dma_start3A_85 = tpu.memref_slice %arg7[%arg0, %add3A_61, %dma_start3A_84] : memref<2x10240x128xf32, #tpu.memory_space<hbm>> -> memref<1x128x128xf32, #tpu.memory_space<hbm>>
      %dma_start3A_86 = tpu.memref_squeeze %dma_start3A_85 : memref<1x128x128xf32, #tpu.memory_space<hbm>> -> memref<128x128xf32, #tpu.memory_space<hbm>>
      %dma_start3A_87 = arith.constant 0 : i32
      %dma_start3A_88 = tpu.memref_slice %arg7[%arg0, %add3A_61, %dma_start3A_87] : memref<2x10240x128xf32, #tpu.memory_space<hbm>> -> memref<1x128x128xf32, #tpu.memory_space<hbm>>
      %dma_start3A_89 = tpu.memref_squeeze %dma_start3A_88 : memref<1x128x128xf32, #tpu.memory_space<hbm>> -> memref<128x128xf32, #tpu.memory_space<hbm>>
      tpu.enqueue_dma source(%arg10 : memref<128x128xf32, #tpu.memory_space<vmem>>) target(%dma_start3A_89 : memref<128x128xf32, #tpu.memory_space<hbm>>) target_semaphore(%run_scoped3A : memref<!tpu.dma_semaphore, #tpu.memory_space<semaphore_mem>>)
      %dma_wait3A_90 = arith.constant 0 : i32
      %dma_wait3A_91 = tpu.memref_slice %arg7[%arg0, %add3A_61, %dma_wait3A_90] : memref<2x10240x128xf32, #tpu.memory_space<hbm>> -> memref<1x128x128xf32, #tpu.memory_space<hbm>>
      %dma_wait3A_92 = tpu.memref_squeeze %dma_wait3A_91 : memref<1x128x128xf32, #tpu.memory_space<hbm>> -> memref<128x128xf32, #tpu.memory_space<hbm>>
      %dma_wait3A_93 = arith.constant 0 : i32
      %dma_wait3A_94 = tpu.memref_slice %arg7[%arg0, %add3A_61, %dma_wait3A_93] : memref<2x10240x128xf32, #tpu.memory_space<hbm>> -> memref<1x128x128xf32, #tpu.memory_space<hbm>>
      %dma_wait3A_95 = tpu.memref_squeeze %dma_wait3A_94 : memref<1x128x128xf32, #tpu.memory_space<hbm>> -> memref<128x128xf32, #tpu.memory_space<hbm>>
      tpu.wait_dma2 semaphore(%run_scoped3A : memref<!tpu.dma_semaphore, #tpu.memory_space<semaphore_mem>>) src(%arg10 : memref<128x128xf32, #tpu.memory_space<vmem>>) dst(%dma_wait3A_95 : memref<128x128xf32, #tpu.memory_space<hbm>>)
      tpu.yield
    }) : () -> ()
    %dma_start3A_62 = arith.constant 4 : i32
    %dma_start3A_63 = arith.constant 0 : i32
    %dma_start3A_64 = tpu.memref_slice %arg9[%dma_start3A_62, %dma_start3A_63] : memref<5x128xi32, #tpu.memory_space<vmem>> -> memref<1x128xi32, #tpu.memory_space<vmem>>
    %dma_start3A_65 = tpu.memref_squeeze %dma_start3A_64 : memref<1x128xi32, #tpu.memory_space<vmem>> -> memref<128xi32, #tpu.memory_space<vmem>>
    %dma_start3A_66 = arith.constant 0 : i32
    %dma_start3A_67 = arith.constant 0 : i32
    %dma_start3A_68 = tpu.memref_slice %arg2[%dma_start3A_66, %dma_start3A_67] : memref<200000x128xf32, #tpu.memory_space<hbm>> -> memref<200000x128xf32, #tpu.memory_space<hbm>>
    tpu.enqueue_indirect_dma source(%dma_start3A_68 : memref<200000x128xf32, #tpu.memory_space<hbm>>) target(%arg10 : memref<128x128xf32, #tpu.memory_space<vmem>>) offsets(%dma_start3A_65 : memref<128xi32, #tpu.memory_space<vmem>>) semaphore(%arg14 : memref<!tpu.dma_semaphore, #tpu.memory_space<semaphore_mem>>)
    %dma_wait3A_69 = arith.constant 4 : i32
    %dma_wait3A_70 = arith.constant 0 : i32
    %dma_wait3A_71 = tpu.memref_slice %arg9[%dma_wait3A_69, %dma_wait3A_70] : memref<5x128xi32, #tpu.memory_space<vmem>> -> memref<1x128xi32, #tpu.memory_space<vmem>>
    %dma_wait3A_72 = tpu.memref_squeeze %dma_wait3A_71 : memref<1x128xi32, #tpu.memory_space<vmem>> -> memref<128xi32, #tpu.memory_space<vmem>>
    %dma_wait3A_73 = arith.constant 0 : i32
    %dma_wait3A_74 = arith.constant 0 : i32
    %dma_wait3A_75 = tpu.memref_slice %arg2[%dma_wait3A_73, %dma_wait3A_74] : memref<200000x128xf32, #tpu.memory_space<hbm>> -> memref<200000x128xf32, #tpu.memory_space<hbm>>
    tpu.wait_indirect_dma semaphore(%arg14 : memref<!tpu.dma_semaphore, #tpu.memory_space<semaphore_mem>>) src(%dma_wait3A_75 : memref<200000x128xf32, #tpu.memory_space<hbm>>) dst(%arg10 : memref<128x128xf32, #tpu.memory_space<vmem>>)
    %add3A_76 = arith.constant 512 : i32
    %add3A_77 = arith.addi %mul3A_0, %add3A_76 : i32
    "tpu.region"() ({
      %run_scoped3A = tpu.sem_alloc : memref<!tpu.dma_semaphore, #tpu.memory_space<semaphore_mem>>
      %dma_start3A_84 = arith.constant 0 : i32
      %dma_start3A_85 = tpu.memref_slice %arg7[%arg0, %add3A_77, %dma_start3A_84] : memref<2x10240x128xf32, #tpu.memory_space<hbm>> -> memref<1x128x128xf32, #tpu.memory_space<hbm>>
      %dma_start3A_86 = tpu.memref_squeeze %dma_start3A_85 : memref<1x128x128xf32, #tpu.memory_space<hbm>> -> memref<128x128xf32, #tpu.memory_space<hbm>>
      %dma_start3A_87 = arith.constant 0 : i32
      %dma_start3A_88 = tpu.memref_slice %arg7[%arg0, %add3A_77, %dma_start3A_87] : memref<2x10240x128xf32, #tpu.memory_space<hbm>> -> memref<1x128x128xf32, #tpu.memory_space<hbm>>
      %dma_start3A_89 = tpu.memref_squeeze %dma_start3A_88 : memref<1x128x128xf32, #tpu.memory_space<hbm>> -> memref<128x128xf32, #tpu.memory_space<hbm>>
      tpu.enqueue_dma source(%arg10 : memref<128x128xf32, #tpu.memory_space<vmem>>) target(%dma_start3A_89 : memref<128x128xf32, #tpu.memory_space<hbm>>) target_semaphore(%run_scoped3A : memref<!tpu.dma_semaphore, #tpu.memory_space<semaphore_mem>>)
      %dma_wait3A_90 = arith.constant 0 : i32
      %dma_wait3A_91 = tpu.memref_slice %arg7[%arg0, %add3A_77, %dma_wait3A_90] : memref<2x10240x128xf32, #tpu.memory_space<hbm>> -> memref<1x128x128xf32, #tpu.memory_space<hbm>>
      %dma_wait3A_92 = tpu.memref_squeeze %dma_wait3A_91 : memref<1x128x128xf32, #tpu.memory_space<hbm>> -> memref<128x128xf32, #tpu.memory_space<hbm>>
      %dma_wait3A_93 = arith.constant 0 : i32
      %dma_wait3A_94 = tpu.memref_slice %arg7[%arg0, %add3A_77, %dma_wait3A_93] : memref<2x10240x128xf32, #tpu.memory_space<hbm>> -> memref<1x128x128xf32, #tpu.memory_space<hbm>>
      %dma_wait3A_95 = tpu.memref_squeeze %dma_wait3A_94 : memref<1x128x128xf32, #tpu.memory_space<hbm>> -> memref<128x128xf32, #tpu.memory_space<hbm>>
      tpu.wait_dma2 semaphore(%run_scoped3A : memref<!tpu.dma_semaphore, #tpu.memory_space<semaphore_mem>>) src(%arg10 : memref<128x128xf32, #tpu.memory_space<vmem>>) dst(%dma_wait3A_95 : memref<128x128xf32, #tpu.memory_space<hbm>>)
      tpu.yield
    }) : () -> ()
    "tpu.region"() ({
      %run_scoped3A = tpu.sem_alloc : memref<!tpu.dma_semaphore, #tpu.memory_space<semaphore_mem>>
      %dma_start3A_84 = arith.constant 0 : i32
      %dma_start3A_85 = tpu.memref_slice %arg13[%mul3A_0, %dma_start3A_84] : memref<10240x16xf32, #tpu.memory_space<vmem_shared>> -> memref<640x16xf32, #tpu.memory_space<vmem_shared>>
      %dma_start3A_86 = arith.constant 0 : i32
      %dma_start3A_87 = tpu.memref_slice %arg6[%mul3A_0, %dma_start3A_86] : memref<10240x16xf32, #tpu.memory_space<hbm>> -> memref<640x16xf32, #tpu.memory_space<hbm>>
      tpu.enqueue_dma source(%dma_start3A_87 : memref<640x16xf32, #tpu.memory_space<hbm>>) target(%dma_start3A_85 : memref<640x16xf32, #tpu.memory_space<vmem_shared>>) target_semaphore(%run_scoped3A : memref<!tpu.dma_semaphore, #tpu.memory_space<semaphore_mem>>)
      %dma_wait3A_88 = arith.constant 0 : i32
      %dma_wait3A_89 = tpu.memref_slice %arg13[%mul3A_0, %dma_wait3A_88] : memref<10240x16xf32, #tpu.memory_space<vmem_shared>> -> memref<640x16xf32, #tpu.memory_space<vmem_shared>>
      %dma_wait3A_90 = arith.constant 0 : i32
      %dma_wait3A_91 = tpu.memref_slice %arg6[%mul3A_0, %dma_wait3A_90] : memref<10240x16xf32, #tpu.memory_space<hbm>> -> memref<640x16xf32, #tpu.memory_space<hbm>>
      tpu.wait_dma2 semaphore(%run_scoped3A : memref<!tpu.dma_semaphore, #tpu.memory_space<semaphore_mem>>) src(%dma_wait3A_91 : memref<640x16xf32, #tpu.memory_space<hbm>>) dst(%dma_wait3A_89 : memref<640x16xf32, #tpu.memory_space<vmem_shared>>)
      tpu.yield
    }) : () -> ()
    "tpu.region"() ({
      %run_scoped3A = tpu.sem_alloc : memref<!tpu.dma_semaphore, #tpu.memory_space<semaphore_mem>>
      tpu.enqueue_dma source(%arg5 : memref<128x16xf32, #tpu.memory_space<hbm>>) target(%arg12 : memref<128x16xf32, #tpu.memory_space<vmem>>) target_semaphore(%run_scoped3A : memref<!tpu.dma_semaphore, #tpu.memory_space<semaphore_mem>>)
      tpu.wait_dma2 semaphore(%run_scoped3A : memref<!tpu.dma_semaphore, #tpu.memory_space<semaphore_mem>>) src(%arg5 : memref<128x16xf32, #tpu.memory_space<hbm>>) dst(%arg12 : memref<128x16xf32, #tpu.memory_space<vmem>>)
      tpu.yield
    }) : () -> ()
    "tpu.region"() ({
      %run_scoped3A = tpu.sem_alloc : memref<!tpu.dma_semaphore, #tpu.memory_space<semaphore_mem>>
      %dma_start3A_84 = arith.constant 0 : i32
      %dma_start3A_85 = arith.constant 0 : i32
      %dma_start3A_86 = tpu.memref_slice %arg4[%arg0, %arg1, %dma_start3A_84, %dma_start3A_85] : memref<2x16x40x128xi32, #tpu.memory_space<hbm>> -> memref<1x1x40x128xi32, #tpu.memory_space<hbm>>
      %dma_start3A_87 = tpu.memref_squeeze %dma_start3A_86 : memref<1x1x40x128xi32, #tpu.memory_space<hbm>> -> memref<40x128xi32, #tpu.memory_space<hbm>>
      %dma_start3A_88 = arith.constant 0 : i32
      %dma_start3A_89 = arith.constant 0 : i32
      %dma_start3A_90 = tpu.memref_slice %arg4[%arg0, %arg1, %dma_start3A_88, %dma_start3A_89] : memref<2x16x40x128xi32, #tpu.memory_space<hbm>> -> memref<1x1x40x128xi32, #tpu.memory_space<hbm>>
      %dma_start3A_91 = tpu.memref_squeeze %dma_start3A_90 : memref<1x1x40x128xi32, #tpu.memory_space<hbm>> -> memref<40x128xi32, #tpu.memory_space<hbm>>
      tpu.enqueue_dma source(%dma_start3A_91 : memref<40x128xi32, #tpu.memory_space<hbm>>) target(%arg11 : memref<40x128xi32, #tpu.memory_space<vmem>>) target_semaphore(%run_scoped3A : memref<!tpu.dma_semaphore, #tpu.memory_space<semaphore_mem>>)
      %dma_wait3A_92 = arith.constant 0 : i32
      %dma_wait3A_93 = arith.constant 0 : i32
      %dma_wait3A_94 = tpu.memref_slice %arg4[%arg0, %arg1, %dma_wait3A_92, %dma_wait3A_93] : memref<2x16x40x128xi32, #tpu.memory_space<hbm>> -> memref<1x1x40x128xi32, #tpu.memory_space<hbm>>
      %dma_wait3A_95 = tpu.memref_squeeze %dma_wait3A_94 : memref<1x1x40x128xi32, #tpu.memory_space<hbm>> -> memref<40x128xi32, #tpu.memory_space<hbm>>
      %dma_wait3A_96 = arith.constant 0 : i32
      %dma_wait3A_97 = arith.constant 0 : i32
      %dma_wait3A_98 = tpu.memref_slice %arg4[%arg0, %arg1, %dma_wait3A_96, %dma_wait3A_97] : memref<2x16x40x128xi32, #tpu.memory_space<hbm>> -> memref<1x1x40x128xi32, #tpu.memory_space<hbm>>
      %dma_wait3A_99 = tpu.memref_squeeze %dma_wait3A_98 : memref<1x1x40x128xi32, #tpu.memory_space<hbm>> -> memref<40x128xi32, #tpu.memory_space<hbm>>
      tpu.wait_dma2 semaphore(%run_scoped3A : memref<!tpu.dma_semaphore, #tpu.memory_space<semaphore_mem>>) src(%dma_wait3A_99 : memref<40x128xi32, #tpu.memory_space<hbm>>) dst(%arg11 : memref<40x128xi32, #tpu.memory_space<vmem>>)
      tpu.yield
    }) : () -> ()
    %barrier3A = arith.constant 0 : index
    tpu.barrier barrier_id(%barrier3A)
    %scan3A = arith.constant 0 : i32
    %scan3A_78 = arith.constant 0 : i32
    %scan3A_79 = arith.constant 40 : i32
    %scan3A_80 = arith.addi %scan3A_78, %scan3A_79 : i32
    %scan3A_81 = arith.constant 1 : i32
    scf.for %scan3A_84 = %scan3A_78 to %scan3A_80 step %scan3A_81  : i32 {
      "tpu.region"() ({
        %run_scoped3A = tpu.sem_alloc : memref<!tpu.dma_semaphore, #tpu.memory_space<semaphore_mem>>
        %dma_start3A_85 = arith.constant 0 : i32
        %dma_start3A_86 = tpu.memref_slice %arg11[%scan3A_84, %dma_start3A_85] : memref<40x128xi32, #tpu.memory_space<vmem>> -> memref<1x128xi32, #tpu.memory_space<vmem>>
        %dma_start3A_87 = tpu.memref_squeeze %dma_start3A_86 : memref<1x128xi32, #tpu.memory_space<vmem>> -> memref<128xi32, #tpu.memory_space<vmem>>
        %dma_start3A_88 = arith.constant 0 : i32
        %dma_start3A_89 = arith.constant 0 : i32
        %dma_start3A_90 = tpu.memref_slice %arg13[%dma_start3A_88, %dma_start3A_89] : memref<10240x16xf32, #tpu.memory_space<vmem_shared>> -> memref<10240x16xf32, #tpu.memory_space<vmem_shared>>
        tpu.enqueue_indirect_dma source(%arg12 : memref<128x16xf32, #tpu.memory_space<vmem>>) target(%dma_start3A_90 : memref<10240x16xf32, #tpu.memory_space<vmem_shared>>) offsets(%dma_start3A_87 : memref<128xi32, #tpu.memory_space<vmem>>) semaphore(%run_scoped3A : memref<!tpu.dma_semaphore, #tpu.memory_space<semaphore_mem>>) {add = true}
        %dma_wait3A_91 = arith.constant 0 : i32
        %dma_wait3A_92 = tpu.memref_slice %arg11[%scan3A_84, %dma_wait3A_91] : memref<40x128xi32, #tpu.memory_space<vmem>> -> memref<1x128xi32, #tpu.memory_space<vmem>>
        %dma_wait3A_93 = tpu.memref_squeeze %dma_wait3A_92 : memref<1x128xi32, #tpu.memory_space<vmem>> -> memref<128xi32, #tpu.memory_space<vmem>>
        %dma_wait3A_94 = arith.constant 0 : i32
        %dma_wait3A_95 = arith.constant 0 : i32
        %dma_wait3A_96 = tpu.memref_slice %arg13[%dma_wait3A_94, %dma_wait3A_95] : memref<10240x16xf32, #tpu.memory_space<vmem_shared>> -> memref<10240x16xf32, #tpu.memory_space<vmem_shared>>
        tpu.wait_indirect_dma semaphore(%run_scoped3A : memref<!tpu.dma_semaphore, #tpu.memory_space<semaphore_mem>>) src(%arg12 : memref<128x16xf32, #tpu.memory_space<vmem>>) dst(%dma_wait3A_96 : memref<10240x16xf32, #tpu.memory_space<vmem_shared>>)
        tpu.yield
      }) : () -> ()
    }
    %scan3A_82 = arith.constant 40 : i32
    %barrier3A_83 = arith.constant 0 : index
    tpu.barrier barrier_id(%barrier3A_83)
    "tpu.region"() ({
      %run_scoped3A = tpu.sem_alloc : memref<!tpu.dma_semaphore, #tpu.memory_space<semaphore_mem>>
      %dma_start3A_84 = arith.constant 0 : i32
      %dma_start3A_85 = tpu.memref_slice %arg8[%arg0, %mul3A_0, %dma_start3A_84] : memref<2x10240x16xf32, #tpu.memory_space<hbm>> -> memref<1x640x16xf32, #tpu.memory_space<hbm>>
      %dma_start3A_86 = tpu.memref_squeeze %dma_start3A_85 : memref<1x640x16xf32, #tpu.memory_space<hbm>> -> memref<640x16xf32, #tpu.memory_space<hbm>>
      %dma_start3A_87 = arith.constant 0 : i32
      %dma_start3A_88 = tpu.memref_slice %arg13[%mul3A_0, %dma_start3A_87] : memref<10240x16xf32, #tpu.memory_space<vmem_shared>> -> memref<640x16xf32, #tpu.memory_space<vmem_shared>>
      tpu.enqueue_dma source(%dma_start3A_88 : memref<640x16xf32, #tpu.memory_space<vmem_shared>>) target(%dma_start3A_86 : memref<640x16xf32, #tpu.memory_space<hbm>>) target_semaphore(%run_scoped3A : memref<!tpu.dma_semaphore, #tpu.memory_space<semaphore_mem>>)
      %dma_wait3A_89 = arith.constant 0 : i32
      %dma_wait3A_90 = tpu.memref_slice %arg8[%arg0, %mul3A_0, %dma_wait3A_89] : memref<2x10240x16xf32, #tpu.memory_space<hbm>> -> memref<1x640x16xf32, #tpu.memory_space<hbm>>
      %dma_wait3A_91 = tpu.memref_squeeze %dma_wait3A_90 : memref<1x640x16xf32, #tpu.memory_space<hbm>> -> memref<640x16xf32, #tpu.memory_space<hbm>>
      %dma_wait3A_92 = arith.constant 0 : i32
      %dma_wait3A_93 = tpu.memref_slice %arg13[%mul3A_0, %dma_wait3A_92] : memref<10240x16xf32, #tpu.memory_space<vmem_shared>> -> memref<640x16xf32, #tpu.memory_space<vmem_shared>>
      tpu.wait_dma2 semaphore(%run_scoped3A : memref<!tpu.dma_semaphore, #tpu.memory_space<semaphore_mem>>) src(%dma_wait3A_93 : memref<640x16xf32, #tpu.memory_space<vmem_shared>>) dst(%dma_wait3A_91 : memref<640x16xf32, #tpu.memory_space<hbm>>)
      tpu.yield
    }) : () -> ()
    return
  }
}

#map = affine_map<(d0, d1) -> (0, 0)>
#map1 = affine_map<(d0, d1) -> (0, 0, 0, 0)>
#map2 = affine_map<(d0, d1) -> (0, 0, 0)>
module attributes {stable_mosaic.version = 14 : i64} {
  func.func @_sc_e_body(%arg0: i32, %arg1: i32, %arg2: memref<40960x128xf32, #tpu.memory_space<hbm>>, %arg3: memref<4x16x80x128xi32, #tpu.memory_space<hbm>>, %arg4: memref<16x80x128xi32, #tpu.memory_space<hbm>>, %arg5: memref<10240x128xf32, #tpu.memory_space<hbm>>, %arg6: memref<4x10240x128xf32, #tpu.memory_space<hbm>>, %arg7: memref<40x128xi32, #tpu.memory_space<vmem>>, %arg8: memref<40x128xi32, #tpu.memory_space<vmem>>, %arg9: memref<2x128x128xf32, #tpu.memory_space<vmem>>, %arg10: memref<10240x128xf32, #tpu.memory_space<vmem_shared>>, %arg11: memref<!tpu.dma_semaphore, #tpu.memory_space<semaphore_mem>>, %arg12: memref<!tpu.dma_semaphore, #tpu.memory_space<semaphore_mem>>) attributes {dimension_semantics = [#tpu.dimension_semantics<core_parallel>, #tpu.dimension_semantics<subcore_parallel>], iteration_bounds = array<i64: 2, 16>, scalar_prefetch = 0 : i64, scratch_operands = 6 : i64, tpu.core_type = #tpu.core_type<sc_vector_subcore>, window_params = [{transform_indices = #map}, {transform_indices = #map1}, {transform_indices = #map2}, {transform_indices = #map}, {transform_indices = #map2}]} {
    %mul3A = arith.constant 640 : i32
    %mul3A_0 = arith.muli %arg1, %mul3A : i32
    %add3A = arith.constant 0 : i32
    %add3A_1 = arith.addi %add3A, %arg0 : i32
    "tpu.region"() ({
      %run_scoped3A = tpu.sem_alloc : memref<!tpu.dma_semaphore, #tpu.memory_space<semaphore_mem>>
      %dma_start3A = arith.constant 0 : i32
      %dma_start3A_30 = tpu.memref_slice %arg10[%mul3A_0, %dma_start3A] : memref<10240x128xf32, #tpu.memory_space<vmem_shared>> -> memref<640x128xf32, #tpu.memory_space<vmem_shared>>
      %dma_start3A_31 = arith.constant 0 : i32
      %dma_start3A_32 = tpu.memref_slice %arg5[%mul3A_0, %dma_start3A_31] : memref<10240x128xf32, #tpu.memory_space<hbm>> -> memref<640x128xf32, #tpu.memory_space<hbm>>
      tpu.enqueue_dma source(%dma_start3A_32 : memref<640x128xf32, #tpu.memory_space<hbm>>) target(%dma_start3A_30 : memref<640x128xf32, #tpu.memory_space<vmem_shared>>) target_semaphore(%run_scoped3A : memref<!tpu.dma_semaphore, #tpu.memory_space<semaphore_mem>>)
      %dma_wait3A = arith.constant 0 : i32
      %dma_wait3A_33 = tpu.memref_slice %arg10[%mul3A_0, %dma_wait3A] : memref<10240x128xf32, #tpu.memory_space<vmem_shared>> -> memref<640x128xf32, #tpu.memory_space<vmem_shared>>
      %dma_wait3A_34 = arith.constant 0 : i32
      %dma_wait3A_35 = tpu.memref_slice %arg5[%mul3A_0, %dma_wait3A_34] : memref<10240x128xf32, #tpu.memory_space<hbm>> -> memref<640x128xf32, #tpu.memory_space<hbm>>
      tpu.wait_dma2 semaphore(%run_scoped3A : memref<!tpu.dma_semaphore, #tpu.memory_space<semaphore_mem>>) src(%dma_wait3A_35 : memref<640x128xf32, #tpu.memory_space<hbm>>) dst(%dma_wait3A_33 : memref<640x128xf32, #tpu.memory_space<vmem_shared>>)
      tpu.yield
    }) : () -> ()
    %barrier3A = arith.constant 0 : index
    tpu.barrier barrier_id(%barrier3A)
    "tpu.region"() ({
      %run_scoped3A = tpu.sem_alloc : memref<!tpu.dma_semaphore, #tpu.memory_space<semaphore_mem>>
      %dma_start3A = arith.constant 0 : i32
      %dma_start3A_30 = arith.constant 0 : i32
      %dma_start3A_31 = tpu.memref_slice %arg3[%add3A_1, %arg1, %dma_start3A, %dma_start3A_30] : memref<4x16x80x128xi32, #tpu.memory_space<hbm>> -> memref<1x1x40x128xi32, #tpu.memory_space<hbm>>
      %dma_start3A_32 = tpu.memref_squeeze %dma_start3A_31 : memref<1x1x40x128xi32, #tpu.memory_space<hbm>> -> memref<40x128xi32, #tpu.memory_space<hbm>>
      %dma_start3A_33 = arith.constant 0 : i32
      %dma_start3A_34 = arith.constant 0 : i32
      %dma_start3A_35 = tpu.memref_slice %arg3[%add3A_1, %arg1, %dma_start3A_33, %dma_start3A_34] : memref<4x16x80x128xi32, #tpu.memory_space<hbm>> -> memref<1x1x40x128xi32, #tpu.memory_space<hbm>>
      %dma_start3A_36 = tpu.memref_squeeze %dma_start3A_35 : memref<1x1x40x128xi32, #tpu.memory_space<hbm>> -> memref<40x128xi32, #tpu.memory_space<hbm>>
      tpu.enqueue_dma source(%dma_start3A_36 : memref<40x128xi32, #tpu.memory_space<hbm>>) target(%arg7 : memref<40x128xi32, #tpu.memory_space<vmem>>) target_semaphore(%run_scoped3A : memref<!tpu.dma_semaphore, #tpu.memory_space<semaphore_mem>>)
      %dma_wait3A = arith.constant 0 : i32
      %dma_wait3A_37 = arith.constant 0 : i32
      %dma_wait3A_38 = tpu.memref_slice %arg3[%add3A_1, %arg1, %dma_wait3A, %dma_wait3A_37] : memref<4x16x80x128xi32, #tpu.memory_space<hbm>> -> memref<1x1x40x128xi32, #tpu.memory_space<hbm>>
      %dma_wait3A_39 = tpu.memref_squeeze %dma_wait3A_38 : memref<1x1x40x128xi32, #tpu.memory_space<hbm>> -> memref<40x128xi32, #tpu.memory_space<hbm>>
      %dma_wait3A_40 = arith.constant 0 : i32
      %dma_wait3A_41 = arith.constant 0 : i32
      %dma_wait3A_42 = tpu.memref_slice %arg3[%add3A_1, %arg1, %dma_wait3A_40, %dma_wait3A_41] : memref<4x16x80x128xi32, #tpu.memory_space<hbm>> -> memref<1x1x40x128xi32, #tpu.memory_space<hbm>>
      %dma_wait3A_43 = tpu.memref_squeeze %dma_wait3A_42 : memref<1x1x40x128xi32, #tpu.memory_space<hbm>> -> memref<40x128xi32, #tpu.memory_space<hbm>>
      tpu.wait_dma2 semaphore(%run_scoped3A : memref<!tpu.dma_semaphore, #tpu.memory_space<semaphore_mem>>) src(%dma_wait3A_43 : memref<40x128xi32, #tpu.memory_space<hbm>>) dst(%arg7 : memref<40x128xi32, #tpu.memory_space<vmem>>)
      tpu.yield
    }) : () -> ()
    "tpu.region"() ({
      %run_scoped3A = tpu.sem_alloc : memref<!tpu.dma_semaphore, #tpu.memory_space<semaphore_mem>>
      %dma_start3A = arith.constant 0 : i32
      %dma_start3A_30 = arith.constant 0 : i32
      %dma_start3A_31 = tpu.memref_slice %arg4[%arg1, %dma_start3A, %dma_start3A_30] : memref<16x80x128xi32, #tpu.memory_space<hbm>> -> memref<1x40x128xi32, #tpu.memory_space<hbm>>
      %dma_start3A_32 = tpu.memref_squeeze %dma_start3A_31 : memref<1x40x128xi32, #tpu.memory_space<hbm>> -> memref<40x128xi32, #tpu.memory_space<hbm>>
      %dma_start3A_33 = arith.constant 0 : i32
      %dma_start3A_34 = arith.constant 0 : i32
      %dma_start3A_35 = tpu.memref_slice %arg4[%arg1, %dma_start3A_33, %dma_start3A_34] : memref<16x80x128xi32, #tpu.memory_space<hbm>> -> memref<1x40x128xi32, #tpu.memory_space<hbm>>
      %dma_start3A_36 = tpu.memref_squeeze %dma_start3A_35 : memref<1x40x128xi32, #tpu.memory_space<hbm>> -> memref<40x128xi32, #tpu.memory_space<hbm>>
      tpu.enqueue_dma source(%dma_start3A_36 : memref<40x128xi32, #tpu.memory_space<hbm>>) target(%arg8 : memref<40x128xi32, #tpu.memory_space<vmem>>) target_semaphore(%run_scoped3A : memref<!tpu.dma_semaphore, #tpu.memory_space<semaphore_mem>>)
      %dma_wait3A = arith.constant 0 : i32
      %dma_wait3A_37 = arith.constant 0 : i32
      %dma_wait3A_38 = tpu.memref_slice %arg4[%arg1, %dma_wait3A, %dma_wait3A_37] : memref<16x80x128xi32, #tpu.memory_space<hbm>> -> memref<1x40x128xi32, #tpu.memory_space<hbm>>
      %dma_wait3A_39 = tpu.memref_squeeze %dma_wait3A_38 : memref<1x40x128xi32, #tpu.memory_space<hbm>> -> memref<40x128xi32, #tpu.memory_space<hbm>>
      %dma_wait3A_40 = arith.constant 0 : i32
      %dma_wait3A_41 = arith.constant 0 : i32
      %dma_wait3A_42 = tpu.memref_slice %arg4[%arg1, %dma_wait3A_40, %dma_wait3A_41] : memref<16x80x128xi32, #tpu.memory_space<hbm>> -> memref<1x40x128xi32, #tpu.memory_space<hbm>>
      %dma_wait3A_43 = tpu.memref_squeeze %dma_wait3A_42 : memref<1x40x128xi32, #tpu.memory_space<hbm>> -> memref<40x128xi32, #tpu.memory_space<hbm>>
      tpu.wait_dma2 semaphore(%run_scoped3A : memref<!tpu.dma_semaphore, #tpu.memory_space<semaphore_mem>>) src(%dma_wait3A_43 : memref<40x128xi32, #tpu.memory_space<hbm>>) dst(%arg8 : memref<40x128xi32, #tpu.memory_space<vmem>>)
      tpu.yield
    }) : () -> ()
    %scan3A = arith.constant 0 : i32
    %scan3A_2 = arith.constant 0 : i32
    %scan3A_3 = arith.constant 40 : i32
    %scan3A_4 = arith.addi %scan3A_2, %scan3A_3 : i32
    %scan3A_5 = arith.constant 1 : i32
    scf.for %scan3A_30 = %scan3A_2 to %scan3A_4 step %scan3A_5  : i32 {
      %dma_start3A = arith.constant 0 : i32
      %dma_start3A_31 = arith.constant 0 : i32
      %dma_start3A_32 = arith.constant 0 : i32
      %dma_start3A_33 = tpu.memref_slice %arg9[%dma_start3A, %dma_start3A_31, %dma_start3A_32] : memref<2x128x128xf32, #tpu.memory_space<vmem>> -> memref<1x128x128xf32, #tpu.memory_space<vmem>>
      %dma_start3A_34 = tpu.memref_squeeze %dma_start3A_33 : memref<1x128x128xf32, #tpu.memory_space<vmem>> -> memref<128x128xf32, #tpu.memory_space<vmem>>
      %dma_start3A_35 = arith.constant 0 : i32
      %dma_start3A_36 = tpu.memref_slice %arg7[%scan3A_30, %dma_start3A_35] : memref<40x128xi32, #tpu.memory_space<vmem>> -> memref<1x128xi32, #tpu.memory_space<vmem>>
      %dma_start3A_37 = tpu.memref_squeeze %dma_start3A_36 : memref<1x128xi32, #tpu.memory_space<vmem>> -> memref<128xi32, #tpu.memory_space<vmem>>
      %dma_start3A_38 = arith.constant 0 : i32
      %dma_start3A_39 = arith.constant 0 : i32
      %dma_start3A_40 = tpu.memref_slice %arg2[%dma_start3A_38, %dma_start3A_39] : memref<40960x128xf32, #tpu.memory_space<hbm>> -> memref<40960x128xf32, #tpu.memory_space<hbm>>
      tpu.enqueue_indirect_dma source(%dma_start3A_40 : memref<40960x128xf32, #tpu.memory_space<hbm>>) target(%dma_start3A_34 : memref<128x128xf32, #tpu.memory_space<vmem>>) offsets(%dma_start3A_37 : memref<128xi32, #tpu.memory_space<vmem>>) semaphore(%arg11 : memref<!tpu.dma_semaphore, #tpu.memory_space<semaphore_mem>>)
      %dma_wait3A = arith.constant 0 : i32
      %dma_wait3A_41 = arith.constant 0 : i32
      %dma_wait3A_42 = arith.constant 0 : i32
      %dma_wait3A_43 = tpu.memref_slice %arg9[%dma_wait3A, %dma_wait3A_41, %dma_wait3A_42] : memref<2x128x128xf32, #tpu.memory_space<vmem>> -> memref<1x128x128xf32, #tpu.memory_space<vmem>>
      %dma_wait3A_44 = tpu.memref_squeeze %dma_wait3A_43 : memref<1x128x128xf32, #tpu.memory_space<vmem>> -> memref<128x128xf32, #tpu.memory_space<vmem>>
      %dma_wait3A_45 = arith.constant 0 : i32
      %dma_wait3A_46 = tpu.memref_slice %arg7[%scan3A_30, %dma_wait3A_45] : memref<40x128xi32, #tpu.memory_space<vmem>> -> memref<1x128xi32, #tpu.memory_space<vmem>>
      %dma_wait3A_47 = tpu.memref_squeeze %dma_wait3A_46 : memref<1x128xi32, #tpu.memory_space<vmem>> -> memref<128xi32, #tpu.memory_space<vmem>>
      %dma_wait3A_48 = arith.constant 0 : i32
      %dma_wait3A_49 = arith.constant 0 : i32
      %dma_wait3A_50 = tpu.memref_slice %arg2[%dma_wait3A_48, %dma_wait3A_49] : memref<40960x128xf32, #tpu.memory_space<hbm>> -> memref<40960x128xf32, #tpu.memory_space<hbm>>
      tpu.wait_indirect_dma semaphore(%arg11 : memref<!tpu.dma_semaphore, #tpu.memory_space<semaphore_mem>>) src(%dma_wait3A_50 : memref<40960x128xf32, #tpu.memory_space<hbm>>) dst(%dma_wait3A_44 : memref<128x128xf32, #tpu.memory_space<vmem>>)
      %run_scoped3A = arith.constant 0 : i32
      "tpu.region"() ({
        %run_scoped3A_51 = tpu.sem_alloc : memref<!tpu.dma_semaphore, #tpu.memory_space<semaphore_mem>>
        %dma_start3A_52 = arith.constant 0 : i32
        %dma_start3A_53 = arith.constant 0 : i32
        %dma_start3A_54 = tpu.memref_slice %arg9[%run_scoped3A, %dma_start3A_52, %dma_start3A_53] : memref<2x128x128xf32, #tpu.memory_space<vmem>> -> memref<1x128x128xf32, #tpu.memory_space<vmem>>
        %dma_start3A_55 = tpu.memref_squeeze %dma_start3A_54 : memref<1x128x128xf32, #tpu.memory_space<vmem>> -> memref<128x128xf32, #tpu.memory_space<vmem>>
        %dma_start3A_56 = arith.constant 0 : i32
        %dma_start3A_57 = tpu.memref_slice %arg8[%scan3A_30, %dma_start3A_56] : memref<40x128xi32, #tpu.memory_space<vmem>> -> memref<1x128xi32, #tpu.memory_space<vmem>>
        %dma_start3A_58 = tpu.memref_squeeze %dma_start3A_57 : memref<1x128xi32, #tpu.memory_space<vmem>> -> memref<128xi32, #tpu.memory_space<vmem>>
        %dma_start3A_59 = arith.constant 0 : i32
        %dma_start3A_60 = arith.constant 0 : i32
        %dma_start3A_61 = tpu.memref_slice %arg10[%dma_start3A_59, %dma_start3A_60] : memref<10240x128xf32, #tpu.memory_space<vmem_shared>> -> memref<10240x128xf32, #tpu.memory_space<vmem_shared>>
        tpu.enqueue_indirect_dma source(%dma_start3A_55 : memref<128x128xf32, #tpu.memory_space<vmem>>) target(%dma_start3A_61 : memref<10240x128xf32, #tpu.memory_space<vmem_shared>>) offsets(%dma_start3A_58 : memref<128xi32, #tpu.memory_space<vmem>>) semaphore(%run_scoped3A_51 : memref<!tpu.dma_semaphore, #tpu.memory_space<semaphore_mem>>) {add = true}
        %dma_wait3A_62 = arith.constant 0 : i32
        %dma_wait3A_63 = arith.constant 0 : i32
        %dma_wait3A_64 = tpu.memref_slice %arg9[%run_scoped3A, %dma_wait3A_62, %dma_wait3A_63] : memref<2x128x128xf32, #tpu.memory_space<vmem>> -> memref<1x128x128xf32, #tpu.memory_space<vmem>>
        %dma_wait3A_65 = tpu.memref_squeeze %dma_wait3A_64 : memref<1x128x128xf32, #tpu.memory_space<vmem>> -> memref<128x128xf32, #tpu.memory_space<vmem>>
        %dma_wait3A_66 = arith.constant 0 : i32
        %dma_wait3A_67 = tpu.memref_slice %arg8[%scan3A_30, %dma_wait3A_66] : memref<40x128xi32, #tpu.memory_space<vmem>> -> memref<1x128xi32, #tpu.memory_space<vmem>>
        %dma_wait3A_68 = tpu.memref_squeeze %dma_wait3A_67 : memref<1x128xi32, #tpu.memory_space<vmem>> -> memref<128xi32, #tpu.memory_space<vmem>>
        %dma_wait3A_69 = arith.constant 0 : i32
        %dma_wait3A_70 = arith.constant 0 : i32
        %dma_wait3A_71 = tpu.memref_slice %arg10[%dma_wait3A_69, %dma_wait3A_70] : memref<10240x128xf32, #tpu.memory_space<vmem_shared>> -> memref<10240x128xf32, #tpu.memory_space<vmem_shared>>
        tpu.wait_indirect_dma semaphore(%run_scoped3A_51 : memref<!tpu.dma_semaphore, #tpu.memory_space<semaphore_mem>>) src(%dma_wait3A_65 : memref<128x128xf32, #tpu.memory_space<vmem>>) dst(%dma_wait3A_71 : memref<10240x128xf32, #tpu.memory_space<vmem_shared>>)
        tpu.yield
      }) : () -> ()
    }
    %scan3A_6 = arith.constant 40 : i32
    "tpu.region"() ({
      %run_scoped3A = tpu.sem_alloc : memref<!tpu.dma_semaphore, #tpu.memory_space<semaphore_mem>>
      %dma_start3A = arith.constant 40 : i32
      %dma_start3A_30 = arith.constant 0 : i32
      %dma_start3A_31 = tpu.memref_slice %arg3[%add3A_1, %arg1, %dma_start3A, %dma_start3A_30] : memref<4x16x80x128xi32, #tpu.memory_space<hbm>> -> memref<1x1x40x128xi32, #tpu.memory_space<hbm>>
      %dma_start3A_32 = tpu.memref_squeeze %dma_start3A_31 : memref<1x1x40x128xi32, #tpu.memory_space<hbm>> -> memref<40x128xi32, #tpu.memory_space<hbm>>
      %dma_start3A_33 = arith.constant 40 : i32
      %dma_start3A_34 = arith.constant 0 : i32
      %dma_start3A_35 = tpu.memref_slice %arg3[%add3A_1, %arg1, %dma_start3A_33, %dma_start3A_34] : memref<4x16x80x128xi32, #tpu.memory_space<hbm>> -> memref<1x1x40x128xi32, #tpu.memory_space<hbm>>
      %dma_start3A_36 = tpu.memref_squeeze %dma_start3A_35 : memref<1x1x40x128xi32, #tpu.memory_space<hbm>> -> memref<40x128xi32, #tpu.memory_space<hbm>>
      tpu.enqueue_dma source(%dma_start3A_36 : memref<40x128xi32, #tpu.memory_space<hbm>>) target(%arg7 : memref<40x128xi32, #tpu.memory_space<vmem>>) target_semaphore(%run_scoped3A : memref<!tpu.dma_semaphore, #tpu.memory_space<semaphore_mem>>)
      %dma_wait3A = arith.constant 40 : i32
      %dma_wait3A_37 = arith.constant 0 : i32
      %dma_wait3A_38 = tpu.memref_slice %arg3[%add3A_1, %arg1, %dma_wait3A, %dma_wait3A_37] : memref<4x16x80x128xi32, #tpu.memory_space<hbm>> -> memref<1x1x40x128xi32, #tpu.memory_space<hbm>>
      %dma_wait3A_39 = tpu.memref_squeeze %dma_wait3A_38 : memref<1x1x40x128xi32, #tpu.memory_space<hbm>> -> memref<40x128xi32, #tpu.memory_space<hbm>>
      %dma_wait3A_40 = arith.constant 40 : i32
      %dma_wait3A_41 = arith.constant 0 : i32
      %dma_wait3A_42 = tpu.memref_slice %arg3[%add3A_1, %arg1, %dma_wait3A_40, %dma_wait3A_41] : memref<4x16x80x128xi32, #tpu.memory_space<hbm>> -> memref<1x1x40x128xi32, #tpu.memory_space<hbm>>
      %dma_wait3A_43 = tpu.memref_squeeze %dma_wait3A_42 : memref<1x1x40x128xi32, #tpu.memory_space<hbm>> -> memref<40x128xi32, #tpu.memory_space<hbm>>
      tpu.wait_dma2 semaphore(%run_scoped3A : memref<!tpu.dma_semaphore, #tpu.memory_space<semaphore_mem>>) src(%dma_wait3A_43 : memref<40x128xi32, #tpu.memory_space<hbm>>) dst(%arg7 : memref<40x128xi32, #tpu.memory_space<vmem>>)
      tpu.yield
    }) : () -> ()
    "tpu.region"() ({
      %run_scoped3A = tpu.sem_alloc : memref<!tpu.dma_semaphore, #tpu.memory_space<semaphore_mem>>
      %dma_start3A = arith.constant 40 : i32
      %dma_start3A_30 = arith.constant 0 : i32
      %dma_start3A_31 = tpu.memref_slice %arg4[%arg1, %dma_start3A, %dma_start3A_30] : memref<16x80x128xi32, #tpu.memory_space<hbm>> -> memref<1x40x128xi32, #tpu.memory_space<hbm>>
      %dma_start3A_32 = tpu.memref_squeeze %dma_start3A_31 : memref<1x40x128xi32, #tpu.memory_space<hbm>> -> memref<40x128xi32, #tpu.memory_space<hbm>>
      %dma_start3A_33 = arith.constant 40 : i32
      %dma_start3A_34 = arith.constant 0 : i32
      %dma_start3A_35 = tpu.memref_slice %arg4[%arg1, %dma_start3A_33, %dma_start3A_34] : memref<16x80x128xi32, #tpu.memory_space<hbm>> -> memref<1x40x128xi32, #tpu.memory_space<hbm>>
      %dma_start3A_36 = tpu.memref_squeeze %dma_start3A_35 : memref<1x40x128xi32, #tpu.memory_space<hbm>> -> memref<40x128xi32, #tpu.memory_space<hbm>>
      tpu.enqueue_dma source(%dma_start3A_36 : memref<40x128xi32, #tpu.memory_space<hbm>>) target(%arg8 : memref<40x128xi32, #tpu.memory_space<vmem>>) target_semaphore(%run_scoped3A : memref<!tpu.dma_semaphore, #tpu.memory_space<semaphore_mem>>)
      %dma_wait3A = arith.constant 40 : i32
      %dma_wait3A_37 = arith.constant 0 : i32
      %dma_wait3A_38 = tpu.memref_slice %arg4[%arg1, %dma_wait3A, %dma_wait3A_37] : memref<16x80x128xi32, #tpu.memory_space<hbm>> -> memref<1x40x128xi32, #tpu.memory_space<hbm>>
      %dma_wait3A_39 = tpu.memref_squeeze %dma_wait3A_38 : memref<1x40x128xi32, #tpu.memory_space<hbm>> -> memref<40x128xi32, #tpu.memory_space<hbm>>
      %dma_wait3A_40 = arith.constant 40 : i32
      %dma_wait3A_41 = arith.constant 0 : i32
      %dma_wait3A_42 = tpu.memref_slice %arg4[%arg1, %dma_wait3A_40, %dma_wait3A_41] : memref<16x80x128xi32, #tpu.memory_space<hbm>> -> memref<1x40x128xi32, #tpu.memory_space<hbm>>
      %dma_wait3A_43 = tpu.memref_squeeze %dma_wait3A_42 : memref<1x40x128xi32, #tpu.memory_space<hbm>> -> memref<40x128xi32, #tpu.memory_space<hbm>>
      tpu.wait_dma2 semaphore(%run_scoped3A : memref<!tpu.dma_semaphore, #tpu.memory_space<semaphore_mem>>) src(%dma_wait3A_43 : memref<40x128xi32, #tpu.memory_space<hbm>>) dst(%arg8 : memref<40x128xi32, #tpu.memory_space<vmem>>)
      tpu.yield
    }) : () -> ()
    %scan3A_7 = arith.constant 0 : i32
    %scan3A_8 = arith.constant 0 : i32
    %scan3A_9 = arith.constant 40 : i32
    %scan3A_10 = arith.addi %scan3A_8, %scan3A_9 : i32
    %scan3A_11 = arith.constant 1 : i32
    scf.for %scan3A_30 = %scan3A_8 to %scan3A_10 step %scan3A_11  : i32 {
      %dma_start3A = arith.constant 0 : i32
      %dma_start3A_31 = arith.constant 0 : i32
      %dma_start3A_32 = arith.constant 0 : i32
      %dma_start3A_33 = tpu.memref_slice %arg9[%dma_start3A, %dma_start3A_31, %dma_start3A_32] : memref<2x128x128xf32, #tpu.memory_space<vmem>> -> memref<1x128x128xf32, #tpu.memory_space<vmem>>
      %dma_start3A_34 = tpu.memref_squeeze %dma_start3A_33 : memref<1x128x128xf32, #tpu.memory_space<vmem>> -> memref<128x128xf32, #tpu.memory_space<vmem>>
      %dma_start3A_35 = arith.constant 0 : i32
      %dma_start3A_36 = tpu.memref_slice %arg7[%scan3A_30, %dma_start3A_35] : memref<40x128xi32, #tpu.memory_space<vmem>> -> memref<1x128xi32, #tpu.memory_space<vmem>>
      %dma_start3A_37 = tpu.memref_squeeze %dma_start3A_36 : memref<1x128xi32, #tpu.memory_space<vmem>> -> memref<128xi32, #tpu.memory_space<vmem>>
      %dma_start3A_38 = arith.constant 0 : i32
      %dma_start3A_39 = arith.constant 0 : i32
      %dma_start3A_40 = tpu.memref_slice %arg2[%dma_start3A_38, %dma_start3A_39] : memref<40960x128xf32, #tpu.memory_space<hbm>> -> memref<40960x128xf32, #tpu.memory_space<hbm>>
      tpu.enqueue_indirect_dma source(%dma_start3A_40 : memref<40960x128xf32, #tpu.memory_space<hbm>>) target(%dma_start3A_34 : memref<128x128xf32, #tpu.memory_space<vmem>>) offsets(%dma_start3A_37 : memref<128xi32, #tpu.memory_space<vmem>>) semaphore(%arg11 : memref<!tpu.dma_semaphore, #tpu.memory_space<semaphore_mem>>)
      %dma_wait3A = arith.constant 0 : i32
      %dma_wait3A_41 = arith.constant 0 : i32
      %dma_wait3A_42 = arith.constant 0 : i32
      %dma_wait3A_43 = tpu.memref_slice %arg9[%dma_wait3A, %dma_wait3A_41, %dma_wait3A_42] : memref<2x128x128xf32, #tpu.memory_space<vmem>> -> memref<1x128x128xf32, #tpu.memory_space<vmem>>
      %dma_wait3A_44 = tpu.memref_squeeze %dma_wait3A_43 : memref<1x128x128xf32, #tpu.memory_space<vmem>> -> memref<128x128xf32, #tpu.memory_space<vmem>>
      %dma_wait3A_45 = arith.constant 0 : i32
      %dma_wait3A_46 = tpu.memref_slice %arg7[%scan3A_30, %dma_wait3A_45] : memref<40x128xi32, #tpu.memory_space<vmem>> -> memref<1x128xi32, #tpu.memory_space<vmem>>
      %dma_wait3A_47 = tpu.memref_squeeze %dma_wait3A_46 : memref<1x128xi32, #tpu.memory_space<vmem>> -> memref<128xi32, #tpu.memory_space<vmem>>
      %dma_wait3A_48 = arith.constant 0 : i32
      %dma_wait3A_49 = arith.constant 0 : i32
      %dma_wait3A_50 = tpu.memref_slice %arg2[%dma_wait3A_48, %dma_wait3A_49] : memref<40960x128xf32, #tpu.memory_space<hbm>> -> memref<40960x128xf32, #tpu.memory_space<hbm>>
      tpu.wait_indirect_dma semaphore(%arg11 : memref<!tpu.dma_semaphore, #tpu.memory_space<semaphore_mem>>) src(%dma_wait3A_50 : memref<40960x128xf32, #tpu.memory_space<hbm>>) dst(%dma_wait3A_44 : memref<128x128xf32, #tpu.memory_space<vmem>>)
      %run_scoped3A = arith.constant 0 : i32
      "tpu.region"() ({
        %run_scoped3A_51 = tpu.sem_alloc : memref<!tpu.dma_semaphore, #tpu.memory_space<semaphore_mem>>
        %dma_start3A_52 = arith.constant 0 : i32
        %dma_start3A_53 = arith.constant 0 : i32
        %dma_start3A_54 = tpu.memref_slice %arg9[%run_scoped3A, %dma_start3A_52, %dma_start3A_53] : memref<2x128x128xf32, #tpu.memory_space<vmem>> -> memref<1x128x128xf32, #tpu.memory_space<vmem>>
        %dma_start3A_55 = tpu.memref_squeeze %dma_start3A_54 : memref<1x128x128xf32, #tpu.memory_space<vmem>> -> memref<128x128xf32, #tpu.memory_space<vmem>>
        %dma_start3A_56 = arith.constant 0 : i32
        %dma_start3A_57 = tpu.memref_slice %arg8[%scan3A_30, %dma_start3A_56] : memref<40x128xi32, #tpu.memory_space<vmem>> -> memref<1x128xi32, #tpu.memory_space<vmem>>
        %dma_start3A_58 = tpu.memref_squeeze %dma_start3A_57 : memref<1x128xi32, #tpu.memory_space<vmem>> -> memref<128xi32, #tpu.memory_space<vmem>>
        %dma_start3A_59 = arith.constant 0 : i32
        %dma_start3A_60 = arith.constant 0 : i32
        %dma_start3A_61 = tpu.memref_slice %arg10[%dma_start3A_59, %dma_start3A_60] : memref<10240x128xf32, #tpu.memory_space<vmem_shared>> -> memref<10240x128xf32, #tpu.memory_space<vmem_shared>>
        tpu.enqueue_indirect_dma source(%dma_start3A_55 : memref<128x128xf32, #tpu.memory_space<vmem>>) target(%dma_start3A_61 : memref<10240x128xf32, #tpu.memory_space<vmem_shared>>) offsets(%dma_start3A_58 : memref<128xi32, #tpu.memory_space<vmem>>) semaphore(%run_scoped3A_51 : memref<!tpu.dma_semaphore, #tpu.memory_space<semaphore_mem>>) {add = true}
        %dma_wait3A_62 = arith.constant 0 : i32
        %dma_wait3A_63 = arith.constant 0 : i32
        %dma_wait3A_64 = tpu.memref_slice %arg9[%run_scoped3A, %dma_wait3A_62, %dma_wait3A_63] : memref<2x128x128xf32, #tpu.memory_space<vmem>> -> memref<1x128x128xf32, #tpu.memory_space<vmem>>
        %dma_wait3A_65 = tpu.memref_squeeze %dma_wait3A_64 : memref<1x128x128xf32, #tpu.memory_space<vmem>> -> memref<128x128xf32, #tpu.memory_space<vmem>>
        %dma_wait3A_66 = arith.constant 0 : i32
        %dma_wait3A_67 = tpu.memref_slice %arg8[%scan3A_30, %dma_wait3A_66] : memref<40x128xi32, #tpu.memory_space<vmem>> -> memref<1x128xi32, #tpu.memory_space<vmem>>
        %dma_wait3A_68 = tpu.memref_squeeze %dma_wait3A_67 : memref<1x128xi32, #tpu.memory_space<vmem>> -> memref<128xi32, #tpu.memory_space<vmem>>
        %dma_wait3A_69 = arith.constant 0 : i32
        %dma_wait3A_70 = arith.constant 0 : i32
        %dma_wait3A_71 = tpu.memref_slice %arg10[%dma_wait3A_69, %dma_wait3A_70] : memref<10240x128xf32, #tpu.memory_space<vmem_shared>> -> memref<10240x128xf32, #tpu.memory_space<vmem_shared>>
        tpu.wait_indirect_dma semaphore(%run_scoped3A_51 : memref<!tpu.dma_semaphore, #tpu.memory_space<semaphore_mem>>) src(%dma_wait3A_65 : memref<128x128xf32, #tpu.memory_space<vmem>>) dst(%dma_wait3A_71 : memref<10240x128xf32, #tpu.memory_space<vmem_shared>>)
        tpu.yield
      }) : () -> ()
    }
    %scan3A_12 = arith.constant 40 : i32
    %barrier3A_13 = arith.constant 0 : index
    tpu.barrier barrier_id(%barrier3A_13)
    "tpu.region"() ({
      %run_scoped3A = tpu.sem_alloc : memref<!tpu.dma_semaphore, #tpu.memory_space<semaphore_mem>>
      %dma_start3A = arith.constant 0 : i32
      %dma_start3A_30 = tpu.memref_slice %arg6[%add3A_1, %mul3A_0, %dma_start3A] : memref<4x10240x128xf32, #tpu.memory_space<hbm>> -> memref<1x640x128xf32, #tpu.memory_space<hbm>>
      %dma_start3A_31 = tpu.memref_squeeze %dma_start3A_30 : memref<1x640x128xf32, #tpu.memory_space<hbm>> -> memref<640x128xf32, #tpu.memory_space<hbm>>
      %dma_start3A_32 = arith.constant 0 : i32
      %dma_start3A_33 = tpu.memref_slice %arg10[%mul3A_0, %dma_start3A_32] : memref<10240x128xf32, #tpu.memory_space<vmem_shared>> -> memref<640x128xf32, #tpu.memory_space<vmem_shared>>
      tpu.enqueue_dma source(%dma_start3A_33 : memref<640x128xf32, #tpu.memory_space<vmem_shared>>) target(%dma_start3A_31 : memref<640x128xf32, #tpu.memory_space<hbm>>) target_semaphore(%run_scoped3A : memref<!tpu.dma_semaphore, #tpu.memory_space<semaphore_mem>>)
      %dma_wait3A = arith.constant 0 : i32
      %dma_wait3A_34 = tpu.memref_slice %arg6[%add3A_1, %mul3A_0, %dma_wait3A] : memref<4x10240x128xf32, #tpu.memory_space<hbm>> -> memref<1x640x128xf32, #tpu.memory_space<hbm>>
      %dma_wait3A_35 = tpu.memref_squeeze %dma_wait3A_34 : memref<1x640x128xf32, #tpu.memory_space<hbm>> -> memref<640x128xf32, #tpu.memory_space<hbm>>
      %dma_wait3A_36 = arith.constant 0 : i32
      %dma_wait3A_37 = tpu.memref_slice %arg10[%mul3A_0, %dma_wait3A_36] : memref<10240x128xf32, #tpu.memory_space<vmem_shared>> -> memref<640x128xf32, #tpu.memory_space<vmem_shared>>
      tpu.wait_dma2 semaphore(%run_scoped3A : memref<!tpu.dma_semaphore, #tpu.memory_space<semaphore_mem>>) src(%dma_wait3A_37 : memref<640x128xf32, #tpu.memory_space<vmem_shared>>) dst(%dma_wait3A_35 : memref<640x128xf32, #tpu.memory_space<hbm>>)
      tpu.yield
    }) : () -> ()
    %add3A_14 = arith.constant 2 : i32
    %add3A_15 = arith.addi %add3A_14, %arg0 : i32
    "tpu.region"() ({
      %run_scoped3A = tpu.sem_alloc : memref<!tpu.dma_semaphore, #tpu.memory_space<semaphore_mem>>
      %dma_start3A = arith.constant 0 : i32
      %dma_start3A_30 = tpu.memref_slice %arg10[%mul3A_0, %dma_start3A] : memref<10240x128xf32, #tpu.memory_space<vmem_shared>> -> memref<640x128xf32, #tpu.memory_space<vmem_shared>>
      %dma_start3A_31 = arith.constant 0 : i32
      %dma_start3A_32 = tpu.memref_slice %arg5[%mul3A_0, %dma_start3A_31] : memref<10240x128xf32, #tpu.memory_space<hbm>> -> memref<640x128xf32, #tpu.memory_space<hbm>>
      tpu.enqueue_dma source(%dma_start3A_32 : memref<640x128xf32, #tpu.memory_space<hbm>>) target(%dma_start3A_30 : memref<640x128xf32, #tpu.memory_space<vmem_shared>>) target_semaphore(%run_scoped3A : memref<!tpu.dma_semaphore, #tpu.memory_space<semaphore_mem>>)
      %dma_wait3A = arith.constant 0 : i32
      %dma_wait3A_33 = tpu.memref_slice %arg10[%mul3A_0, %dma_wait3A] : memref<10240x128xf32, #tpu.memory_space<vmem_shared>> -> memref<640x128xf32, #tpu.memory_space<vmem_shared>>
      %dma_wait3A_34 = arith.constant 0 : i32
      %dma_wait3A_35 = tpu.memref_slice %arg5[%mul3A_0, %dma_wait3A_34] : memref<10240x128xf32, #tpu.memory_space<hbm>> -> memref<640x128xf32, #tpu.memory_space<hbm>>
      tpu.wait_dma2 semaphore(%run_scoped3A : memref<!tpu.dma_semaphore, #tpu.memory_space<semaphore_mem>>) src(%dma_wait3A_35 : memref<640x128xf32, #tpu.memory_space<hbm>>) dst(%dma_wait3A_33 : memref<640x128xf32, #tpu.memory_space<vmem_shared>>)
      tpu.yield
    }) : () -> ()
    %barrier3A_16 = arith.constant 0 : index
    tpu.barrier barrier_id(%barrier3A_16)
    "tpu.region"() ({
      %run_scoped3A = tpu.sem_alloc : memref<!tpu.dma_semaphore, #tpu.memory_space<semaphore_mem>>
      %dma_start3A = arith.constant 0 : i32
      %dma_start3A_30 = arith.constant 0 : i32
      %dma_start3A_31 = tpu.memref_slice %arg3[%add3A_15, %arg1, %dma_start3A, %dma_start3A_30] : memref<4x16x80x128xi32, #tpu.memory_space<hbm>> -> memref<1x1x40x128xi32, #tpu.memory_space<hbm>>
      %dma_start3A_32 = tpu.memref_squeeze %dma_start3A_31 : memref<1x1x40x128xi32, #tpu.memory_space<hbm>> -> memref<40x128xi32, #tpu.memory_space<hbm>>
      %dma_start3A_33 = arith.constant 0 : i32
      %dma_start3A_34 = arith.constant 0 : i32
      %dma_start3A_35 = tpu.memref_slice %arg3[%add3A_15, %arg1, %dma_start3A_33, %dma_start3A_34] : memref<4x16x80x128xi32, #tpu.memory_space<hbm>> -> memref<1x1x40x128xi32, #tpu.memory_space<hbm>>
      %dma_start3A_36 = tpu.memref_squeeze %dma_start3A_35 : memref<1x1x40x128xi32, #tpu.memory_space<hbm>> -> memref<40x128xi32, #tpu.memory_space<hbm>>
      tpu.enqueue_dma source(%dma_start3A_36 : memref<40x128xi32, #tpu.memory_space<hbm>>) target(%arg7 : memref<40x128xi32, #tpu.memory_space<vmem>>) target_semaphore(%run_scoped3A : memref<!tpu.dma_semaphore, #tpu.memory_space<semaphore_mem>>)
      %dma_wait3A = arith.constant 0 : i32
      %dma_wait3A_37 = arith.constant 0 : i32
      %dma_wait3A_38 = tpu.memref_slice %arg3[%add3A_15, %arg1, %dma_wait3A, %dma_wait3A_37] : memref<4x16x80x128xi32, #tpu.memory_space<hbm>> -> memref<1x1x40x128xi32, #tpu.memory_space<hbm>>
      %dma_wait3A_39 = tpu.memref_squeeze %dma_wait3A_38 : memref<1x1x40x128xi32, #tpu.memory_space<hbm>> -> memref<40x128xi32, #tpu.memory_space<hbm>>
      %dma_wait3A_40 = arith.constant 0 : i32
      %dma_wait3A_41 = arith.constant 0 : i32
      %dma_wait3A_42 = tpu.memref_slice %arg3[%add3A_15, %arg1, %dma_wait3A_40, %dma_wait3A_41] : memref<4x16x80x128xi32, #tpu.memory_space<hbm>> -> memref<1x1x40x128xi32, #tpu.memory_space<hbm>>
      %dma_wait3A_43 = tpu.memref_squeeze %dma_wait3A_42 : memref<1x1x40x128xi32, #tpu.memory_space<hbm>> -> memref<40x128xi32, #tpu.memory_space<hbm>>
      tpu.wait_dma2 semaphore(%run_scoped3A : memref<!tpu.dma_semaphore, #tpu.memory_space<semaphore_mem>>) src(%dma_wait3A_43 : memref<40x128xi32, #tpu.memory_space<hbm>>) dst(%arg7 : memref<40x128xi32, #tpu.memory_space<vmem>>)
      tpu.yield
    }) : () -> ()
    "tpu.region"() ({
      %run_scoped3A = tpu.sem_alloc : memref<!tpu.dma_semaphore, #tpu.memory_space<semaphore_mem>>
      %dma_start3A = arith.constant 0 : i32
      %dma_start3A_30 = arith.constant 0 : i32
      %dma_start3A_31 = tpu.memref_slice %arg4[%arg1, %dma_start3A, %dma_start3A_30] : memref<16x80x128xi32, #tpu.memory_space<hbm>> -> memref<1x40x128xi32, #tpu.memory_space<hbm>>
      %dma_start3A_32 = tpu.memref_squeeze %dma_start3A_31 : memref<1x40x128xi32, #tpu.memory_space<hbm>> -> memref<40x128xi32, #tpu.memory_space<hbm>>
      %dma_start3A_33 = arith.constant 0 : i32
      %dma_start3A_34 = arith.constant 0 : i32
      %dma_start3A_35 = tpu.memref_slice %arg4[%arg1, %dma_start3A_33, %dma_start3A_34] : memref<16x80x128xi32, #tpu.memory_space<hbm>> -> memref<1x40x128xi32, #tpu.memory_space<hbm>>
      %dma_start3A_36 = tpu.memref_squeeze %dma_start3A_35 : memref<1x40x128xi32, #tpu.memory_space<hbm>> -> memref<40x128xi32, #tpu.memory_space<hbm>>
      tpu.enqueue_dma source(%dma_start3A_36 : memref<40x128xi32, #tpu.memory_space<hbm>>) target(%arg8 : memref<40x128xi32, #tpu.memory_space<vmem>>) target_semaphore(%run_scoped3A : memref<!tpu.dma_semaphore, #tpu.memory_space<semaphore_mem>>)
      %dma_wait3A = arith.constant 0 : i32
      %dma_wait3A_37 = arith.constant 0 : i32
      %dma_wait3A_38 = tpu.memref_slice %arg4[%arg1, %dma_wait3A, %dma_wait3A_37] : memref<16x80x128xi32, #tpu.memory_space<hbm>> -> memref<1x40x128xi32, #tpu.memory_space<hbm>>
      %dma_wait3A_39 = tpu.memref_squeeze %dma_wait3A_38 : memref<1x40x128xi32, #tpu.memory_space<hbm>> -> memref<40x128xi32, #tpu.memory_space<hbm>>
      %dma_wait3A_40 = arith.constant 0 : i32
      %dma_wait3A_41 = arith.constant 0 : i32
      %dma_wait3A_42 = tpu.memref_slice %arg4[%arg1, %dma_wait3A_40, %dma_wait3A_41] : memref<16x80x128xi32, #tpu.memory_space<hbm>> -> memref<1x40x128xi32, #tpu.memory_space<hbm>>
      %dma_wait3A_43 = tpu.memref_squeeze %dma_wait3A_42 : memref<1x40x128xi32, #tpu.memory_space<hbm>> -> memref<40x128xi32, #tpu.memory_space<hbm>>
      tpu.wait_dma2 semaphore(%run_scoped3A : memref<!tpu.dma_semaphore, #tpu.memory_space<semaphore_mem>>) src(%dma_wait3A_43 : memref<40x128xi32, #tpu.memory_space<hbm>>) dst(%arg8 : memref<40x128xi32, #tpu.memory_space<vmem>>)
      tpu.yield
    }) : () -> ()
    %scan3A_17 = arith.constant 0 : i32
    %scan3A_18 = arith.constant 0 : i32
    %scan3A_19 = arith.constant 40 : i32
    %scan3A_20 = arith.addi %scan3A_18, %scan3A_19 : i32
    %scan3A_21 = arith.constant 1 : i32
    scf.for %scan3A_30 = %scan3A_18 to %scan3A_20 step %scan3A_21  : i32 {
      %dma_start3A = arith.constant 0 : i32
      %dma_start3A_31 = arith.constant 0 : i32
      %dma_start3A_32 = arith.constant 0 : i32
      %dma_start3A_33 = tpu.memref_slice %arg9[%dma_start3A, %dma_start3A_31, %dma_start3A_32] : memref<2x128x128xf32, #tpu.memory_space<vmem>> -> memref<1x128x128xf32, #tpu.memory_space<vmem>>
      %dma_start3A_34 = tpu.memref_squeeze %dma_start3A_33 : memref<1x128x128xf32, #tpu.memory_space<vmem>> -> memref<128x128xf32, #tpu.memory_space<vmem>>
      %dma_start3A_35 = arith.constant 0 : i32
      %dma_start3A_36 = tpu.memref_slice %arg7[%scan3A_30, %dma_start3A_35] : memref<40x128xi32, #tpu.memory_space<vmem>> -> memref<1x128xi32, #tpu.memory_space<vmem>>
      %dma_start3A_37 = tpu.memref_squeeze %dma_start3A_36 : memref<1x128xi32, #tpu.memory_space<vmem>> -> memref<128xi32, #tpu.memory_space<vmem>>
      %dma_start3A_38 = arith.constant 0 : i32
      %dma_start3A_39 = arith.constant 0 : i32
      %dma_start3A_40 = tpu.memref_slice %arg2[%dma_start3A_38, %dma_start3A_39] : memref<40960x128xf32, #tpu.memory_space<hbm>> -> memref<40960x128xf32, #tpu.memory_space<hbm>>
      tpu.enqueue_indirect_dma source(%dma_start3A_40 : memref<40960x128xf32, #tpu.memory_space<hbm>>) target(%dma_start3A_34 : memref<128x128xf32, #tpu.memory_space<vmem>>) offsets(%dma_start3A_37 : memref<128xi32, #tpu.memory_space<vmem>>) semaphore(%arg11 : memref<!tpu.dma_semaphore, #tpu.memory_space<semaphore_mem>>)
      %dma_wait3A = arith.constant 0 : i32
      %dma_wait3A_41 = arith.constant 0 : i32
      %dma_wait3A_42 = arith.constant 0 : i32
      %dma_wait3A_43 = tpu.memref_slice %arg9[%dma_wait3A, %dma_wait3A_41, %dma_wait3A_42] : memref<2x128x128xf32, #tpu.memory_space<vmem>> -> memref<1x128x128xf32, #tpu.memory_space<vmem>>
      %dma_wait3A_44 = tpu.memref_squeeze %dma_wait3A_43 : memref<1x128x128xf32, #tpu.memory_space<vmem>> -> memref<128x128xf32, #tpu.memory_space<vmem>>
      %dma_wait3A_45 = arith.constant 0 : i32
      %dma_wait3A_46 = tpu.memref_slice %arg7[%scan3A_30, %dma_wait3A_45] : memref<40x128xi32, #tpu.memory_space<vmem>> -> memref<1x128xi32, #tpu.memory_space<vmem>>
      %dma_wait3A_47 = tpu.memref_squeeze %dma_wait3A_46 : memref<1x128xi32, #tpu.memory_space<vmem>> -> memref<128xi32, #tpu.memory_space<vmem>>
      %dma_wait3A_48 = arith.constant 0 : i32
      %dma_wait3A_49 = arith.constant 0 : i32
      %dma_wait3A_50 = tpu.memref_slice %arg2[%dma_wait3A_48, %dma_wait3A_49] : memref<40960x128xf32, #tpu.memory_space<hbm>> -> memref<40960x128xf32, #tpu.memory_space<hbm>>
      tpu.wait_indirect_dma semaphore(%arg11 : memref<!tpu.dma_semaphore, #tpu.memory_space<semaphore_mem>>) src(%dma_wait3A_50 : memref<40960x128xf32, #tpu.memory_space<hbm>>) dst(%dma_wait3A_44 : memref<128x128xf32, #tpu.memory_space<vmem>>)
      %run_scoped3A = arith.constant 0 : i32
      "tpu.region"() ({
        %run_scoped3A_51 = tpu.sem_alloc : memref<!tpu.dma_semaphore, #tpu.memory_space<semaphore_mem>>
        %dma_start3A_52 = arith.constant 0 : i32
        %dma_start3A_53 = arith.constant 0 : i32
        %dma_start3A_54 = tpu.memref_slice %arg9[%run_scoped3A, %dma_start3A_52, %dma_start3A_53] : memref<2x128x128xf32, #tpu.memory_space<vmem>> -> memref<1x128x128xf32, #tpu.memory_space<vmem>>
        %dma_start3A_55 = tpu.memref_squeeze %dma_start3A_54 : memref<1x128x128xf32, #tpu.memory_space<vmem>> -> memref<128x128xf32, #tpu.memory_space<vmem>>
        %dma_start3A_56 = arith.constant 0 : i32
        %dma_start3A_57 = tpu.memref_slice %arg8[%scan3A_30, %dma_start3A_56] : memref<40x128xi32, #tpu.memory_space<vmem>> -> memref<1x128xi32, #tpu.memory_space<vmem>>
        %dma_start3A_58 = tpu.memref_squeeze %dma_start3A_57 : memref<1x128xi32, #tpu.memory_space<vmem>> -> memref<128xi32, #tpu.memory_space<vmem>>
        %dma_start3A_59 = arith.constant 0 : i32
        %dma_start3A_60 = arith.constant 0 : i32
        %dma_start3A_61 = tpu.memref_slice %arg10[%dma_start3A_59, %dma_start3A_60] : memref<10240x128xf32, #tpu.memory_space<vmem_shared>> -> memref<10240x128xf32, #tpu.memory_space<vmem_shared>>
        tpu.enqueue_indirect_dma source(%dma_start3A_55 : memref<128x128xf32, #tpu.memory_space<vmem>>) target(%dma_start3A_61 : memref<10240x128xf32, #tpu.memory_space<vmem_shared>>) offsets(%dma_start3A_58 : memref<128xi32, #tpu.memory_space<vmem>>) semaphore(%run_scoped3A_51 : memref<!tpu.dma_semaphore, #tpu.memory_space<semaphore_mem>>) {add = true}
        %dma_wait3A_62 = arith.constant 0 : i32
        %dma_wait3A_63 = arith.constant 0 : i32
        %dma_wait3A_64 = tpu.memref_slice %arg9[%run_scoped3A, %dma_wait3A_62, %dma_wait3A_63] : memref<2x128x128xf32, #tpu.memory_space<vmem>> -> memref<1x128x128xf32, #tpu.memory_space<vmem>>
        %dma_wait3A_65 = tpu.memref_squeeze %dma_wait3A_64 : memref<1x128x128xf32, #tpu.memory_space<vmem>> -> memref<128x128xf32, #tpu.memory_space<vmem>>
        %dma_wait3A_66 = arith.constant 0 : i32
        %dma_wait3A_67 = tpu.memref_slice %arg8[%scan3A_30, %dma_wait3A_66] : memref<40x128xi32, #tpu.memory_space<vmem>> -> memref<1x128xi32, #tpu.memory_space<vmem>>
        %dma_wait3A_68 = tpu.memref_squeeze %dma_wait3A_67 : memref<1x128xi32, #tpu.memory_space<vmem>> -> memref<128xi32, #tpu.memory_space<vmem>>
        %dma_wait3A_69 = arith.constant 0 : i32
        %dma_wait3A_70 = arith.constant 0 : i32
        %dma_wait3A_71 = tpu.memref_slice %arg10[%dma_wait3A_69, %dma_wait3A_70] : memref<10240x128xf32, #tpu.memory_space<vmem_shared>> -> memref<10240x128xf32, #tpu.memory_space<vmem_shared>>
        tpu.wait_indirect_dma semaphore(%run_scoped3A_51 : memref<!tpu.dma_semaphore, #tpu.memory_space<semaphore_mem>>) src(%dma_wait3A_65 : memref<128x128xf32, #tpu.memory_space<vmem>>) dst(%dma_wait3A_71 : memref<10240x128xf32, #tpu.memory_space<vmem_shared>>)
        tpu.yield
      }) : () -> ()
    }
    %scan3A_22 = arith.constant 40 : i32
    "tpu.region"() ({
      %run_scoped3A = tpu.sem_alloc : memref<!tpu.dma_semaphore, #tpu.memory_space<semaphore_mem>>
      %dma_start3A = arith.constant 40 : i32
      %dma_start3A_30 = arith.constant 0 : i32
      %dma_start3A_31 = tpu.memref_slice %arg3[%add3A_15, %arg1, %dma_start3A, %dma_start3A_30] : memref<4x16x80x128xi32, #tpu.memory_space<hbm>> -> memref<1x1x40x128xi32, #tpu.memory_space<hbm>>
      %dma_start3A_32 = tpu.memref_squeeze %dma_start3A_31 : memref<1x1x40x128xi32, #tpu.memory_space<hbm>> -> memref<40x128xi32, #tpu.memory_space<hbm>>
      %dma_start3A_33 = arith.constant 40 : i32
      %dma_start3A_34 = arith.constant 0 : i32
      %dma_start3A_35 = tpu.memref_slice %arg3[%add3A_15, %arg1, %dma_start3A_33, %dma_start3A_34] : memref<4x16x80x128xi32, #tpu.memory_space<hbm>> -> memref<1x1x40x128xi32, #tpu.memory_space<hbm>>
      %dma_start3A_36 = tpu.memref_squeeze %dma_start3A_35 : memref<1x1x40x128xi32, #tpu.memory_space<hbm>> -> memref<40x128xi32, #tpu.memory_space<hbm>>
      tpu.enqueue_dma source(%dma_start3A_36 : memref<40x128xi32, #tpu.memory_space<hbm>>) target(%arg7 : memref<40x128xi32, #tpu.memory_space<vmem>>) target_semaphore(%run_scoped3A : memref<!tpu.dma_semaphore, #tpu.memory_space<semaphore_mem>>)
      %dma_wait3A = arith.constant 40 : i32
      %dma_wait3A_37 = arith.constant 0 : i32
      %dma_wait3A_38 = tpu.memref_slice %arg3[%add3A_15, %arg1, %dma_wait3A, %dma_wait3A_37] : memref<4x16x80x128xi32, #tpu.memory_space<hbm>> -> memref<1x1x40x128xi32, #tpu.memory_space<hbm>>
      %dma_wait3A_39 = tpu.memref_squeeze %dma_wait3A_38 : memref<1x1x40x128xi32, #tpu.memory_space<hbm>> -> memref<40x128xi32, #tpu.memory_space<hbm>>
      %dma_wait3A_40 = arith.constant 40 : i32
      %dma_wait3A_41 = arith.constant 0 : i32
      %dma_wait3A_42 = tpu.memref_slice %arg3[%add3A_15, %arg1, %dma_wait3A_40, %dma_wait3A_41] : memref<4x16x80x128xi32, #tpu.memory_space<hbm>> -> memref<1x1x40x128xi32, #tpu.memory_space<hbm>>
      %dma_wait3A_43 = tpu.memref_squeeze %dma_wait3A_42 : memref<1x1x40x128xi32, #tpu.memory_space<hbm>> -> memref<40x128xi32, #tpu.memory_space<hbm>>
      tpu.wait_dma2 semaphore(%run_scoped3A : memref<!tpu.dma_semaphore, #tpu.memory_space<semaphore_mem>>) src(%dma_wait3A_43 : memref<40x128xi32, #tpu.memory_space<hbm>>) dst(%arg7 : memref<40x128xi32, #tpu.memory_space<vmem>>)
      tpu.yield
    }) : () -> ()
    "tpu.region"() ({
      %run_scoped3A = tpu.sem_alloc : memref<!tpu.dma_semaphore, #tpu.memory_space<semaphore_mem>>
      %dma_start3A = arith.constant 40 : i32
      %dma_start3A_30 = arith.constant 0 : i32
      %dma_start3A_31 = tpu.memref_slice %arg4[%arg1, %dma_start3A, %dma_start3A_30] : memref<16x80x128xi32, #tpu.memory_space<hbm>> -> memref<1x40x128xi32, #tpu.memory_space<hbm>>
      %dma_start3A_32 = tpu.memref_squeeze %dma_start3A_31 : memref<1x40x128xi32, #tpu.memory_space<hbm>> -> memref<40x128xi32, #tpu.memory_space<hbm>>
      %dma_start3A_33 = arith.constant 40 : i32
      %dma_start3A_34 = arith.constant 0 : i32
      %dma_start3A_35 = tpu.memref_slice %arg4[%arg1, %dma_start3A_33, %dma_start3A_34] : memref<16x80x128xi32, #tpu.memory_space<hbm>> -> memref<1x40x128xi32, #tpu.memory_space<hbm>>
      %dma_start3A_36 = tpu.memref_squeeze %dma_start3A_35 : memref<1x40x128xi32, #tpu.memory_space<hbm>> -> memref<40x128xi32, #tpu.memory_space<hbm>>
      tpu.enqueue_dma source(%dma_start3A_36 : memref<40x128xi32, #tpu.memory_space<hbm>>) target(%arg8 : memref<40x128xi32, #tpu.memory_space<vmem>>) target_semaphore(%run_scoped3A : memref<!tpu.dma_semaphore, #tpu.memory_space<semaphore_mem>>)
      %dma_wait3A = arith.constant 40 : i32
      %dma_wait3A_37 = arith.constant 0 : i32
      %dma_wait3A_38 = tpu.memref_slice %arg4[%arg1, %dma_wait3A, %dma_wait3A_37] : memref<16x80x128xi32, #tpu.memory_space<hbm>> -> memref<1x40x128xi32, #tpu.memory_space<hbm>>
      %dma_wait3A_39 = tpu.memref_squeeze %dma_wait3A_38 : memref<1x40x128xi32, #tpu.memory_space<hbm>> -> memref<40x128xi32, #tpu.memory_space<hbm>>
      %dma_wait3A_40 = arith.constant 40 : i32
      %dma_wait3A_41 = arith.constant 0 : i32
      %dma_wait3A_42 = tpu.memref_slice %arg4[%arg1, %dma_wait3A_40, %dma_wait3A_41] : memref<16x80x128xi32, #tpu.memory_space<hbm>> -> memref<1x40x128xi32, #tpu.memory_space<hbm>>
      %dma_wait3A_43 = tpu.memref_squeeze %dma_wait3A_42 : memref<1x40x128xi32, #tpu.memory_space<hbm>> -> memref<40x128xi32, #tpu.memory_space<hbm>>
      tpu.wait_dma2 semaphore(%run_scoped3A : memref<!tpu.dma_semaphore, #tpu.memory_space<semaphore_mem>>) src(%dma_wait3A_43 : memref<40x128xi32, #tpu.memory_space<hbm>>) dst(%arg8 : memref<40x128xi32, #tpu.memory_space<vmem>>)
      tpu.yield
    }) : () -> ()
    %scan3A_23 = arith.constant 0 : i32
    %scan3A_24 = arith.constant 0 : i32
    %scan3A_25 = arith.constant 40 : i32
    %scan3A_26 = arith.addi %scan3A_24, %scan3A_25 : i32
    %scan3A_27 = arith.constant 1 : i32
    scf.for %scan3A_30 = %scan3A_24 to %scan3A_26 step %scan3A_27  : i32 {
      %dma_start3A = arith.constant 0 : i32
      %dma_start3A_31 = arith.constant 0 : i32
      %dma_start3A_32 = arith.constant 0 : i32
      %dma_start3A_33 = tpu.memref_slice %arg9[%dma_start3A, %dma_start3A_31, %dma_start3A_32] : memref<2x128x128xf32, #tpu.memory_space<vmem>> -> memref<1x128x128xf32, #tpu.memory_space<vmem>>
      %dma_start3A_34 = tpu.memref_squeeze %dma_start3A_33 : memref<1x128x128xf32, #tpu.memory_space<vmem>> -> memref<128x128xf32, #tpu.memory_space<vmem>>
      %dma_start3A_35 = arith.constant 0 : i32
      %dma_start3A_36 = tpu.memref_slice %arg7[%scan3A_30, %dma_start3A_35] : memref<40x128xi32, #tpu.memory_space<vmem>> -> memref<1x128xi32, #tpu.memory_space<vmem>>
      %dma_start3A_37 = tpu.memref_squeeze %dma_start3A_36 : memref<1x128xi32, #tpu.memory_space<vmem>> -> memref<128xi32, #tpu.memory_space<vmem>>
      %dma_start3A_38 = arith.constant 0 : i32
      %dma_start3A_39 = arith.constant 0 : i32
      %dma_start3A_40 = tpu.memref_slice %arg2[%dma_start3A_38, %dma_start3A_39] : memref<40960x128xf32, #tpu.memory_space<hbm>> -> memref<40960x128xf32, #tpu.memory_space<hbm>>
      tpu.enqueue_indirect_dma source(%dma_start3A_40 : memref<40960x128xf32, #tpu.memory_space<hbm>>) target(%dma_start3A_34 : memref<128x128xf32, #tpu.memory_space<vmem>>) offsets(%dma_start3A_37 : memref<128xi32, #tpu.memory_space<vmem>>) semaphore(%arg11 : memref<!tpu.dma_semaphore, #tpu.memory_space<semaphore_mem>>)
      %dma_wait3A = arith.constant 0 : i32
      %dma_wait3A_41 = arith.constant 0 : i32
      %dma_wait3A_42 = arith.constant 0 : i32
      %dma_wait3A_43 = tpu.memref_slice %arg9[%dma_wait3A, %dma_wait3A_41, %dma_wait3A_42] : memref<2x128x128xf32, #tpu.memory_space<vmem>> -> memref<1x128x128xf32, #tpu.memory_space<vmem>>
      %dma_wait3A_44 = tpu.memref_squeeze %dma_wait3A_43 : memref<1x128x128xf32, #tpu.memory_space<vmem>> -> memref<128x128xf32, #tpu.memory_space<vmem>>
      %dma_wait3A_45 = arith.constant 0 : i32
      %dma_wait3A_46 = tpu.memref_slice %arg7[%scan3A_30, %dma_wait3A_45] : memref<40x128xi32, #tpu.memory_space<vmem>> -> memref<1x128xi32, #tpu.memory_space<vmem>>
      %dma_wait3A_47 = tpu.memref_squeeze %dma_wait3A_46 : memref<1x128xi32, #tpu.memory_space<vmem>> -> memref<128xi32, #tpu.memory_space<vmem>>
      %dma_wait3A_48 = arith.constant 0 : i32
      %dma_wait3A_49 = arith.constant 0 : i32
      %dma_wait3A_50 = tpu.memref_slice %arg2[%dma_wait3A_48, %dma_wait3A_49] : memref<40960x128xf32, #tpu.memory_space<hbm>> -> memref<40960x128xf32, #tpu.memory_space<hbm>>
      tpu.wait_indirect_dma semaphore(%arg11 : memref<!tpu.dma_semaphore, #tpu.memory_space<semaphore_mem>>) src(%dma_wait3A_50 : memref<40960x128xf32, #tpu.memory_space<hbm>>) dst(%dma_wait3A_44 : memref<128x128xf32, #tpu.memory_space<vmem>>)
      %run_scoped3A = arith.constant 0 : i32
      "tpu.region"() ({
        %run_scoped3A_51 = tpu.sem_alloc : memref<!tpu.dma_semaphore, #tpu.memory_space<semaphore_mem>>
        %dma_start3A_52 = arith.constant 0 : i32
        %dma_start3A_53 = arith.constant 0 : i32
        %dma_start3A_54 = tpu.memref_slice %arg9[%run_scoped3A, %dma_start3A_52, %dma_start3A_53] : memref<2x128x128xf32, #tpu.memory_space<vmem>> -> memref<1x128x128xf32, #tpu.memory_space<vmem>>
        %dma_start3A_55 = tpu.memref_squeeze %dma_start3A_54 : memref<1x128x128xf32, #tpu.memory_space<vmem>> -> memref<128x128xf32, #tpu.memory_space<vmem>>
        %dma_start3A_56 = arith.constant 0 : i32
        %dma_start3A_57 = tpu.memref_slice %arg8[%scan3A_30, %dma_start3A_56] : memref<40x128xi32, #tpu.memory_space<vmem>> -> memref<1x128xi32, #tpu.memory_space<vmem>>
        %dma_start3A_58 = tpu.memref_squeeze %dma_start3A_57 : memref<1x128xi32, #tpu.memory_space<vmem>> -> memref<128xi32, #tpu.memory_space<vmem>>
        %dma_start3A_59 = arith.constant 0 : i32
        %dma_start3A_60 = arith.constant 0 : i32
        %dma_start3A_61 = tpu.memref_slice %arg10[%dma_start3A_59, %dma_start3A_60] : memref<10240x128xf32, #tpu.memory_space<vmem_shared>> -> memref<10240x128xf32, #tpu.memory_space<vmem_shared>>
        tpu.enqueue_indirect_dma source(%dma_start3A_55 : memref<128x128xf32, #tpu.memory_space<vmem>>) target(%dma_start3A_61 : memref<10240x128xf32, #tpu.memory_space<vmem_shared>>) offsets(%dma_start3A_58 : memref<128xi32, #tpu.memory_space<vmem>>) semaphore(%run_scoped3A_51 : memref<!tpu.dma_semaphore, #tpu.memory_space<semaphore_mem>>) {add = true}
        %dma_wait3A_62 = arith.constant 0 : i32
        %dma_wait3A_63 = arith.constant 0 : i32
        %dma_wait3A_64 = tpu.memref_slice %arg9[%run_scoped3A, %dma_wait3A_62, %dma_wait3A_63] : memref<2x128x128xf32, #tpu.memory_space<vmem>> -> memref<1x128x128xf32, #tpu.memory_space<vmem>>
        %dma_wait3A_65 = tpu.memref_squeeze %dma_wait3A_64 : memref<1x128x128xf32, #tpu.memory_space<vmem>> -> memref<128x128xf32, #tpu.memory_space<vmem>>
        %dma_wait3A_66 = arith.constant 0 : i32
        %dma_wait3A_67 = tpu.memref_slice %arg8[%scan3A_30, %dma_wait3A_66] : memref<40x128xi32, #tpu.memory_space<vmem>> -> memref<1x128xi32, #tpu.memory_space<vmem>>
        %dma_wait3A_68 = tpu.memref_squeeze %dma_wait3A_67 : memref<1x128xi32, #tpu.memory_space<vmem>> -> memref<128xi32, #tpu.memory_space<vmem>>
        %dma_wait3A_69 = arith.constant 0 : i32
        %dma_wait3A_70 = arith.constant 0 : i32
        %dma_wait3A_71 = tpu.memref_slice %arg10[%dma_wait3A_69, %dma_wait3A_70] : memref<10240x128xf32, #tpu.memory_space<vmem_shared>> -> memref<10240x128xf32, #tpu.memory_space<vmem_shared>>
        tpu.wait_indirect_dma semaphore(%run_scoped3A_51 : memref<!tpu.dma_semaphore, #tpu.memory_space<semaphore_mem>>) src(%dma_wait3A_65 : memref<128x128xf32, #tpu.memory_space<vmem>>) dst(%dma_wait3A_71 : memref<10240x128xf32, #tpu.memory_space<vmem_shared>>)
        tpu.yield
      }) : () -> ()
    }
    %scan3A_28 = arith.constant 40 : i32
    %barrier3A_29 = arith.constant 0 : index
    tpu.barrier barrier_id(%barrier3A_29)
    "tpu.region"() ({
      %run_scoped3A = tpu.sem_alloc : memref<!tpu.dma_semaphore, #tpu.memory_space<semaphore_mem>>
      %dma_start3A = arith.constant 0 : i32
      %dma_start3A_30 = tpu.memref_slice %arg6[%add3A_15, %mul3A_0, %dma_start3A] : memref<4x10240x128xf32, #tpu.memory_space<hbm>> -> memref<1x640x128xf32, #tpu.memory_space<hbm>>
      %dma_start3A_31 = tpu.memref_squeeze %dma_start3A_30 : memref<1x640x128xf32, #tpu.memory_space<hbm>> -> memref<640x128xf32, #tpu.memory_space<hbm>>
      %dma_start3A_32 = arith.constant 0 : i32
      %dma_start3A_33 = tpu.memref_slice %arg10[%mul3A_0, %dma_start3A_32] : memref<10240x128xf32, #tpu.memory_space<vmem_shared>> -> memref<640x128xf32, #tpu.memory_space<vmem_shared>>
      tpu.enqueue_dma source(%dma_start3A_33 : memref<640x128xf32, #tpu.memory_space<vmem_shared>>) target(%dma_start3A_31 : memref<640x128xf32, #tpu.memory_space<hbm>>) target_semaphore(%run_scoped3A : memref<!tpu.dma_semaphore, #tpu.memory_space<semaphore_mem>>)
      %dma_wait3A = arith.constant 0 : i32
      %dma_wait3A_34 = tpu.memref_slice %arg6[%add3A_15, %mul3A_0, %dma_wait3A] : memref<4x10240x128xf32, #tpu.memory_space<hbm>> -> memref<1x640x128xf32, #tpu.memory_space<hbm>>
      %dma_wait3A_35 = tpu.memref_squeeze %dma_wait3A_34 : memref<1x640x128xf32, #tpu.memory_space<hbm>> -> memref<640x128xf32, #tpu.memory_space<hbm>>
      %dma_wait3A_36 = arith.constant 0 : i32
      %dma_wait3A_37 = tpu.memref_slice %arg10[%mul3A_0, %dma_wait3A_36] : memref<10240x128xf32, #tpu.memory_space<vmem_shared>> -> memref<640x128xf32, #tpu.memory_space<vmem_shared>>
      tpu.wait_dma2 semaphore(%run_scoped3A : memref<!tpu.dma_semaphore, #tpu.memory_space<semaphore_mem>>) src(%dma_wait3A_37 : memref<640x128xf32, #tpu.memory_space<vmem_shared>>) dst(%dma_wait3A_35 : memref<640x128xf32, #tpu.memory_space<hbm>>)
      tpu.yield
    }) : () -> ()
    return
  }
}

module attributes {stable_mosaic.version = 14 : i64} {
  func.func @_tc_b_body(%arg0: i32, %arg1: memref<2x512x16xf32, #tpu.memory_space<vmem>>, %arg2: memref<2x512x128xf32, #tpu.memory_space<vmem>>, %arg3: memref<512x1xi32, #tpu.memory_space<vmem>>, %arg4: memref<512x1xf32, #tpu.memory_space<vmem>>, %arg5: memref<2x512x128xf32, #tpu.memory_space<vmem>>, %arg6: memref<512x16xf32, #tpu.memory_space<vmem>>) attributes {dimension_semantics = [#tpu.dimension_semantics<arbitrary>], iteration_bounds = array<i64: 20>, scalar_prefetch = 0 : i64, scratch_operands = 0 : i64, tpu.core_type = #tpu.core_type<tc>, window_params = [{transform_indices = @transform_0, window_bounds = array<i64: 2, 512, 16>}, {transform_indices = @transform_1, window_bounds = array<i64: 2, 512, 128>}, {transform_indices = @transform_2, window_bounds = array<i64: 512, 1>}, {transform_indices = @transform_3, window_bounds = array<i64: 512, 1>}, {transform_indices = @transform_4, window_bounds = array<i64: 2, 512, 128>}, {transform_indices = @transform_5, window_bounds = array<i64: 512, 16>}]} {
    %get3A = arith.constant 0 : index
    %get3A_0 = arith.constant 0 : index
    %get3A_1 = arith.constant 0 : index
    %get3A_2 = vector.load %arg1[%get3A, %get3A_0, %get3A_1] : memref<2x512x16xf32, #tpu.memory_space<vmem>>, vector<1x512x1xf32>
    %get3A_3 = vector.shape_cast %get3A_2 : vector<1x512x1xf32> to vector<512x1xf32>
    %get3A_4 = arith.constant 1 : index
    %get3A_5 = arith.constant 0 : index
    %get3A_6 = arith.constant 0 : index
    %get3A_7 = vector.load %arg1[%get3A_4, %get3A_5, %get3A_6] : memref<2x512x16xf32, #tpu.memory_space<vmem>>, vector<1x512x1xf32>
    %get3A_8 = vector.shape_cast %get3A_7 : vector<1x512x1xf32> to vector<512x1xf32>
    %add3A = arith.addf %get3A_3, %get3A_8 : vector<512x1xf32>
    %add3A_9 = arith.constant 1.000000e+00 : f32
    %add3A_10 = vector.broadcast %add3A_9 : f32 to vector<512x1xf32>
    %add3A_11 = arith.addf %add3A, %add3A_10 : vector<512x1xf32>
    %mul3A = arith.constant 512 : i32
    %mul3A_12 = arith.muli %arg0, %mul3A : i32
    %iota3A = tpu.iota {dimensions = array<i32: 0>} : vector<512x1xi32>
    %add3A_13 = vector.broadcast %mul3A_12 : i32 to vector<512x1xi32>
    %add3A_14 = arith.addi %add3A_13, %iota3A : vector<512x1xi32>
    %lt3A = arith.constant 10000 : i32
    %lt3A_15 = vector.broadcast %lt3A : i32 to vector<512x1xi32>
    %lt3A_16 = arith.cmpi slt, %add3A_14, %lt3A_15 : vector<512x1xi32>
    %rsqrt3A = math.rsqrt %add3A_11 : vector<512x1xf32>
    %jit3A = arith.constant 0.000000e+00 : f32
    %broadcast_in_dim3A = vector.broadcast %jit3A : f32 to vector<512x1xf32>
    %select_n3A = arith.select %lt3A_16, %rsqrt3A, %broadcast_in_dim3A : vector<512x1xi1>, vector<512x1xf32>
    %swap3A = arith.constant 0 : index
    %swap3A_17 = arith.constant 0 : index
    %swap3A_18 = vector.load %arg4[%swap3A, %swap3A_17] : memref<512x1xf32, #tpu.memory_space<vmem>>, vector<512x1xf32>
    tpu.vector_store %arg4[%swap3A, %swap3A_17], %select_n3A {strides = array<i32>} : memref<512x1xf32, #tpu.memory_space<vmem>>, vector<512x1xf32>,
    %get3A_19 = arith.constant 0 : index
    %get3A_20 = arith.constant 0 : index
    %get3A_21 = arith.constant 0 : index
    %get3A_22 = vector.load %arg2[%get3A_19, %get3A_20, %get3A_21] : memref<2x512x128xf32, #tpu.memory_space<vmem>>, vector<2x512x128xf32>
    %broadcast_in_dim3A_23 = vector.shape_cast %select_n3A : vector<512x1xf32> to vector<1x512x1xf32>
    %mul3A_24 = vector.broadcast %broadcast_in_dim3A_23 : vector<1x512x1xf32> to vector<2x512x128xf32>
    %mul3A_25 = arith.mulf %get3A_22, %mul3A_24 : vector<2x512x128xf32>
    %swap3A_26 = arith.constant 0 : index
    %swap3A_27 = arith.constant 0 : index
    %swap3A_28 = arith.constant 0 : index
    %swap3A_29 = vector.load %arg5[%swap3A_26, %swap3A_27, %swap3A_28] : memref<2x512x128xf32, #tpu.memory_space<vmem>>, vector<2x512x128xf32>
    tpu.vector_store %arg5[%swap3A_26, %swap3A_27, %swap3A_28], %mul3A_25 {strides = array<i32>} : memref<2x512x128xf32, #tpu.memory_space<vmem>>, vector<2x512x128xf32>,
    %iota3A_30 = tpu.iota {dimensions = array<i32: 1>} : vector<512x16xi32>
    %get3A_31 = arith.constant 0 : index
    %get3A_32 = arith.constant 0 : index
    %get3A_33 = vector.load %arg3[%get3A_31, %get3A_32] : memref<512x1xi32, #tpu.memory_space<vmem>>, vector<512x1xi32>
    %eq3A = vector.broadcast %get3A_33 : vector<512x1xi32> to vector<512x16xi32>
    %eq3A_34 = arith.cmpi eq, %eq3A, %iota3A_30 : vector<512x16xi32>
    %convert_element_type3A = arith.extui %eq3A_34 : vector<512x16xi1> to vector<512x16xi32>
    %convert_element_type3A_35 = arith.sitofp %convert_element_type3A : vector<512x16xi32> to vector<512x16xf32>
    %mul3A_36 = vector.broadcast %select_n3A : vector<512x1xf32> to vector<512x16xf32>
    %mul3A_37 = arith.mulf %mul3A_36, %convert_element_type3A_35 : vector<512x16xf32>
    %swap3A_38 = arith.constant 0 : index
    %swap3A_39 = arith.constant 0 : index
    %swap3A_40 = vector.load %arg6[%swap3A_38, %swap3A_39] : memref<512x16xf32, #tpu.memory_space<vmem>>, vector<512x16xf32>
    tpu.vector_store %arg6[%swap3A_38, %swap3A_39], %mul3A_37 {strides = array<i32>} : memref<512x16xf32, #tpu.memory_space<vmem>>, vector<512x16xf32>,
    return
  }
  func.func @transform_0(%arg0: i32) -> (i32, i32, i32) {
    %c0_i32 = arith.constant 0 : i32
    %c0_i32_0 = arith.constant 0 : i32
    %c0_i32_1 = arith.constant 0 : i32
    return %c0_i32, %arg0, %c0_i32_0 : i32, i32, i32
  }
  func.func @transform_1(%arg0: i32) -> (i32, i32, i32) {
    %c0_i32 = arith.constant 0 : i32
    %c0_i32_0 = arith.constant 0 : i32
    %c0_i32_1 = arith.constant 0 : i32
    return %c0_i32, %arg0, %c0_i32_0 : i32, i32, i32
  }
  func.func @transform_2(%arg0: i32) -> (i32, i32) {
    %c0_i32 = arith.constant 0 : i32
    %c0_i32_0 = arith.constant 0 : i32
    return %arg0, %c0_i32 : i32, i32
  }
  func.func @transform_3(%arg0: i32) -> (i32, i32) {
    %c0_i32 = arith.constant 0 : i32
    %c0_i32_0 = arith.constant 0 : i32
    return %arg0, %c0_i32 : i32, i32
  }
  func.func @transform_4(%arg0: i32) -> (i32, i32, i32) {
    %c0_i32 = arith.constant 0 : i32
    %c0_i32_0 = arith.constant 0 : i32
    %c0_i32_1 = arith.constant 0 : i32
    return %c0_i32, %arg0, %c0_i32_0 : i32, i32, i32
  }
  func.func @transform_5(%arg0: i32) -> (i32, i32) {
    %c0_i32 = arith.constant 0 : i32
    %c0_i32_0 = arith.constant 0 : i32
    return %arg0, %c0_i32 : i32, i32
  }
}

module attributes {stable_mosaic.version = 14 : i64} {
  func.func @_tc_d_body(%arg0: i32, %arg1: memref<2x512x128xf32, #tpu.memory_space<vmem>>, %arg2: memref<2x512x128xf32, #tpu.memory_space<vmem>>, %arg3: memref<512x1xf32, #tpu.memory_space<vmem>>, %arg4: memref<256x512xf32, #tpu.memory_space<vmem>>, %arg5: memref<1x512xf32, #tpu.memory_space<vmem>>, %arg6: memref<4x512x128xf32, #tpu.memory_space<vmem>>) attributes {dimension_semantics = [#tpu.dimension_semantics<arbitrary>], iteration_bounds = array<i64: 20>, scalar_prefetch = 0 : i64, scratch_operands = 0 : i64, tpu.core_type = #tpu.core_type<tc>, window_params = [{transform_indices = @transform_0, window_bounds = array<i64: 2, 512, 128>}, {transform_indices = @transform_1, window_bounds = array<i64: 2, 512, 128>}, {transform_indices = @transform_2, window_bounds = array<i64: 512, 1>}, {pipeline_mode = #tpu.pipeline_mode<synchronous>, transform_indices = @transform_3, window_bounds = array<i64: 256, 512>}, {pipeline_mode = #tpu.pipeline_mode<synchronous>, transform_indices = @transform_4, window_bounds = array<i64: 1, 512>}, {transform_indices = @transform_5, window_bounds = array<i64: 4, 512, 128>}]} {
    %get3A = arith.constant 0 : index
    %get3A_0 = arith.constant 0 : index
    %get3A_1 = vector.load %arg3[%get3A, %get3A_0] : memref<512x1xf32, #tpu.memory_space<vmem>>, vector<512x1xf32>
    %get3A_2 = arith.constant 0 : index
    %get3A_3 = arith.constant 0 : index
    %get3A_4 = arith.constant 0 : index
    %get3A_5 = vector.load %arg1[%get3A_2, %get3A_3, %get3A_4] : memref<2x512x128xf32, #tpu.memory_space<vmem>>, vector<2x512x128xf32>
    %get3A_6 = arith.constant 0 : index
    %get3A_7 = arith.constant 0 : index
    %get3A_8 = arith.constant 0 : index
    %get3A_9 = vector.load %arg2[%get3A_6, %get3A_7, %get3A_8] : memref<2x512x128xf32, #tpu.memory_space<vmem>>, vector<2x512x128xf32>
    %add3A = arith.addf %get3A_5, %get3A_9 : vector<2x512x128xf32>
    %broadcast_in_dim3A = vector.shape_cast %get3A_1 : vector<512x1xf32> to vector<1x512x1xf32>
    %mul3A = vector.broadcast %broadcast_in_dim3A : vector<1x512x1xf32> to vector<2x512x128xf32>
    %mul3A_10 = arith.mulf %add3A, %mul3A : vector<2x512x128xf32>
    %get3A_11 = arith.constant 0 : index
    %get3A_12 = arith.constant 0 : index
    %get3A_13 = vector.load %arg5[%get3A_11, %get3A_12] : memref<1x512xf32, #tpu.memory_space<vmem>>, vector<1x512xf32>
    %slice3A = vector.extract_strided_slice %mul3A_10 {offsets = [0, 0, 0], sizes = [1, 512, 128], strides = [1, 1, 1]} : vector<2x512x128xf32> to vector<1x512x128xf32>
    %squeeze3A = vector.shape_cast %slice3A : vector<1x512x128xf32> to vector<512x128xf32>
    %get3A_14 = arith.constant 0 : index
    %get3A_15 = arith.constant 0 : index
    %get3A_16 = vector.load %arg4[%get3A_14, %get3A_15] : memref<256x512xf32, #tpu.memory_space<vmem>>, vector<128x512xf32>
    %dot_general3A = arith.constant dense<0.000000e+00> : vector<512x512xf32>
    %dot_general3A_17 = tpu.matmul %squeeze3A, %get3A_16, %dot_general3A {dimension_numbers = #tpu.dot_dimension_numbers<[1], [0], [0], [1], [0, 0, 1, 1], [], []>, transpose_lhs_hint = false} : vector<512x128xf32>, vector<128x512xf32>, vector<512x512xf32> -> vector<512x512xf32>
    %add3A_18 = vector.broadcast %get3A_13 : vector<1x512xf32> to vector<512x512xf32>
    %add3A_19 = arith.addf %add3A_18, %dot_general3A_17 : vector<512x512xf32>
    %slice3A_20 = vector.extract_strided_slice %mul3A_10 {offsets = [1, 0, 0], sizes = [1, 512, 128], strides = [1, 1, 1]} : vector<2x512x128xf32> to vector<1x512x128xf32>
    %squeeze3A_21 = vector.shape_cast %slice3A_20 : vector<1x512x128xf32> to vector<512x128xf32>
    %get3A_22 = arith.constant 128 : index
    %get3A_23 = arith.constant 0 : index
    %get3A_24 = vector.load %arg4[%get3A_22, %get3A_23] : memref<256x512xf32, #tpu.memory_space<vmem>>, vector<128x512xf32>
    %dot_general3A_25 = arith.constant dense<0.000000e+00> : vector<512x512xf32>
    %dot_general3A_26 = tpu.matmul %squeeze3A_21, %get3A_24, %dot_general3A_25 {dimension_numbers = #tpu.dot_dimension_numbers<[1], [0], [0], [1], [0, 0, 1, 1], [], []>, transpose_lhs_hint = false} : vector<512x128xf32>, vector<128x512xf32>, vector<512x512xf32> -> vector<512x512xf32>
    %add3A_27 = arith.addf %add3A_19, %dot_general3A_26 : vector<512x512xf32>
    %max3A = arith.constant 0.000000e+00 : f32
    %max3A_28 = vector.broadcast %max3A : f32 to vector<512x512xf32>
    %max3A_29 = arith.maximumf %add3A_27, %max3A_28 : vector<512x512xf32>
    %mul3A_30 = vector.broadcast %get3A_1 : vector<512x1xf32> to vector<512x512xf32>
    %mul3A_31 = arith.mulf %max3A_29, %mul3A_30 : vector<512x512xf32>
    %slice3A_32 = vector.extract_strided_slice %mul3A_31 {offsets = [0, 0], sizes = [512, 128], strides = [1, 1]} : vector<512x512xf32> to vector<512x128xf32>
    %swap3A = arith.constant 0 : index
    %swap3A_33 = arith.constant 0 : index
    %swap3A_34 = arith.constant 0 : index
    %swap3A_35 = vector.load %arg6[%swap3A, %swap3A_33, %swap3A_34] : memref<4x512x128xf32, #tpu.memory_space<vmem>>, vector<1x512x128xf32>
    %swap3A_36 = vector.shape_cast %swap3A_35 : vector<1x512x128xf32> to vector<512x128xf32>
    %swap3A_37 = vector.shape_cast %slice3A_32 : vector<512x128xf32> to vector<1x512x128xf32>
    tpu.vector_store %arg6[%swap3A, %swap3A_33, %swap3A_34], %swap3A_37 {strides = array<i32>} : memref<4x512x128xf32, #tpu.memory_space<vmem>>, vector<1x512x128xf32>,
    %slice3A_38 = vector.extract_strided_slice %mul3A_31 {offsets = [0, 128], sizes = [512, 128], strides = [1, 1]} : vector<512x512xf32> to vector<512x128xf32>
    %swap3A_39 = arith.constant 1 : index
    %swap3A_40 = arith.constant 0 : index
    %swap3A_41 = arith.constant 0 : index
    %swap3A_42 = vector.load %arg6[%swap3A_39, %swap3A_40, %swap3A_41] : memref<4x512x128xf32, #tpu.memory_space<vmem>>, vector<1x512x128xf32>
    %swap3A_43 = vector.shape_cast %swap3A_42 : vector<1x512x128xf32> to vector<512x128xf32>
    %swap3A_44 = vector.shape_cast %slice3A_38 : vector<512x128xf32> to vector<1x512x128xf32>
    tpu.vector_store %arg6[%swap3A_39, %swap3A_40, %swap3A_41], %swap3A_44 {strides = array<i32>} : memref<4x512x128xf32, #tpu.memory_space<vmem>>, vector<1x512x128xf32>,
    %slice3A_45 = vector.extract_strided_slice %mul3A_31 {offsets = [0, 256], sizes = [512, 128], strides = [1, 1]} : vector<512x512xf32> to vector<512x128xf32>
    %swap3A_46 = arith.constant 2 : index
    %swap3A_47 = arith.constant 0 : index
    %swap3A_48 = arith.constant 0 : index
    %swap3A_49 = vector.load %arg6[%swap3A_46, %swap3A_47, %swap3A_48] : memref<4x512x128xf32, #tpu.memory_space<vmem>>, vector<1x512x128xf32>
    %swap3A_50 = vector.shape_cast %swap3A_49 : vector<1x512x128xf32> to vector<512x128xf32>
    %swap3A_51 = vector.shape_cast %slice3A_45 : vector<512x128xf32> to vector<1x512x128xf32>
    tpu.vector_store %arg6[%swap3A_46, %swap3A_47, %swap3A_48], %swap3A_51 {strides = array<i32>} : memref<4x512x128xf32, #tpu.memory_space<vmem>>, vector<1x512x128xf32>,
    %slice3A_52 = vector.extract_strided_slice %mul3A_31 {offsets = [0, 384], sizes = [512, 128], strides = [1, 1]} : vector<512x512xf32> to vector<512x128xf32>
    %swap3A_53 = arith.constant 3 : index
    %swap3A_54 = arith.constant 0 : index
    %swap3A_55 = arith.constant 0 : index
    %swap3A_56 = vector.load %arg6[%swap3A_53, %swap3A_54, %swap3A_55] : memref<4x512x128xf32, #tpu.memory_space<vmem>>, vector<1x512x128xf32>
    %swap3A_57 = vector.shape_cast %swap3A_56 : vector<1x512x128xf32> to vector<512x128xf32>
    %swap3A_58 = vector.shape_cast %slice3A_52 : vector<512x128xf32> to vector<1x512x128xf32>
    tpu.vector_store %arg6[%swap3A_53, %swap3A_54, %swap3A_55], %swap3A_58 {strides = array<i32>} : memref<4x512x128xf32, #tpu.memory_space<vmem>>, vector<1x512x128xf32>,
    return
  }
  func.func @transform_0(%arg0: i32) -> (i32, i32, i32) {
    %c0_i32 = arith.constant 0 : i32
    %c0_i32_0 = arith.constant 0 : i32
    %c0_i32_1 = arith.constant 0 : i32
    return %c0_i32, %arg0, %c0_i32_0 : i32, i32, i32
  }
  func.func @transform_1(%arg0: i32) -> (i32, i32, i32) {
    %c0_i32 = arith.constant 0 : i32
    %c0_i32_0 = arith.constant 0 : i32
    %c0_i32_1 = arith.constant 0 : i32
    return %c0_i32, %arg0, %c0_i32_0 : i32, i32, i32
  }
  func.func @transform_2(%arg0: i32) -> (i32, i32) {
    %c0_i32 = arith.constant 0 : i32
    %c0_i32_0 = arith.constant 0 : i32
    return %arg0, %c0_i32 : i32, i32
  }
  func.func @transform_3(%arg0: i32) -> (i32, i32) {
    %c0_i32 = arith.constant 0 : i32
    %c0_i32_0 = arith.constant 0 : i32
    %c0_i32_1 = arith.constant 0 : i32
    return %c0_i32, %c0_i32_0 : i32, i32
  }
  func.func @transform_4(%arg0: i32) -> (i32, i32) {
    %c0_i32 = arith.constant 0 : i32
    %c0_i32_0 = arith.constant 0 : i32
    %c0_i32_1 = arith.constant 0 : i32
    return %c0_i32, %c0_i32_0 : i32, i32
  }
  func.func @transform_5(%arg0: i32) -> (i32, i32, i32) {
    %c0_i32 = arith.constant 0 : i32
    %c0_i32_0 = arith.constant 0 : i32
    %c0_i32_1 = arith.constant 0 : i32
    return %c0_i32, %arg0, %c0_i32_0 : i32, i32, i32
  }
}

module attributes {stable_mosaic.version = 14 : i64} {
  func.func @_tc_f_body(%arg0: i32, %arg1: memref<4x512x128xf32, #tpu.memory_space<vmem>>, %arg2: memref<4x512x128xf32, #tpu.memory_space<vmem>>, %arg3: memref<512x1xf32, #tpu.memory_space<vmem>>, %arg4: memref<2x512x16xf32, #tpu.memory_space<vmem>>, %arg5: memref<512x1xi32, #tpu.memory_space<vmem>>, %arg6: memref<512x512xf32, #tpu.memory_space<vmem>>, %arg7: memref<1x512xf32, #tpu.memory_space<vmem>>, %arg8: memref<512x512xf32, #tpu.memory_space<vmem>>, %arg9: memref<512x10xf32, #tpu.memory_space<vmem>>, %arg10: memref<1x512xf32, #tpu.memory_space<vmem>>, %arg11: memref<1x10xf32, #tpu.memory_space<vmem>>, %arg12: memref<16x10xf32, #tpu.memory_space<vmem>>, %arg13: memref<16x512xf32, #tpu.memory_space<vmem>>, %arg14: memref<16x1xf32, #tpu.memory_space<vmem>>) attributes {dimension_semantics = [#tpu.dimension_semantics<arbitrary>], iteration_bounds = array<i64: 20>, scalar_prefetch = 0 : i64, scratch_operands = 2 : i64, tpu.core_type = #tpu.core_type<tc>, window_params = [{transform_indices = @transform_0, window_bounds = array<i64: 4, 512, 128>}, {transform_indices = @transform_1, window_bounds = array<i64: 4, 512, 128>}, {transform_indices = @transform_2, window_bounds = array<i64: 512, 1>}, {transform_indices = @transform_3, window_bounds = array<i64: 2, 512, 16>}, {transform_indices = @transform_4, window_bounds = array<i64: 512, 1>}, {pipeline_mode = #tpu.pipeline_mode<synchronous>, transform_indices = @transform_5, window_bounds = array<i64: 512, 512>}, {pipeline_mode = #tpu.pipeline_mode<synchronous>, transform_indices = @transform_6, window_bounds = array<i64: 1, 512>}, {pipeline_mode = #tpu.pipeline_mode<synchronous>, transform_indices = @transform_7, window_bounds = array<i64: 512, 512>}, {pipeline_mode = #tpu.pipeline_mode<synchronous>, transform_indices = @transform_8, window_bounds = array<i64: 512, 10>}, {pipeline_mode = #tpu.pipeline_mode<synchronous>, transform_indices = @transform_9, window_bounds = array<i64: 1, 512>}, {pipeline_mode = #tpu.pipeline_mode<synchronous>, transform_indices = @transform_10, window_bounds = array<i64: 1, 10>}, {pipeline_mode = #tpu.pipeline_mode<synchronous>, transform_indices = @transform_11, window_bounds = array<i64: 16, 10>}]} {
    %eq3A = arith.constant 0 : i32
    %eq3A_0 = arith.cmpi eq, %arg0, %eq3A : i32
    %convert_element_type3A = arith.extui %eq3A_0 : i1 to i32
    %cond3A = arith.constant 0 : i32
    %cond3A_1 = arith.cmpi ne, %convert_element_type3A, %cond3A : i32
    scf.if %cond3A_1 {
      %broadcast_in_dim3A_94 = arith.constant 0.000000e+00 : f32
      %broadcast_in_dim3A_95 = vector.broadcast %broadcast_in_dim3A_94 : f32 to vector<16x512xf32>
      %swap3A_96 = arith.constant 0 : index
      %swap3A_97 = arith.constant 0 : index
      %swap3A_98 = vector.load %arg13[%swap3A_96, %swap3A_97] : memref<16x512xf32, #tpu.memory_space<vmem>>, vector<16x512xf32>
      tpu.vector_store %arg13[%swap3A_96, %swap3A_97], %broadcast_in_dim3A_95 {strides = array<i32>} : memref<16x512xf32, #tpu.memory_space<vmem>>, vector<16x512xf32>,
      %broadcast_in_dim3A_99 = arith.constant 0.000000e+00 : f32
      %broadcast_in_dim3A_100 = vector.broadcast %broadcast_in_dim3A_99 : f32 to vector<16x1xf32>
      %swap3A_101 = arith.constant 0 : index
      %swap3A_102 = arith.constant 0 : index
      %swap3A_103 = vector.load %arg14[%swap3A_101, %swap3A_102] : memref<16x1xf32, #tpu.memory_space<vmem>>, vector<16x1xf32>
      tpu.vector_store %arg14[%swap3A_101, %swap3A_102], %broadcast_in_dim3A_100 {strides = array<i32>} : memref<16x1xf32, #tpu.memory_space<vmem>>, vector<16x1xf32>,
    } else {
    }
    %get3A = arith.constant 0 : index
    %get3A_2 = arith.constant 0 : index
    %get3A_3 = vector.load %arg3[%get3A, %get3A_2] : memref<512x1xf32, #tpu.memory_space<vmem>>, vector<512x1xf32>
    %get3A_4 = arith.constant 0 : index
    %get3A_5 = arith.constant 0 : index
    %get3A_6 = arith.constant 0 : index
    %get3A_7 = vector.load %arg1[%get3A_4, %get3A_5, %get3A_6] : memref<4x512x128xf32, #tpu.memory_space<vmem>>, vector<4x512x128xf32>
    %get3A_8 = arith.constant 0 : index
    %get3A_9 = arith.constant 0 : index
    %get3A_10 = arith.constant 0 : index
    %get3A_11 = vector.load %arg2[%get3A_8, %get3A_9, %get3A_10] : memref<4x512x128xf32, #tpu.memory_space<vmem>>, vector<4x512x128xf32>
    %add3A = arith.addf %get3A_7, %get3A_11 : vector<4x512x128xf32>
    %broadcast_in_dim3A = vector.shape_cast %get3A_3 : vector<512x1xf32> to vector<1x512x1xf32>
    %mul3A = vector.broadcast %broadcast_in_dim3A : vector<1x512x1xf32> to vector<4x512x128xf32>
    %mul3A_12 = arith.mulf %add3A, %mul3A : vector<4x512x128xf32>
    %get3A_13 = arith.constant 0 : index
    %get3A_14 = arith.constant 0 : index
    %get3A_15 = vector.load %arg7[%get3A_13, %get3A_14] : memref<1x512xf32, #tpu.memory_space<vmem>>, vector<1x512xf32>
    %slice3A = vector.extract_strided_slice %mul3A_12 {offsets = [0, 0, 0], sizes = [1, 512, 128], strides = [1, 1, 1]} : vector<4x512x128xf32> to vector<1x512x128xf32>
    %squeeze3A = vector.shape_cast %slice3A : vector<1x512x128xf32> to vector<512x128xf32>
    %get3A_16 = arith.constant 0 : index
    %get3A_17 = arith.constant 0 : index
    %get3A_18 = vector.load %arg6[%get3A_16, %get3A_17] : memref<512x512xf32, #tpu.memory_space<vmem>>, vector<128x512xf32>
    %dot_general3A = arith.constant dense<0.000000e+00> : vector<512x512xf32>
    %dot_general3A_19 = tpu.matmul %squeeze3A, %get3A_18, %dot_general3A {dimension_numbers = #tpu.dot_dimension_numbers<[1], [0], [0], [1], [0, 0, 1, 1], [], []>, transpose_lhs_hint = false} : vector<512x128xf32>, vector<128x512xf32>, vector<512x512xf32> -> vector<512x512xf32>
    %add3A_20 = vector.broadcast %get3A_15 : vector<1x512xf32> to vector<512x512xf32>
    %add3A_21 = arith.addf %add3A_20, %dot_general3A_19 : vector<512x512xf32>
    %slice3A_22 = vector.extract_strided_slice %mul3A_12 {offsets = [1, 0, 0], sizes = [1, 512, 128], strides = [1, 1, 1]} : vector<4x512x128xf32> to vector<1x512x128xf32>
    %squeeze3A_23 = vector.shape_cast %slice3A_22 : vector<1x512x128xf32> to vector<512x128xf32>
    %get3A_24 = arith.constant 128 : index
    %get3A_25 = arith.constant 0 : index
    %get3A_26 = vector.load %arg6[%get3A_24, %get3A_25] : memref<512x512xf32, #tpu.memory_space<vmem>>, vector<128x512xf32>
    %dot_general3A_27 = arith.constant dense<0.000000e+00> : vector<512x512xf32>
    %dot_general3A_28 = tpu.matmul %squeeze3A_23, %get3A_26, %dot_general3A_27 {dimension_numbers = #tpu.dot_dimension_numbers<[1], [0], [0], [1], [0, 0, 1, 1], [], []>, transpose_lhs_hint = false} : vector<512x128xf32>, vector<128x512xf32>, vector<512x512xf32> -> vector<512x512xf32>
    %add3A_29 = arith.addf %add3A_21, %dot_general3A_28 : vector<512x512xf32>
    %slice3A_30 = vector.extract_strided_slice %mul3A_12 {offsets = [2, 0, 0], sizes = [1, 512, 128], strides = [1, 1, 1]} : vector<4x512x128xf32> to vector<1x512x128xf32>
    %squeeze3A_31 = vector.shape_cast %slice3A_30 : vector<1x512x128xf32> to vector<512x128xf32>
    %get3A_32 = arith.constant 256 : index
    %get3A_33 = arith.constant 0 : index
    %get3A_34 = vector.load %arg6[%get3A_32, %get3A_33] : memref<512x512xf32, #tpu.memory_space<vmem>>, vector<128x512xf32>
    %dot_general3A_35 = arith.constant dense<0.000000e+00> : vector<512x512xf32>
    %dot_general3A_36 = tpu.matmul %squeeze3A_31, %get3A_34, %dot_general3A_35 {dimension_numbers = #tpu.dot_dimension_numbers<[1], [0], [0], [1], [0, 0, 1, 1], [], []>, transpose_lhs_hint = false} : vector<512x128xf32>, vector<128x512xf32>, vector<512x512xf32> -> vector<512x512xf32>
    %add3A_37 = arith.addf %add3A_29, %dot_general3A_36 : vector<512x512xf32>
    %slice3A_38 = vector.extract_strided_slice %mul3A_12 {offsets = [3, 0, 0], sizes = [1, 512, 128], strides = [1, 1, 1]} : vector<4x512x128xf32> to vector<1x512x128xf32>
    %squeeze3A_39 = vector.shape_cast %slice3A_38 : vector<1x512x128xf32> to vector<512x128xf32>
    %get3A_40 = arith.constant 384 : index
    %get3A_41 = arith.constant 0 : index
    %get3A_42 = vector.load %arg6[%get3A_40, %get3A_41] : memref<512x512xf32, #tpu.memory_space<vmem>>, vector<128x512xf32>
    %dot_general3A_43 = arith.constant dense<0.000000e+00> : vector<512x512xf32>
    %dot_general3A_44 = tpu.matmul %squeeze3A_39, %get3A_42, %dot_general3A_43 {dimension_numbers = #tpu.dot_dimension_numbers<[1], [0], [0], [1], [0, 0, 1, 1], [], []>, transpose_lhs_hint = false} : vector<512x128xf32>, vector<128x512xf32>, vector<512x512xf32> -> vector<512x512xf32>
    %add3A_45 = arith.addf %add3A_37, %dot_general3A_44 : vector<512x512xf32>
    %max3A = arith.constant 0.000000e+00 : f32
    %max3A_46 = vector.broadcast %max3A : f32 to vector<512x512xf32>
    %max3A_47 = arith.maximumf %add3A_45, %max3A_46 : vector<512x512xf32>
    %iota3A = tpu.iota {dimensions = array<i32: 1>} : vector<512x16xi32>
    %get3A_48 = arith.constant 0 : index
    %get3A_49 = arith.constant 0 : index
    %get3A_50 = vector.load %arg5[%get3A_48, %get3A_49] : memref<512x1xi32, #tpu.memory_space<vmem>>, vector<512x1xi32>
    %eq3A_51 = vector.broadcast %get3A_50 : vector<512x1xi32> to vector<512x16xi32>
    %eq3A_52 = arith.cmpi eq, %eq3A_51, %iota3A : vector<512x16xi32>
    %convert_element_type3A_53 = arith.extui %eq3A_52 : vector<512x16xi1> to vector<512x16xi32>
    %convert_element_type3A_54 = arith.sitofp %convert_element_type3A_53 : vector<512x16xi32> to vector<512x16xf32>
    %get3A_55 = arith.constant 0 : index
    %get3A_56 = arith.constant 0 : index
    %get3A_57 = arith.constant 0 : index
    %get3A_58 = vector.load %arg4[%get3A_55, %get3A_56, %get3A_57] : memref<2x512x16xf32, #tpu.memory_space<vmem>>, vector<1x512x16xf32>
    %get3A_59 = vector.shape_cast %get3A_58 : vector<1x512x16xf32> to vector<512x16xf32>
    %get3A_60 = arith.constant 1 : index
    %get3A_61 = arith.constant 0 : index
    %get3A_62 = arith.constant 0 : index
    %get3A_63 = vector.load %arg4[%get3A_60, %get3A_61, %get3A_62] : memref<2x512x16xf32, #tpu.memory_space<vmem>>, vector<1x512x16xf32>
    %get3A_64 = vector.shape_cast %get3A_63 : vector<1x512x16xf32> to vector<512x16xf32>
    %add3A_65 = arith.addf %get3A_59, %get3A_64 : vector<512x16xf32>
    %mul3A_66 = vector.broadcast %get3A_3 : vector<512x1xf32> to vector<512x16xf32>
    %mul3A_67 = arith.mulf %mul3A_66, %add3A_65 : vector<512x16xf32>
    %mul3A_68 = arith.mulf %get3A_3, %get3A_3 : vector<512x1xf32>
    %mul3A_69 = vector.broadcast %mul3A_68 : vector<512x1xf32> to vector<512x16xf32>
    %mul3A_70 = arith.mulf %mul3A_69, %convert_element_type3A_54 : vector<512x16xf32>
    %add3A_71 = arith.addf %mul3A_67, %mul3A_70 : vector<512x16xf32>
    %get3A_72 = arith.constant 0 : index
    %get3A_73 = arith.constant 0 : index
    %get3A_74 = vector.load %arg13[%get3A_72, %get3A_73] : memref<16x512xf32, #tpu.memory_space<vmem>>, vector<16x512xf32>
    %dot_general3A_75 = arith.constant dense<0.000000e+00> : vector<16x512xf32>
    %dot_general3A_76 = tpu.matmul %add3A_71, %max3A_47, %dot_general3A_75 {dimension_numbers = #tpu.dot_dimension_numbers<[0], [0], [1], [1], [0, 1, 1, 1], [], []>, transpose_lhs_hint = false} : vector<512x16xf32>, vector<512x512xf32>, vector<16x512xf32> -> vector<16x512xf32>
    %add3A_77 = arith.addf %get3A_74, %dot_general3A_76 : vector<16x512xf32>
    %swap3A = arith.constant 0 : index
    %swap3A_78 = arith.constant 0 : index
    %swap3A_79 = vector.load %arg13[%swap3A, %swap3A_78] : memref<16x512xf32, #tpu.memory_space<vmem>>, vector<16x512xf32>
    tpu.vector_store %arg13[%swap3A, %swap3A_78], %add3A_77 {strides = array<i32>} : memref<16x512xf32, #tpu.memory_space<vmem>>, vector<16x512xf32>,
    %get3A_80 = arith.constant 0 : index
    %get3A_81 = arith.constant 0 : index
    %get3A_82 = vector.load %arg14[%get3A_80, %get3A_81] : memref<16x1xf32, #tpu.memory_space<vmem>>, vector<16x1xf32>
    %reduce_sum3A = arith.constant dense<0.000000e+00> : vector<16xf32>
    %reduce_sum3A_83 = vector.multi_reduction <add>, %convert_element_type3A_54, %reduce_sum3A [0] : vector<512x16xf32> to vector<16xf32>
    %broadcast_in_dim3A_84 = vector.shape_cast %reduce_sum3A_83 : vector<16xf32> to vector<1x16xf32>
    %transpose3A = tpu.transpose %broadcast_in_dim3A_84, [1, 0] : vector<1x16xf32> -> vector<16x1xf32>
    %add3A_85 = arith.addf %get3A_82, %transpose3A : vector<16x1xf32>
    %swap3A_86 = arith.constant 0 : index
    %swap3A_87 = arith.constant 0 : index
    %swap3A_88 = vector.load %arg14[%swap3A_86, %swap3A_87] : memref<16x1xf32, #tpu.memory_space<vmem>>, vector<16x1xf32>
    tpu.vector_store %arg14[%swap3A_86, %swap3A_87], %add3A_85 {strides = array<i32>} : memref<16x1xf32, #tpu.memory_space<vmem>>, vector<16x1xf32>,
    %eq3A_89 = arith.constant 19 : i32
    %eq3A_90 = arith.cmpi eq, %arg0, %eq3A_89 : i32
    %convert_element_type3A_91 = arith.extui %eq3A_90 : i1 to i32
    %cond3A_92 = arith.constant 0 : i32
    %cond3A_93 = arith.cmpi ne, %convert_element_type3A_91, %cond3A_92 : i32
    scf.if %cond3A_93 {
      %get3A_94 = arith.constant 0 : index
      %get3A_95 = arith.constant 0 : index
      %get3A_96 = vector.load %arg13[%get3A_94, %get3A_95] : memref<16x512xf32, #tpu.memory_space<vmem>>, vector<16x512xf32>
      %get3A_97 = arith.constant 0 : index
      %get3A_98 = arith.constant 0 : index
      %get3A_99 = vector.load %arg14[%get3A_97, %get3A_98] : memref<16x1xf32, #tpu.memory_space<vmem>>, vector<16x1xf32>
      %max3A_100 = arith.constant 1.000000e+00 : f32
      %max3A_101 = vector.broadcast %max3A_100 : f32 to vector<16x1xf32>
      %max3A_102 = arith.maximumf %get3A_99, %max3A_101 : vector<16x1xf32>
      %div3A = vector.broadcast %max3A_102 : vector<16x1xf32> to vector<16x512xf32>
      %div3A_103 = arith.divf %get3A_96, %div3A : vector<16x512xf32>
      %get3A_104 = arith.constant 0 : index
      %get3A_105 = arith.constant 0 : index
      %get3A_106 = vector.load %arg8[%get3A_104, %get3A_105] : memref<512x512xf32, #tpu.memory_space<vmem>>, vector<512x512xf32>
      %dot_general3A_107 = arith.constant dense<0.000000e+00> : vector<16x512xf32>
      %dot_general3A_108 = tpu.matmul %div3A_103, %get3A_106, %dot_general3A_107 {dimension_numbers = #tpu.dot_dimension_numbers<[1], [0], [0], [1], [0, 0, 1, 1], [], []>, transpose_lhs_hint = false} : vector<16x512xf32>, vector<512x512xf32>, vector<16x512xf32> -> vector<16x512xf32>
      %get3A_109 = arith.constant 0 : index
      %get3A_110 = arith.constant 0 : index
      %get3A_111 = vector.load %arg10[%get3A_109, %get3A_110] : memref<1x512xf32, #tpu.memory_space<vmem>>, vector<1x512xf32>
      %add3A_112 = vector.broadcast %get3A_111 : vector<1x512xf32> to vector<16x512xf32>
      %add3A_113 = arith.addf %dot_general3A_108, %add3A_112 : vector<16x512xf32>
      %get3A_114 = arith.constant 0 : index
      %get3A_115 = arith.constant 0 : index
      %get3A_116 = vector.load %arg9[%get3A_114, %get3A_115] : memref<512x10xf32, #tpu.memory_space<vmem>>, vector<512x10xf32>
      %dot_general3A_117 = arith.constant dense<0.000000e+00> : vector<16x10xf32>
      %dot_general3A_118 = tpu.matmul %add3A_113, %get3A_116, %dot_general3A_117 {dimension_numbers = #tpu.dot_dimension_numbers<[1], [0], [0], [1], [0, 0, 1, 1], [], []>, transpose_lhs_hint = false} : vector<16x512xf32>, vector<512x10xf32>, vector<16x10xf32> -> vector<16x10xf32>
      %get3A_119 = arith.constant 0 : index
      %get3A_120 = arith.constant 0 : index
      %get3A_121 = vector.load %arg11[%get3A_119, %get3A_120] : memref<1x10xf32, #tpu.memory_space<vmem>>, vector<1x10xf32>
      %add3A_122 = vector.broadcast %get3A_121 : vector<1x10xf32> to vector<16x10xf32>
      %add3A_123 = arith.addf %dot_general3A_118, %add3A_122 : vector<16x10xf32>
      %neg3A = arith.constant 0.000000e+00 : f32
      %neg3A_124 = vector.broadcast %neg3A : f32 to vector<16x10xf32>
      %neg3A_125 = arith.subf %neg3A_124, %add3A_123 : vector<16x10xf32>
      %exp3A = math.exp %neg3A_125 : vector<16x10xf32>
      %add3A_126 = arith.constant 1.000000e+00 : f32
      %add3A_127 = vector.broadcast %add3A_126 : f32 to vector<16x10xf32>
      %add3A_128 = arith.addf %add3A_127, %exp3A : vector<16x10xf32>
      %div3A_129 = arith.constant 1.000000e+00 : f32
      %div3A_130 = vector.broadcast %div3A_129 : f32 to vector<16x10xf32>
      %div3A_131 = arith.divf %div3A_130, %add3A_128 : vector<16x10xf32>
      %swap3A_132 = arith.constant 0 : index
      %swap3A_133 = arith.constant 0 : index
      %swap3A_134 = vector.load %arg12[%swap3A_132, %swap3A_133] : memref<16x10xf32, #tpu.memory_space<vmem>>, vector<16x10xf32>
      tpu.vector_store %arg12[%swap3A_132, %swap3A_133], %div3A_131 {strides = array<i32>} : memref<16x10xf32, #tpu.memory_space<vmem>>, vector<16x10xf32>,
    } else {
    }
    return
  }
  func.func @transform_0(%arg0: i32) -> (i32, i32, i32) {
    %c0_i32 = arith.constant 0 : i32
    %c0_i32_0 = arith.constant 0 : i32
    %c0_i32_1 = arith.constant 0 : i32
    return %c0_i32, %arg0, %c0_i32_0 : i32, i32, i32
  }
  func.func @transform_1(%arg0: i32) -> (i32, i32, i32) {
    %c0_i32 = arith.constant 0 : i32
    %c0_i32_0 = arith.constant 0 : i32
    %c0_i32_1 = arith.constant 0 : i32
    return %c0_i32, %arg0, %c0_i32_0 : i32, i32, i32
  }
  func.func @transform_2(%arg0: i32) -> (i32, i32) {
    %c0_i32 = arith.constant 0 : i32
    %c0_i32_0 = arith.constant 0 : i32
    return %arg0, %c0_i32 : i32, i32
  }
  func.func @transform_3(%arg0: i32) -> (i32, i32, i32) {
    %c0_i32 = arith.constant 0 : i32
    %c0_i32_0 = arith.constant 0 : i32
    %c0_i32_1 = arith.constant 0 : i32
    return %c0_i32, %arg0, %c0_i32_0 : i32, i32, i32
  }
  func.func @transform_4(%arg0: i32) -> (i32, i32) {
    %c0_i32 = arith.constant 0 : i32
    %c0_i32_0 = arith.constant 0 : i32
    return %arg0, %c0_i32 : i32, i32
  }
  func.func @transform_5(%arg0: i32) -> (i32, i32) {
    %c0_i32 = arith.constant 0 : i32
    %c0_i32_0 = arith.constant 0 : i32
    %c0_i32_1 = arith.constant 0 : i32
    return %c0_i32, %c0_i32_0 : i32, i32
  }
  func.func @transform_6(%arg0: i32) -> (i32, i32) {
    %c0_i32 = arith.constant 0 : i32
    %c0_i32_0 = arith.constant 0 : i32
    %c0_i32_1 = arith.constant 0 : i32
    return %c0_i32, %c0_i32_0 : i32, i32
  }
  func.func @transform_7(%arg0: i32) -> (i32, i32) {
    %c0_i32 = arith.constant 0 : i32
    %c0_i32_0 = arith.constant 0 : i32
    %c0_i32_1 = arith.constant 0 : i32
    return %c0_i32, %c0_i32_0 : i32, i32
  }
  func.func @transform_8(%arg0: i32) -> (i32, i32) {
    %c0_i32 = arith.constant 0 : i32
    %c0_i32_0 = arith.constant 0 : i32
    %c0_i32_1 = arith.constant 0 : i32
    return %c0_i32, %c0_i32_0 : i32, i32
  }
  func.func @transform_9(%arg0: i32) -> (i32, i32) {
    %c0_i32 = arith.constant 0 : i32
    %c0_i32_0 = arith.constant 0 : i32
    %c0_i32_1 = arith.constant 0 : i32
    return %c0_i32, %c0_i32_0 : i32, i32
  }
  func.func @transform_10(%arg0: i32) -> (i32, i32) {
    %c0_i32 = arith.constant 0 : i32
    %c0_i32_0 = arith.constant 0 : i32
    %c0_i32_1 = arith.constant 0 : i32
    return %c0_i32, %c0_i32_0 : i32, i32
  }
  func.func @transform_11(%arg0: i32) -> (i32, i32) {
    %c0_i32 = arith.constant 0 : i32
    %c0_i32_0 = arith.constant 0 : i32
    %c0_i32_1 = arith.constant 0 : i32
    return %c0_i32, %c0_i32_0 : i32, i32
  }
}

</mosaic_0001>

<sc_bundles>
// kernel: kernel.12.cloned.1.call-start
scs
__scs_entry_jumppad:
0x0: {  	(pc) =	sbr.rel $0x88, $3  }
0x1: {  	(tag) =	ssettag $0x0;
	lr =	simm.s32 $0x1  }
0x2: {  	[smem:$0x3F95] =	sst lr;
	_ =	strace $0xD0000000  }
0x3: {  	_ = 	snop  }
0x4: {  	_ = 	snop  }
0x5: {  	_ = 	snop  }
0x6: {  	_ = 	snop  }
0x7: {  	_ = 	snop  }
__scs_overlays_trampoline_lowered:
0x8: {  	[smem:$0x3FA4] =	sst s0  }
0x9: {  	[smem:$0x3FA5] =	sst s1  }
0xa: {  	[smem:$0x3FA6] =	sst s2  }
0xb: {  	[smem:$0x3FA7] =	sst s3  }
0xc: {  	[smem:$0x3FA8] =	sst s4  }
0xd: {  	[smem:$0x3FA9] =	sst s5  }
0xe: {  	[smem:$0x3FAA] =	sst s6  }
0xf: {  	[smem:$0x3FAB] =	sst s7  }
0x10: {  	[smem:$0x3FAC] =	sst s8  }
0x11: {  	[smem:$0x3FAD] =	sst s9;
	s0 =	simm.s32 @!p0 $0x0  }
0x12: {  	s1 =	sld [smem:$0x3F93];
	s0 =	simm.s32 @p0 $0x1  }
0x13: {  	[smem:$0x3FAE] =	sst s0;
	s0 =	simm.s32 @!p1 $0x0  }
0x14: {  	s2 =	sld [smem:$0x3F92];
	s0 =	simm.s32 @p1 $0x1  }
0x15: {  	[smem:$0x3FAF] =	sst s0;
	s0 =	simm.s32 @!p2 $0x0  }
0x16: {  	s3 =	sld [smem:$0x3FDB];
	s0 =	simm.s32 @p2 $0x1  }
0x17: {  	s4 =	simm.s32 $0x1BF5;
	[smem:$0x3FB1] =	sst s0  }
0x18: {  	s0 =	sld [smem:$0x3F94];
	_ =	swait.ge [sflag:s4], $0x0  }
0x19: {  	s7 =	sld [smem:$0x3F95]  }
0x1a: {  	s8 =	sadd.s32 $0xFFFFE003, lr  }
0x1b: {  	s9 =	sadd.s32 $0xFFFFFEF7, lr;
	s5 =	simm.s32 $0xFFFFFFFF;
	p2 =	slt.u32 s8, $0xFFFFF086  }
0x1c: {  	p1 =	slt.u32 s9, $0xF7A;
	s5 =	simm.s32 @!p2 $0x0  }
0x1d: {  	s5 =	simm.s32 @p1 $0x1;
	p0 =	seq.s32 s7, s2  }
0x1e: {  	s7 =	smul.u32 @!p0 $0xF7A, s2;
	p2 =	seq.s32 @!p0 s5, $0x0  }
0x1f: {  	s9 =	smul.u32 $0xF7A, s1;
	s8 =	simm.s32 @!p0 $0x1BF5;
	p2 =	por !p2, p0  }
0x20: {  	[sflag:s8] =	ssyncset.s32 @!p0 $0xFFFFF086;
	s6 =	sadd.s32 @!p0 s3, s7;
	s7 =	simm.s32 @!p0 $0x108  }
0x21: {  	s3 =	sadd.s32 s3, s9;
	s6 =	sadd.s32 @!p0 $0x88, s6;
	s7 =	simm.s32 @p2 $0x1082  }
0x22: {  	[simem:s7], [sflag:s8] =	dma.local @!p0 [hbm:s6], $0xF7A  }
0x23: {  	s9 =	sor.u32 $0xD0000000, s2;
	s6 =	simm.s32 $0x108;
	_ =	swait.ge @!p0 [sflag:s8], $0x0  }
0x24: {  	s3 =	sadd.s32 $0x88, s3;
	s6 =	simm.s32 @!p1 $0x1082;
	[sflag:s4] =	ssyncset.s32 $0xFFFFF086  }
0x25: {  	[simem:s6], [sflag:s4] =	dma.local [hbm:s3], $0xF7A  }
0x26: {  	[smem:$0x3F95] =	sst s1;
	(tag) =	ssettag s2;
	_ =	strace s9  }
0x27: {  	s1 =	sld [smem:$0x3FA5]  }
0x28: {  	s2 =	sld [smem:$0x3FA6]  }
0x29: {  	s4 =	sld [smem:$0x3FA8]  }
0x2a: {  	p0 =	seq.s32 s5, $0x0;
	s5 =	sld [smem:$0x3FA9]  }
0x2b: {  	s6 =	sld [smem:$0x3FAA]  }
0x2c: {  	s7 =	sld [smem:$0x3FAB]  }
0x2d: {  	s3 =	simm.s32 $0x108;
	s8 =	sld [smem:$0x3FAC]  }
0x2e: {  	s3 =	simm.s32 @!p0 $0x1082;
	s9 =	sld [smem:$0x3FAD]  }
0x2f: {  	lr =	sadd.s32 s0, s3;
	s0 =	sld [smem:$0x3FA4]  }
0x30: {  	s3 =	sld [smem:$0x3FA7]  }
0x31: {  	[smem:$0x3FB0] =	sst s10  }
0x32: {  	s10 =	sld [smem:$0x3FAE];
	_ =	sdelay $0x3  }
0x33: {  	p0 =	seq.s32 s10, $0x1;
	s10 =	sld [smem:$0x3FB0];
	_ =	sdelay $0x3  }
0x34: {  	[smem:$0x3FB0] =	sst s10  }
0x35: {  	s10 =	sld [smem:$0x3FAF];
	_ =	sdelay $0x3  }
0x36: {  	p1 =	seq.s32 s10, $0x1;
	s10 =	sld [smem:$0x3FB0];
	_ =	sdelay $0x3  }
0x37: {  	[smem:$0x3FB0] =	sst s10  }
0x38: {  	s10 =	sld [smem:$0x3FB1]  }
0x39: {  	_ = 	snop;
	(pc) =	sbr.ind lr, $3  }
0x3a: {  	_ = 	snop  }
0x3b: {  	_ = 	snop  }
0x3c: {  	p2 =	seq.s32 s10, $0x1;
	s10 =	sld [smem:$0x3FB0]  }
0x3d: {  	_ =	shalt  }
0x3e: {  	_ =	shalt  }
0x3f: {  	_ =	shalt  }
0x40: {  	_ =	shalt  }
0x41: {  	_ =	shalt  }
0x42: {  	_ =	shalt  }
0x43: {  	_ =	shalt  }
0x44: {  	_ =	shalt  }
0x45: {  	_ =	shalt  }
0x46: {  	_ =	shalt  }
0x47: {  	_ =	shalt  }
0x48: {  	_ =	shalt  }
0x49: {  	_ =	shalt  }
0x4a: {  	_ =	shalt  }
0x4b: {  	_ =	shalt  }
0x4c: {  	_ =	shalt  }
0x4d: {  	_ =	shalt  }
0x4e: {  	_ =	shalt  }
0x4f: {  	_ =	shalt  }
0x50: {  	_ =	shalt  }
0x51: {  	_ =	shalt  }
0x52: {  	_ =	shalt  }
0x53: {  	_ =	shalt  }
0x54: {  	_ =	shalt  }
0x55: {  	_ =	shalt  }
0x56: {  	_ =	shalt  }
0x57: {  	_ =	shalt  }
0x58: {  	_ =	shalt  }
0x59: {  	_ =	shalt  }
0x5a: {  	_ =	shalt  }
0x5b: {  	_ =	shalt  }
0x5c: {  	_ =	shalt  }
0x5d: {  	_ =	shalt  }
0x5e: {  	_ =	shalt  }
0x5f: {  	_ =	shalt  }
0x60: {  	_ =	shalt  }
0x61: {  	_ =	shalt  }
0x62: {  	_ =	shalt  }
0x63: {  	_ =	shalt  }
0x64: {  	_ =	shalt  }
0x65: {  	_ =	shalt  }
0x66: {  	_ =	shalt  }
0x67: {  	_ =	shalt  }
0x68: {  	_ =	shalt  }
0x69: {  	_ =	shalt  }
0x6a: {  	_ =	shalt  }
0x6b: {  	_ =	shalt  }
0x6c: {  	_ =	shalt  }
0x6d: {  	_ =	shalt  }
0x6e: {  	_ =	shalt  }
0x6f: {  	_ =	shalt  }
0x70: {  	_ =	shalt  }
0x71: {  	_ =	shalt  }
0x72: {  	_ =	shalt  }
0x73: {  	_ =	shalt  }
0x74: {  	_ =	shalt  }
0x75: {  	_ =	shalt  }
0x76: {  	_ =	shalt  }
0x77: {  	_ =	shalt  }
0x78: {  	_ =	shalt  }
0x79: {  	_ =	shalt  }
0x7a: {  	_ =	shalt  }
0x7b: {  	_ =	shalt  }
0x7c: {  	_ =	shalt  }
0x7d: {  	_ =	shalt  }
0x7e: {  	_ =	shalt  }
0x7f: {  	_ =	shalt  }
0x80: {  	_ =	shalt  }
0x81: {  	_ =	shalt  }
0x82: {  	_ =	shalt  }
0x83: {  	_ =	shalt  }
0x84: {  	_ =	shalt  }
0x85: {  	_ =	shalt  }
0x86: {  	_ =	shalt  }
0x87: {  	_ =	shalt  }
.Lfunc_end0:
.L_simem_size_0:
called_computation.1_lowered:
.L_overlay_start_0:
0x88: {  	s2 =	sld [smem:$0x3FD9]  }
0x89: {  	s3 =	sld [smem:$0x3FFE];
	_ =	sdelay $0x1  }
0x8a: {  	s1 =	srdreg.scid  }
0x8b: {  	s0 =	sand.u32 $0x1, s1  }
0x8c: {  	s16 =	sshll.u32 s0, $0xA;
	s2 =	sadd.s32 s3, s2  }
0x8d: {  	s2 =	sadd.s32 s2, s16  }
0x8e: {  	[smem:$0x3FBC] =	sst s2  }
0x8f: {  	_ = 	snop  }
0x90: {  	(tm) =	ssettm $0x1  }
0x91: {  	s17 =	sld [smem:$0x3FFB];
	_ =	sdelay $0x3  }
0x92: {  	_ =	strace s17  }
0x93: {  	s2 =	sld [smem:$0x3FFC];
	_ =	sdelay $0x3  }
0x94: {  	_ =	strace s2  }
0x95: {  	s2 =	sld [smem:$0x3FFD];
	_ =	sdelay $0x3  }
0x96: {  	_ =	strace s2  }
0x97: {  	_ =	strace $0x8FFFFFFF  }
0x98: {  	s18 =	sld [smem:$0x3FDB];
	_ =	sdelay $0x1  }
0x99: {  	s19 =	simm.s32 $_scs_section_size  }
0x9a: {  	s4 =	simm.s32 $_size__tile_overlayer_lowered;
	s5 =	simm.s32 $_tile_overlayer_lowered  }
0x9b: {  	s22 =	simm.s32 $0x1BFF;
	s21 =	sshll.u32 s5, $0x1;
	s2 =	sadd.s32 s19, s18  }
0x9c: {  	s6 =	simm.s32 $0x0;
	s20 =	sshll.u32 s4, $0x1;
	s4 =	sadd.s32 s21, s2  }
0x9d: {  	[timem:s6], [sflag:s22] =	dma.local [hbm:s4], s20  }
0x9e: {  	_ =	swait.ge [sflag:s22], s20  }
0x9f: {  	s3 =	ssub.s32 $0x0, s20;
	[sflag:s22] =	ssyncset.done $0x0  }
0xa0: {  	[sflag:s22] =	ssyncadd.s32 s3;
	_ =	sdelay $0x1  }
0xa1: {  	s23 =	simm.s32 $0x1B8B  }
0xa2: {  	_ =	swait.ge [sflag:s23], $0x1  }
0xa3: {  	[sflag:s23] =	ssyncset.done $0x0  }
0xa4: {  	s25 =	simm.s32 $0x1B8E;
	s24 =	sld [smem:$0x3FFE];
	[sflag:s23] =	ssyncadd.s32 $0xFFFFFFFF  }
0xa5: {  	s26 =	simm.s32 $execute0_lowered;
	[smem:$0x3FD2] =	sst s25  }
0xa6: {  	s4 =	sshll.u32 s26, $0x1;
	_ =	strace $0x80000049;
	[dreg:$0x1] =	wrdreg $0xFFFFFFFF  }
0xa7: {  	s28 =	simm.s32 $_size_execute0_lowered;
	s2 =	sadd.s32 s2, s4;
	[dreg:$0x0] =	wrdreg $0x0  }
0xa8: {  	s4 =	sshll.u32 s28, $0x1;
	[dreg:$0x2] =	wrdreg s2  }
0xa9: {  	[dreg:$0x3] =	wrdreg s4  }
0xaa: {  	[dreg:$0x4] =	wrdreg $0xC0  }
0xab: {  	_ =	task [dreg:s6], $0x5FFFF  }
0xac: {  	[dreg:$0x1] =	wrdreg $0xFFFFFFFF  }
0xad: {  	[dreg:$0x0] =	wrdreg $0x60  }
0xae: {  	[dreg:$0x2] =	wrdreg s24  }
0xaf: {  	[dreg:$0x3] =	wrdreg $0xA8000  }
0xb0: {  	[dreg:$0x4] =	wrdreg $0xA  }
0xb1: {  	_ =	task.clear_ibuf [dreg:s6], $0x5FFFF;
	_ =	strace $0x90000049  }
0xb2: {  	s29 =	simm.s32 $0xA;
	_ =	strace $0x8000004B  }
0xb3: {  	_ =	swait.ge [sflag:s29], $0x1  }
0xb4: {  	[sflag:s29] =	ssyncadd.s32 $0xFFFFFFFF  }
0xb5: {  	_ =	strace $0x9000004B  }
0xb6: {  	_ =	sfence  }
0xb7: {  	s30 =	sld [smem:$0x0];
	_ =	sdelay $0x2  }
0xb8: {  	s31 =	sshll.u32 s1, $0xD;
	s1 =	sshrl.u32 s1, $0x2  }
0xb9: {  	s3 =	sand.u32 $0x4000, s31;
	s1 =	sadd.s32 s1, s30  }
0xba: {  	s0 =	sor.u32 s3, s0;
	s1 =	sshll.u32 s1, $0x11  }
0xbb: {  	s0 =	sor.u32 s1, s0  }
0xbc: {  	s0 =	sadd.s32 $0x8F2B, s0  }
0xbd: {  	[sflag:s0] =	ssyncadd.remote.s32 $0x1  }
0xbe: {  	_ =	sfence.sel $0xFFFF  }
0xbf: {  	[dreg:$0x0] =	wrdreg $0xFFFFFFFF;
	(pc) =	sbr.abs _section_cstart, $3  }
0xc0: {  	[dreg:$0x1] =	wrdreg $0xFFFFFFFF  }
0xc1: {  	_ =	task.clear_ibuf [dreg:s6], $0x2FFFF;
	_ =	strace $0x9FFFFFFF  }
0xc2: {  	(tm) =	ssettm $0x7FFFFFFF  }
0xc3: {  	_ =	shalt  }
tec
execute0_lowered:
.L_overlay_start_1:
0x0: {  	(tag) =	ssettag $0x1  }
0x1: {  	s5 =	rddreg [dreg:$0x0]  }
0x2: {  	s2 =	rddreg [dreg:$0x1]  }
0x3: {  	s0 =	srdreg.scid;
	s1 =	rddreg [dreg:$0x2]  }
0x4: {  	s3 =	simm.s32 $0x0;
	s15 =	simm.s32 $0x1400;
	s6 =	sand.u32 $0x1, s0  }
0x5: {  	s16 =	simm.s32 $0x80;
	s0 =	stileid.u32;
	s4 =	smul.u32 $0x28000, s6  }
0x6: {  	s17 =	simm.s32 $0x2800;
	s18 =	simm.s32 $0x1;
	s7 =	smul.u32 $0x2800, s0  }
0x7: {  	s19 =	simm.s32 $0x0;
	[smem:$0x7FF] =	sst s3;
	s8 =	smul.u32 $0x14000, s0  }
0x8: {  	s10 =	smul.u32 $0x140000, s6;
	_ =	strace $0x8000004A;
	s28 =	ssub.s32 $0x2, s6  }
0x9: {  	s29 =	smul.u32 $0x50000, s0;
	s30 =	sshll.u32 s0, $0x6;
	s6 =	sshrl.u32 s28, $0x1  }
0xa: {  	s9 =	sadd.s32 s7, s4;
	s4 =	sadd.s32 $0x2800, s5;
	s7 =	sshrl.u32 s7, $0x3  }
0xb: {  	s10 =	sadd.s32 s8, s10;
	s25 =	sshrl.u32 s8, $0x3;
	s13 =	ssub.s32 s28, s6  }
0xc: {  	s6 =	sor.u32 $0x1C02, s30;
	s9 =	sshrl.u32 s9, $0x3;
	s11 =	sadd.s32 s7, s5  }
0xd: {  	s26 =	sshrl.u32 s10, $0x3;
	s7 =	sadd.s32 s25, s5;
	s9 =	sadd.s32 s9, s5  }
0xe: {  	s12 =	sadd.s32 s26, s5;
	s5 =	sadd.s32 $0x36AC00, s7;
	s8 =	sadd.s32 $0x314C00, s11  }
0xf: {  	s31 =	sshrl.u32 s29, $0x2;
	s10 =	sadd.s32 $0x314E80, s11;
	s7 =	sadd.s32 $0x3E8400, s9  }
0x10: {  	s14 =	sadd.s32 s31, s2;
	s9 =	sadd.s32 $0x3E8680, s9;
	s11 =	sadd.s32 $0x392C00, s12  }
0x11: {  	s12 =	smax.u32 s13, $0x1;
	s13 =	sshrl.u32 s14, $0x3;
	s14 =	simm.s32 $0x2  }
.LBB2_1:
0x12: {  	[spmem:s13], [sflag:s6] =	dma.local [hbm:s5], $0x2800  }
0x13: {  	_ =	swait.ge [sflag:s14], $0x2800  }
0x14: {  	[sflag:s14] =	ssyncset.done $0x0  }
0x15: {  	[sflag:s14] =	ssyncadd.s32 $0xFFFFD800  }
0x16: {  	[bflag:$0x0] =	sbarrier.arrive $0xFFFF  }
0x17: {  	[tilespmem:s3], [sflag:$0x2] =	stream.linear.gather [hbm4b:s7+s3], $0x1400, $0x38;
	[tilespmem:$0x1E800] =	vst v63  }
0x18: {  	_ =	swait.ge [sflag:s14], $0x1400  }
0x19: {  	[sflag:s14] =	ssyncset.done $0x0  }
0x1a: {  	[sflag:s14] =	ssyncadd.s32 $0xFFFFEC00  }
0x1b: {  	[tilespmem:s15], [sflag:$0x2] =	stream.linear.gather [hbm4b:s8+s3], $0x1400, $0x38;
	[tilespmem:$0x1E800] =	vst v63  }
0x1c: {  	_ =	swait.ge [sflag:s14], $0x1400  }
0x1d: {  	[sflag:s14] =	ssyncset.done $0x0  }
0x1e: {  	s20 =	simm.s32 $0x0;
	[sflag:s14] =	ssyncadd.s32 $0xFFFFEC00  }
0x1f: {  	[tilespmem:s17], [sflag:$0x1] =	stream.indirect.gather [hbm4b:s4+s16], $0x80, s20, s16, $0xb8;
	[tilespmem:$0x1E800] =	vst v63  }
0x20: {  	_ =	swait.ge [sflag:s18], $0x4000  }
0x21: {  	[sflag:s18] =	ssyncset.done $0x0  }
0x22: {  	s31 =	simm.s32 $0x1400;
	[sflag:s18] =	ssyncadd.s32 $0xFFFFC000  }
0x23: {  	[spmem:s2] =	stream.indirect.scatter.add.f32 [tilespmem:s17], [sflag:$0x2], $0x80, s31, s16, $0xb8;
	[tilespmem:$0x1E800] =	vst v63  }
0x24: {  	_ =	swait.ge [sflag:s14], $0x4000  }
0x25: {  	s21 =	simm.s32 $0x400;
	s20 =	simm.s32 $0x200;
	[sflag:s14] =	ssyncset.done $0x0  }
.LBB2_2:
0x26: {  	s22 =	sshra.s32 s20, $0x2  }
0x27: {  	[sflag:s14] =	ssyncadd.s32 $0xFFFFC000;
	s20 =	smov.u32 s21;
	s23 =	sadd.s32 $0x200, s21  }
0x28: {  	[tilespmem:s17], [sflag:$0x1] =	stream.indirect.gather [hbm4b:s4+s16], $0x80, s22, s16, $0xb8;
	[tilespmem:$0x1E800] =	vst v63  }
0x29: {  	p0 =	sne.s32 s21, $0x4E00;
	_ =	swait.ge [sflag:s18], $0x4000  }
.Ltmp0:
0x2a: {  	[sflag:s18] =	ssyncset.done $0x0;
	(pc) =	sbr.rel @p0 .LBB2_2-.Ltmp0, $4  }
0x2b: {  	s21 =	sadd.s32 $0x1400, s22;
	[sflag:s18] =	ssyncadd.s32 $0xFFFFC000  }
0x2c: {  	[spmem:s2] =	stream.indirect.scatter.add.f32 [tilespmem:s17], [sflag:$0x2], $0x80, s21, s16, $0xb8;
	[tilespmem:$0x1E800] =	vst v63  }
0x2d: {  	_ =	swait.ge [sflag:s14], $0x4000  }
0x2e: {  	s21 =	smov.u32 s23;
	[sflag:s14] =	ssyncset.done $0x0  }
0x2f: {  	s20 =	sshra.s32 s20, $0x2;
	[sflag:s14] =	ssyncadd.s32 $0xFFFFC000  }
0x30: {  	[tilespmem:s17], [sflag:$0x1] =	stream.indirect.gather [hbm4b:s4+s16], $0x80, s20, s16, $0xb8;
	[tilespmem:$0x1E800] =	vst v63  }
0x31: {  	_ =	swait.ge [sflag:s18], $0x4000  }
0x32: {  	[sflag:s18] =	ssyncset.done $0x0  }
0x33: {  	s20 =	sadd.s32 $0x1400, s20;
	[sflag:s18] =	ssyncadd.s32 $0xFFFFC000  }
0x34: {  	[spmem:s2] =	stream.indirect.scatter.add.f32 [tilespmem:s17], [sflag:$0x2], $0x80, s20, s16, $0xb8;
	[tilespmem:$0x1E800] =	vst v63  }
0x35: {  	_ =	swait.ge [sflag:s14], $0x4000  }
0x36: {  	[sflag:s14] =	ssyncset.done $0x0  }
0x37: {  	s29 =	simm.s32 $0x0;
	[sflag:s14] =	ssyncadd.s32 $0xFFFFC000  }
0x38: {  	[tilespmem:s29], [sflag:$0x2] =	stream.linear.gather [hbm4b:s9+s29], $0x1400, $0x38;
	[tilespmem:$0x1E800] =	vst v63  }
0x39: {  	_ =	swait.ge [sflag:s14], $0x1400  }
0x3a: {  	[sflag:s14] =	ssyncset.done $0x0  }
0x3b: {  	[sflag:s14] =	ssyncadd.s32 $0xFFFFEC00  }
0x3c: {  	[tilespmem:s15], [sflag:$0x2] =	stream.linear.gather [hbm4b:s10+s29], $0x1400, $0x38;
	[tilespmem:$0x1E800] =	vst v63  }
0x3d: {  	_ =	swait.ge [sflag:s14], $0x1400  }
0x3e: {  	[sflag:s14] =	ssyncset.done $0x0  }
0x3f: {  	s30 =	simm.s32 $0x0;
	[sflag:s14] =	ssyncadd.s32 $0xFFFFEC00  }
0x40: {  	[tilespmem:s17], [sflag:$0x1] =	stream.indirect.gather [hbm4b:s4+s16], $0x80, s30, s16, $0xb8;
	[tilespmem:$0x1E800] =	vst v63  }
0x41: {  	_ =	swait.ge [sflag:s18], $0x4000  }
0x42: {  	[sflag:s18] =	ssyncset.done $0x0  }
0x43: {  	s31 =	simm.s32 $0x1400;
	[sflag:s18] =	ssyncadd.s32 $0xFFFFC000  }
0x44: {  	[spmem:s2] =	stream.indirect.scatter.add.f32 [tilespmem:s17], [sflag:$0x2], $0x80, s31, s16, $0xb8;
	[tilespmem:$0x1E800] =	vst v63  }
0x45: {  	_ =	swait.ge [sflag:s14], $0x4000  }
0x46: {  	s21 =	simm.s32 $0x400;
	s20 =	simm.s32 $0x200;
	[sflag:s14] =	ssyncset.done $0x0  }
.LBB2_4:
0x47: {  	s22 =	sshra.s32 s20, $0x2  }
0x48: {  	[sflag:s14] =	ssyncadd.s32 $0xFFFFC000;
	s20 =	smov.u32 s21;
	s23 =	sadd.s32 $0x200, s21  }
0x49: {  	[tilespmem:s17], [sflag:$0x1] =	stream.indirect.gather [hbm4b:s4+s16], $0x80, s22, s16, $0xb8;
	[tilespmem:$0x1E800] =	vst v63  }
0x4a: {  	p0 =	sne.s32 s21, $0x4E00;
	_ =	swait.ge [sflag:s18], $0x4000  }
.Ltmp1:
0x4b: {  	[sflag:s18] =	ssyncset.done $0x0;
	(pc) =	sbr.rel @p0 .LBB2_4-.Ltmp1, $4  }
0x4c: {  	s21 =	sadd.s32 $0x1400, s22;
	[sflag:s18] =	ssyncadd.s32 $0xFFFFC000  }
0x4d: {  	[spmem:s2] =	stream.indirect.scatter.add.f32 [tilespmem:s17], [sflag:$0x2], $0x80, s21, s16, $0xb8;
	[tilespmem:$0x1E800] =	vst v63  }
0x4e: {  	_ =	swait.ge [sflag:s14], $0x4000  }
0x4f: {  	s21 =	smov.u32 s23;
	[sflag:s14] =	ssyncset.done $0x0  }
0x50: {  	s20 =	sshra.s32 s20, $0x2;
	[sflag:s14] =	ssyncadd.s32 $0xFFFFC000  }
0x51: {  	[tilespmem:s17], [sflag:$0x1] =	stream.indirect.gather [hbm4b:s4+s16], $0x80, s20, s16, $0xb8;
	[tilespmem:$0x1E800] =	vst v63  }
0x52: {  	_ =	swait.ge [sflag:s18], $0x4000  }
0x53: {  	[sflag:s18] =	ssyncset.done $0x0  }
0x54: {  	s20 =	sadd.s32 $0x1400, s20;
	[sflag:s18] =	ssyncadd.s32 $0xFFFFC000  }
0x55: {  	[spmem:s2] =	stream.indirect.scatter.add.f32 [tilespmem:s17], [sflag:$0x2], $0x80, s20, s16, $0xb8;
	[tilespmem:$0x1E800] =	vst v63  }
0x56: {  	_ =	swait.ge [sflag:s14], $0x4000  }
0x57: {  	s19 =	sadd.s32 $0x1, s19;
	[sflag:s14] =	ssyncset.done $0x0  }
0x58: {  	p0 =	sne.s32 s19, s12;
	[sflag:s14] =	ssyncadd.s32 $0xFFFFC000  }
.Ltmp2:
0x59: {  	[bflag:$0x0] =	sbarrier.arrive $0xFFFF;
	(pc) =	sbr.rel @p0 .LBB2_1-.Ltmp2, $4  }
0x5a: {  	[hbm:s11], [sflag:s6] =	dma.local [spmem:s13], $0x2800  }
0x5b: {  	_ =	swait.ge [sflag:s14], $0x2800  }
0x5c: {  	[sflag:s14] =	ssyncset.done $0x0  }
0x5d: {  	[sflag:s14] =	ssyncadd.s32 $0xFFFFD800  }
0x5e: {  	_ =	sfence.sel $0x180000  }
0x5f: {  	[bflag:$0x0] =	sbarrier.arrive $0xFFFF  }
0x60: {  	p0 =	sne.s32 s0, $0x0;
	_ =	strace $0x9000004A  }
0x61: {  	s0 =	sadd.s32 @!p0 $0x100000, s1;
	[bflag:$0x2] =	sbarrier.arrive $0xFFFF  }
0x62: {  	[sflag:s0] =	ssyncadd.tile.s32 @!p0 $0x1;
	_ =	shalt  }
.Lfunc_end2:
_tile_overlayer_lowered:
.L_overlay_start_2:
0x63: {  	(tag) =	ssettag $0x2  }
0x64: {  	s0 =	rddreg [dreg:$0x0];
	s2 =	stileid.u32  }
0x65: {  	s1 =	rddreg [dreg:$0x1];
	p0 =	sne.s32 s2, $0x0  }
0x66: {  	s3 =	rddreg [dreg:$0x2];
	[bflag:$0x3] =	sbarrier.arrive $0xFFFF;
	s2 =	simm.s32 @!p0 $0x1C02  }
0x67: {  	[timem:s3], [sflag:s2] =	dma.local @!p0 [hbm:s0], s1  }
0x68: {  	s0 =	simm.s32 @!p0 $0x2  }
0x69: {  	_ =	swait.ge @!p0 [sflag:s0], s1  }
0x6a: {  	s1 =	ssub.s32 @!p0 $0x0, s1;
	[sflag:s0] =	ssyncset.done @!p0 $0x0  }
0x6b: {  	[sflag:s0] =	ssyncadd.s32 @!p0 s1  }
0x6c: {  	[bflag:$0x3] =	sbarrier.arrive $0xFFFF  }
0x6d: {  	_ =	shalt  }

// kernel: kernel.15.cloned.1.call-start
scs
__scs_entry_jumppad:
0x0: {  	(pc) =	sbr.rel $0x88, $3  }
0x1: {  	(tag) =	ssettag $0x0;
	lr =	simm.s32 $0x1  }
0x2: {  	[smem:$0x3F95] =	sst lr;
	_ =	strace $0xD0000000  }
0x3: {  	_ = 	snop  }
0x4: {  	_ = 	snop  }
0x5: {  	_ = 	snop  }
0x6: {  	_ = 	snop  }
0x7: {  	_ = 	snop  }
__scs_overlays_trampoline_lowered:
0x8: {  	[smem:$0x3FA4] =	sst s0  }
0x9: {  	[smem:$0x3FA5] =	sst s1  }
0xa: {  	[smem:$0x3FA6] =	sst s2  }
0xb: {  	[smem:$0x3FA7] =	sst s3  }
0xc: {  	[smem:$0x3FA8] =	sst s4  }
0xd: {  	[smem:$0x3FA9] =	sst s5  }
0xe: {  	[smem:$0x3FAA] =	sst s6  }
0xf: {  	[smem:$0x3FAB] =	sst s7  }
0x10: {  	[smem:$0x3FAC] =	sst s8  }
0x11: {  	[smem:$0x3FAD] =	sst s9;
	s0 =	simm.s32 @!p0 $0x0  }
0x12: {  	s1 =	sld [smem:$0x3F93];
	s0 =	simm.s32 @p0 $0x1  }
0x13: {  	[smem:$0x3FAE] =	sst s0;
	s0 =	simm.s32 @!p1 $0x0  }
0x14: {  	s2 =	sld [smem:$0x3F92];
	s0 =	simm.s32 @p1 $0x1  }
0x15: {  	[smem:$0x3FAF] =	sst s0;
	s0 =	simm.s32 @!p2 $0x0  }
0x16: {  	s3 =	sld [smem:$0x3FDB];
	s0 =	simm.s32 @p2 $0x1  }
0x17: {  	s4 =	simm.s32 $0x1BF5;
	[smem:$0x3FB1] =	sst s0  }
0x18: {  	s0 =	sld [smem:$0x3F94];
	_ =	swait.ge [sflag:s4], $0x0  }
0x19: {  	s7 =	sld [smem:$0x3F95]  }
0x1a: {  	s8 =	sadd.s32 $0xFFFFE003, lr  }
0x1b: {  	s9 =	sadd.s32 $0xFFFFFEF7, lr;
	s5 =	simm.s32 $0xFFFFFFFF;
	p2 =	slt.u32 s8, $0xFFFFF086  }
0x1c: {  	p1 =	slt.u32 s9, $0xF7A;
	s5 =	simm.s32 @!p2 $0x0  }
0x1d: {  	s5 =	simm.s32 @p1 $0x1;
	p0 =	seq.s32 s7, s2  }
0x1e: {  	s7 =	smul.u32 @!p0 $0xF7A, s2;
	p2 =	seq.s32 @!p0 s5, $0x0  }
0x1f: {  	s9 =	smul.u32 $0xF7A, s1;
	s8 =	simm.s32 @!p0 $0x1BF5;
	p2 =	por !p2, p0  }
0x20: {  	[sflag:s8] =	ssyncset.s32 @!p0 $0xFFFFF086;
	s6 =	sadd.s32 @!p0 s3, s7;
	s7 =	simm.s32 @!p0 $0x108  }
0x21: {  	s3 =	sadd.s32 s3, s9;
	s6 =	sadd.s32 @!p0 $0x88, s6;
	s7 =	simm.s32 @p2 $0x1082  }
0x22: {  	[simem:s7], [sflag:s8] =	dma.local @!p0 [hbm:s6], $0xF7A  }
0x23: {  	s9 =	sor.u32 $0xD0000000, s2;
	s6 =	simm.s32 $0x108;
	_ =	swait.ge @!p0 [sflag:s8], $0x0  }
0x24: {  	s3 =	sadd.s32 $0x88, s3;
	s6 =	simm.s32 @!p1 $0x1082;
	[sflag:s4] =	ssyncset.s32 $0xFFFFF086  }
0x25: {  	[simem:s6], [sflag:s4] =	dma.local [hbm:s3], $0xF7A  }
0x26: {  	[smem:$0x3F95] =	sst s1;
	(tag) =	ssettag s2;
	_ =	strace s9  }
0x27: {  	s1 =	sld [smem:$0x3FA5]  }
0x28: {  	s2 =	sld [smem:$0x3FA6]  }
0x29: {  	s4 =	sld [smem:$0x3FA8]  }
0x2a: {  	p0 =	seq.s32 s5, $0x0;
	s5 =	sld [smem:$0x3FA9]  }
0x2b: {  	s6 =	sld [smem:$0x3FAA]  }
0x2c: {  	s7 =	sld [smem:$0x3FAB]  }
0x2d: {  	s3 =	simm.s32 $0x108;
	s8 =	sld [smem:$0x3FAC]  }
0x2e: {  	s3 =	simm.s32 @!p0 $0x1082;
	s9 =	sld [smem:$0x3FAD]  }
0x2f: {  	lr =	sadd.s32 s0, s3;
	s0 =	sld [smem:$0x3FA4]  }
0x30: {  	s3 =	sld [smem:$0x3FA7]  }
0x31: {  	[smem:$0x3FB0] =	sst s10  }
0x32: {  	s10 =	sld [smem:$0x3FAE];
	_ =	sdelay $0x3  }
0x33: {  	p0 =	seq.s32 s10, $0x1;
	s10 =	sld [smem:$0x3FB0];
	_ =	sdelay $0x3  }
0x34: {  	[smem:$0x3FB0] =	sst s10  }
0x35: {  	s10 =	sld [smem:$0x3FAF];
	_ =	sdelay $0x3  }
0x36: {  	p1 =	seq.s32 s10, $0x1;
	s10 =	sld [smem:$0x3FB0];
	_ =	sdelay $0x3  }
0x37: {  	[smem:$0x3FB0] =	sst s10  }
0x38: {  	s10 =	sld [smem:$0x3FB1]  }
0x39: {  	_ = 	snop;
	(pc) =	sbr.ind lr, $3  }
0x3a: {  	_ = 	snop  }
0x3b: {  	_ = 	snop  }
0x3c: {  	p2 =	seq.s32 s10, $0x1;
	s10 =	sld [smem:$0x3FB0]  }
0x3d: {  	_ =	shalt  }
0x3e: {  	_ =	shalt  }
0x3f: {  	_ =	shalt  }
0x40: {  	_ =	shalt  }
0x41: {  	_ =	shalt  }
0x42: {  	_ =	shalt  }
0x43: {  	_ =	shalt  }
0x44: {  	_ =	shalt  }
0x45: {  	_ =	shalt  }
0x46: {  	_ =	shalt  }
0x47: {  	_ =	shalt  }
0x48: {  	_ =	shalt  }
0x49: {  	_ =	shalt  }
0x4a: {  	_ =	shalt  }
0x4b: {  	_ =	shalt  }
0x4c: {  	_ =	shalt  }
0x4d: {  	_ =	shalt  }
0x4e: {  	_ =	shalt  }
0x4f: {  	_ =	shalt  }
0x50: {  	_ =	shalt  }
0x51: {  	_ =	shalt  }
0x52: {  	_ =	shalt  }
0x53: {  	_ =	shalt  }
0x54: {  	_ =	shalt  }
0x55: {  	_ =	shalt  }
0x56: {  	_ =	shalt  }
0x57: {  	_ =	shalt  }
0x58: {  	_ =	shalt  }
0x59: {  	_ =	shalt  }
0x5a: {  	_ =	shalt  }
0x5b: {  	_ =	shalt  }
0x5c: {  	_ =	shalt  }
0x5d: {  	_ =	shalt  }
0x5e: {  	_ =	shalt  }
0x5f: {  	_ =	shalt  }
0x60: {  	_ =	shalt  }
0x61: {  	_ =	shalt  }
0x62: {  	_ =	shalt  }
0x63: {  	_ =	shalt  }
0x64: {  	_ =	shalt  }
0x65: {  	_ =	shalt  }
0x66: {  	_ =	shalt  }
0x67: {  	_ =	shalt  }
0x68: {  	_ =	shalt  }
0x69: {  	_ =	shalt  }
0x6a: {  	_ =	shalt  }
0x6b: {  	_ =	shalt  }
0x6c: {  	_ =	shalt  }
0x6d: {  	_ =	shalt  }
0x6e: {  	_ =	shalt  }
0x6f: {  	_ =	shalt  }
0x70: {  	_ =	shalt  }
0x71: {  	_ =	shalt  }
0x72: {  	_ =	shalt  }
0x73: {  	_ =	shalt  }
0x74: {  	_ =	shalt  }
0x75: {  	_ =	shalt  }
0x76: {  	_ =	shalt  }
0x77: {  	_ =	shalt  }
0x78: {  	_ =	shalt  }
0x79: {  	_ =	shalt  }
0x7a: {  	_ =	shalt  }
0x7b: {  	_ =	shalt  }
0x7c: {  	_ =	shalt  }
0x7d: {  	_ =	shalt  }
0x7e: {  	_ =	shalt  }
0x7f: {  	_ =	shalt  }
0x80: {  	_ =	shalt  }
0x81: {  	_ =	shalt  }
0x82: {  	_ =	shalt  }
0x83: {  	_ =	shalt  }
0x84: {  	_ =	shalt  }
0x85: {  	_ =	shalt  }
0x86: {  	_ =	shalt  }
0x87: {  	_ =	shalt  }
.Lfunc_end0:
.L_simem_size_0:
called_computation.2_lowered:
.L_overlay_start_0:
0x88: {  	s2 =	sld [smem:$0x3FD9]  }
0x89: {  	s3 =	sld [smem:$0x3FFE];
	_ =	sdelay $0x1  }
0x8a: {  	s1 =	srdreg.scid  }
0x8b: {  	s0 =	sand.u32 $0x1, s1  }
0x8c: {  	s17 =	sshll.u32 s0, $0xA;
	s2 =	sadd.s32 s3, s2  }
0x8d: {  	s2 =	sadd.s32 s2, s17  }
0x8e: {  	[smem:$0x3FBC] =	sst s2  }
0x8f: {  	_ = 	snop  }
0x90: {  	(tm) =	ssettm $0x1  }
0x91: {  	s18 =	sld [smem:$0x3FFB];
	_ =	sdelay $0x3  }
0x92: {  	_ =	strace s18  }
0x93: {  	s2 =	sld [smem:$0x3FFC];
	_ =	sdelay $0x3  }
0x94: {  	_ =	strace s2  }
0x95: {  	s2 =	sld [smem:$0x3FFD];
	_ =	sdelay $0x3  }
0x96: {  	_ =	strace s2  }
0x97: {  	_ =	strace $0x8FFFFFFF  }
0x98: {  	s19 =	sld [smem:$0x3FDB];
	_ =	sdelay $0x1  }
0x99: {  	s20 =	simm.s32 $_scs_section_size  }
0x9a: {  	s4 =	simm.s32 $_size__tile_overlayer_lowered;
	s5 =	simm.s32 $_tile_overlayer_lowered  }
0x9b: {  	s6 =	simm.s32 $0x1BFF;
	s21 =	sshll.u32 s5, $0x1;
	s3 =	sadd.s32 s20, s19  }
0x9c: {  	s22 =	simm.s32 $0x0;
	s4 =	sshll.u32 s4, $0x1;
	s5 =	sadd.s32 s21, s3  }
0x9d: {  	[timem:s22], [sflag:s6] =	dma.local [hbm:s5], s4  }
0x9e: {  	_ =	swait.ge [sflag:s6], s4  }
0x9f: {  	s4 =	ssub.s32 $0x0, s4;
	[sflag:s6] =	ssyncset.done $0x0  }
0xa0: {  	[sflag:s6] =	ssyncadd.s32 s4;
	_ =	sdelay $0x1  }
0xa1: {  	s23 =	simm.s32 $0x1B8B  }
0xa2: {  	_ =	swait.ge [sflag:s23], $0x1  }
0xa3: {  	[sflag:s23] =	ssyncset.done $0x0  }
0xa4: {  	[sflag:s23] =	ssyncadd.s32 $0xFFFFFFFF  }
0xa5: {  	s4 =	sld [smem:$0x0]  }
0xa6: {  	s5 =	sand.u32 $0xFFFFFFFE, s1  }
0xa7: {  	p0 =	sne.s32 s1, s5  }
0xa8: {  	s5 =	sshll.u32 @p0 s5, $0xE  }
0xa9: {  	s5 =	sadd.s32 @p0 $0x11B8D, s5;
	s6 =	sshll.u32 @p0 s4, $0x11  }
0xaa: {  	s5 =	sor.u32 @p0 s6, s5  }
0xab: {  	[sflag:s5] =	ssyncadd.remote.s32 @p0 $0x1;
	_ =	sdelay $0x1  }
0xac: {  	s5 =	simm.s32 @p0 $0x1B8D  }
0xad: {  	_ =	swait.eq @p0 [sflag:s5], $0x1  }
0xae: {  	[sflag:s5] =	ssyncadd.s32 @p0 $0xFFFFFFFF  }
0xaf: {  	s6 =	sshll.u32 @!p0 s1, $0xE  }
0xb0: {  	s6 =	sor.u32 @!p0 $0x4000, s6;
	s5 =	simm.s32 @!p0 $0x1B8D  }
0xb1: {  	s4 =	sshll.u32 @!p0 s4, $0x11;
	s6 =	sadd.s32 @!p0 $0x11B8D, s6;
	_ =	swait.eq @!p0 [sflag:s5], $0x1  }
0xb2: {  	s4 =	sor.u32 @!p0 s4, s6;
	[sflag:s5] =	ssyncadd.s32 @!p0 $0xFFFFFFFF  }
0xb3: {  	s25 =	simm.s32 $0x1B8E;
	s24 =	sld [smem:$0x3FFE];
	[sflag:s4] =	ssyncadd.remote.s32 @!p0 $0x1  }
0xb4: {  	s26 =	simm.s32 $execute0_lowered;
	[smem:$0x3FD2] =	sst s25  }
0xb5: {  	s5 =	sshll.u32 s26, $0x1;
	_ =	strace $0x8000004C;
	[dreg:$0x1] =	wrdreg $0xFFFFFFFF  }
0xb6: {  	s28 =	simm.s32 $_size_execute0_lowered;
	s3 =	sadd.s32 s3, s5;
	[dreg:$0x0] =	wrdreg $0x0  }
0xb7: {  	s5 =	sshll.u32 s28, $0x1;
	[dreg:$0x2] =	wrdreg s3  }
0xb8: {  	[dreg:$0x3] =	wrdreg s5  }
0xb9: {  	[dreg:$0x4] =	wrdreg $0xC0  }
0xba: {  	_ =	task [dreg:s22], $0x5FFFF  }
0xbb: {  	[dreg:$0x1] =	wrdreg $0xFFFFFFFF  }
0xbc: {  	[dreg:$0x0] =	wrdreg $0x60  }
0xbd: {  	[dreg:$0x2] =	wrdreg s24  }
0xbe: {  	[dreg:$0x3] =	wrdreg $0x68000  }
0xbf: {  	[dreg:$0x4] =	wrdreg $0x90000  }
0xc0: {  	[dreg:$0x5] =	wrdreg $0x9  }
0xc1: {  	_ =	task.clear_ibuf [dreg:s22], $0x6FFFF;
	_ =	strace $0x9000004C  }
0xc2: {  	s29 =	simm.s32 $0x9;
	_ =	strace $0x8000004E  }
0xc3: {  	_ =	swait.ge [sflag:s29], $0x1  }
0xc4: {  	[sflag:s29] =	ssyncadd.s32 $0xFFFFFFFF  }
0xc5: {  	_ =	strace $0x9000004E  }
0xc6: {  	_ =	sfence  }
0xc7: {  	s30 =	sld [smem:$0x0];
	_ =	sdelay $0x2  }
0xc8: {  	s31 =	sshll.u32 s1, $0xD;
	s1 =	sshrl.u32 s1, $0x2  }
0xc9: {  	s4 =	sand.u32 $0x4000, s31;
	s1 =	sadd.s32 s1, s30  }
0xca: {  	s0 =	sor.u32 s4, s0;
	s1 =	sshll.u32 s1, $0x11  }
0xcb: {  	s0 =	sor.u32 s1, s0  }
0xcc: {  	s0 =	sadd.s32 $0x8F2B, s0  }
0xcd: {  	[sflag:s0] =	ssyncadd.remote.s32 $0x1  }
0xce: {  	_ =	sfence.sel $0xFFFF  }
0xcf: {  	[dreg:$0x0] =	wrdreg $0xFFFFFFFF;
	(pc) =	sbr.abs _section_cstart, $3  }
0xd0: {  	[dreg:$0x1] =	wrdreg $0xFFFFFFFF  }
0xd1: {  	_ =	task.clear_ibuf [dreg:s22], $0x2FFFF;
	_ =	strace $0x9FFFFFFF  }
0xd2: {  	(tm) =	ssettm $0x7FFFFFFF  }
0xd3: {  	_ =	shalt  }
tec
execute0_lowered:
.L_overlay_start_1:
0x0: {  	(tag) =	ssettag $0x1  }
0x1: {  	s5 =	rddreg [dreg:$0x0];
	s0 =	stileid.u32  }
0x2: {  	s1 =	srdreg.scid;
	s2 =	rddreg [dreg:$0x1]  }
0x3: {  	s3 =	rddreg [dreg:$0x2];
	s4 =	simm.s32 $0x0;
	s15 =	simm.s32 $0x1400  }
0x4: {  	s16 =	simm.s32 $0x80;
	s17 =	simm.s32 $0x2800;
	s9 =	smul.u32 $0x14000, s0  }
0x5: {  	s18 =	simm.s32 $0x1;
	s6 =	sand.u32 $0x1, s1;
	s8 =	smul.u32 $0x1400, s0  }
0x6: {  	s19 =	simm.s32 $0x0;
	s1 =	rddreg [dreg:$0x3];
	s7 =	smul.u32 $0x14000, s6  }
0x7: {  	[smem:$0x7FF] =	sst s4;
	s31 =	sshll.u32 s0, $0x6;
	s10 =	smul.u32 $0x140000, s6  }
0x8: {  	_ =	strace $0x8000004D;
	s6 =	ssub.s32 $0x2, s6;
	s11 =	sshrl.u32 s9, $0x3  }
0x9: {  	s30 =	sshrl.u32 s6, $0x1;
	s13 =	sadd.s32 s9, s2;
	s14 =	sadd.s32 s9, s3  }
0xa: {  	s7 =	sadd.s32 s8, s7;
	s26 =	sadd.s32 s11, s5;
	s10 =	sadd.s32 s9, s10  }
0xb: {  	s12 =	ssub.s32 s6, s30;
	s6 =	sor.u32 $0x1C02, s31;
	s14 =	sshrl.u32 s14, $0x3  }
0xc: {  	s7 =	sshrl.u32 s7, $0x3;
	s29 =	sshrl.u32 s10, $0x3;
	s11 =	smax.u32 s12, $0x1  }
0xd: {  	s28 =	sadd.s32 s7, s5;
	s10 =	sadd.s32 s29, s5;
	s5 =	sadd.s32 $0x31AC00, s26  }
0xe: {  	s12 =	sshrl.u32 s13, $0x3;
	s7 =	sadd.s32 $0x342C00, s26;
	s8 =	sadd.s32 $0x314C00, s28  }
0xf: {  	s13 =	simm.s32 $0x2;
	s9 =	sadd.s32 $0x3E3400, s28;
	s10 =	sadd.s32 $0x52800, s10  }
.LBB2_1:
0x10: {  	[spmem:s12], [sflag:s6] =	dma.local [hbm:s5], $0x2800  }
0x11: {  	_ =	swait.ge [sflag:s13], $0x2800  }
0x12: {  	[sflag:s13] =	ssyncset.done $0x0  }
0x13: {  	[sflag:s13] =	ssyncadd.s32 $0xFFFFD800  }
0x14: {  	[spmem:s14], [sflag:s6] =	dma.local [hbm:s7], $0x2800  }
0x15: {  	_ =	swait.ge [sflag:s13], $0x2800  }
0x16: {  	[sflag:s13] =	ssyncset.done $0x0  }
0x17: {  	[sflag:s13] =	ssyncadd.s32 $0xFFFFD800  }
0x18: {  	[tilespmem:s4], [sflag:$0x2] =	stream.linear.gather [hbm4b:s8+s4], $0x1400, $0x38;
	[tilespmem:$0xB800] =	vst v63  }
0x19: {  	_ =	swait.ge [sflag:s13], $0x1400  }
0x1a: {  	[sflag:s13] =	ssyncset.done $0x0  }
0x1b: {  	[sflag:s13] =	ssyncadd.s32 $0xFFFFEC00  }
0x1c: {  	[tilespmem:s15], [sflag:$0x2] =	stream.linear.gather [hbm4b:s9+s4], $0x1400, $0x38;
	[tilespmem:$0xB800] =	vst v63  }
0x1d: {  	_ =	swait.ge [sflag:s13], $0x1400  }
0x1e: {  	[sflag:s13] =	ssyncset.done $0x0  }
0x1f: {  	[sflag:s13] =	ssyncadd.s32 $0xFFFFEC00  }
0x20: {  	s20 =	simm.s32 $0x0;
	[bflag:$0x0] =	sbarrier.arrive $0xFFFF  }
0x21: {  	[tilespmem:s17], [sflag:$0x1] =	stream.indirect.gather [spmem:s3], $0x10, s20, s16, $0xb8;
	[tilespmem:$0xB800] =	vst v63  }
0x22: {  	_ =	swait.ge [sflag:s18], $0x800  }
0x23: {  	[sflag:s18] =	ssyncset.done $0x0  }
0x24: {  	s31 =	simm.s32 $0x1400;
	[sflag:s18] =	ssyncadd.s32 $0xFFFFF800  }
0x25: {  	[spmem:s2] =	stream.indirect.scatter.add.f32 [tilespmem:s17], [sflag:$0x2], $0x10, s31, s16, $0xb8;
	[tilespmem:$0xB800] =	vst v63  }
0x26: {  	_ =	swait.ge [sflag:s13], $0x800  }
0x27: {  	s21 =	simm.s32 $0x400;
	s20 =	simm.s32 $0x200;
	[sflag:s13] =	ssyncset.done $0x0  }
.LBB2_2:
0x28: {  	s22 =	sshra.s32 s20, $0x2  }
0x29: {  	[sflag:s13] =	ssyncadd.s32 $0xFFFFF800;
	s20 =	smov.u32 s21;
	s23 =	sadd.s32 $0x200, s21  }
0x2a: {  	[tilespmem:s17], [sflag:$0x1] =	stream.indirect.gather [spmem:s3], $0x10, s22, s16, $0xb8;
	[tilespmem:$0xB800] =	vst v63  }
0x2b: {  	p0 =	sne.s32 s21, $0x4E00;
	_ =	swait.ge [sflag:s18], $0x800  }
.Ltmp0:
0x2c: {  	[sflag:s18] =	ssyncset.done $0x0;
	(pc) =	sbr.rel @p0 .LBB2_2-.Ltmp0, $4  }
0x2d: {  	s21 =	sadd.s32 $0x1400, s22;
	[sflag:s18] =	ssyncadd.s32 $0xFFFFF800  }
0x2e: {  	[spmem:s2] =	stream.indirect.scatter.add.f32 [tilespmem:s17], [sflag:$0x2], $0x10, s21, s16, $0xb8;
	[tilespmem:$0xB800] =	vst v63  }
0x2f: {  	_ =	swait.ge [sflag:s13], $0x800  }
0x30: {  	s21 =	smov.u32 s23;
	[sflag:s13] =	ssyncset.done $0x0  }
0x31: {  	s20 =	sshra.s32 s20, $0x2;
	[sflag:s13] =	ssyncadd.s32 $0xFFFFF800  }
0x32: {  	[tilespmem:s17], [sflag:$0x1] =	stream.indirect.gather [spmem:s3], $0x10, s20, s16, $0xb8;
	[tilespmem:$0xB800] =	vst v63  }
0x33: {  	_ =	swait.ge [sflag:s18], $0x800  }
0x34: {  	[sflag:s18] =	ssyncset.done $0x0  }
0x35: {  	s20 =	sadd.s32 $0x1400, s20;
	[sflag:s18] =	ssyncadd.s32 $0xFFFFF800  }
0x36: {  	[spmem:s2] =	stream.indirect.scatter.add.f32 [tilespmem:s17], [sflag:$0x2], $0x10, s20, s16, $0xb8;
	[tilespmem:$0xB800] =	vst v63  }
0x37: {  	_ =	swait.ge [sflag:s13], $0x800  }
0x38: {  	s19 =	sadd.s32 $0x1, s19;
	[sflag:s13] =	ssyncset.done $0x0  }
0x39: {  	p0 =	sne.s32 s19, s11;
	[sflag:s13] =	ssyncadd.s32 $0xFFFFF800  }
.Ltmp1:
0x3a: {  	[bflag:$0x0] =	sbarrier.arrive $0xFFFF;
	(pc) =	sbr.rel @p0 .LBB2_1-.Ltmp1, $4  }
0x3b: {  	[hbm:s10], [sflag:s6] =	dma.local [spmem:s12], $0x2800  }
0x3c: {  	_ =	swait.ge [sflag:s13], $0x2800  }
0x3d: {  	[sflag:s13] =	ssyncset.done $0x0  }
0x3e: {  	[sflag:s13] =	ssyncadd.s32 $0xFFFFD800  }
0x3f: {  	_ =	sfence.sel $0x180000  }
0x40: {  	[bflag:$0x0] =	sbarrier.arrive $0xFFFF  }
0x41: {  	p0 =	sne.s32 s0, $0x0;
	_ =	strace $0x9000004D  }
0x42: {  	s0 =	sadd.s32 @!p0 $0x100000, s1;
	[bflag:$0x2] =	sbarrier.arrive $0xFFFF  }
0x43: {  	[sflag:s0] =	ssyncadd.tile.s32 @!p0 $0x1;
	_ =	shalt  }
.Lfunc_end2:
_tile_overlayer_lowered:
.L_overlay_start_2:
0x44: {  	(tag) =	ssettag $0x2  }
0x45: {  	s0 =	rddreg [dreg:$0x0];
	s2 =	stileid.u32  }
0x46: {  	s1 =	rddreg [dreg:$0x1];
	p0 =	sne.s32 s2, $0x0  }
0x47: {  	s3 =	rddreg [dreg:$0x2];
	[bflag:$0x3] =	sbarrier.arrive $0xFFFF;
	s2 =	simm.s32 @!p0 $0x1C02  }
0x48: {  	[timem:s3], [sflag:s2] =	dma.local @!p0 [hbm:s0], s1  }
0x49: {  	s0 =	simm.s32 @!p0 $0x2  }
0x4a: {  	_ =	swait.ge @!p0 [sflag:s0], s1  }
0x4b: {  	s1 =	ssub.s32 @!p0 $0x0, s1;
	[sflag:s0] =	ssyncset.done @!p0 $0x0  }
0x4c: {  	[sflag:s0] =	ssyncadd.s32 @!p0 s1  }
0x4d: {  	[bflag:$0x3] =	sbarrier.arrive $0xFFFF  }
0x4e: {  	_ =	shalt  }

// kernel: kernel.18.cloned.1.call-start
scs
__scs_entry_jumppad:
0x0: {  	(pc) =	sbr.rel $0x88, $3  }
0x1: {  	(tag) =	ssettag $0x0;
	lr =	simm.s32 $0x1  }
0x2: {  	[smem:$0x3F95] =	sst lr;
	_ =	strace $0xD0000000  }
0x3: {  	_ = 	snop  }
0x4: {  	_ = 	snop  }
0x5: {  	_ = 	snop  }
0x6: {  	_ = 	snop  }
0x7: {  	_ = 	snop  }
__scs_overlays_trampoline_lowered:
0x8: {  	[smem:$0x3FA4] =	sst s0  }
0x9: {  	[smem:$0x3FA5] =	sst s1  }
0xa: {  	[smem:$0x3FA6] =	sst s2  }
0xb: {  	[smem:$0x3FA7] =	sst s3  }
0xc: {  	[smem:$0x3FA8] =	sst s4  }
0xd: {  	[smem:$0x3FA9] =	sst s5  }
0xe: {  	[smem:$0x3FAA] =	sst s6  }
0xf: {  	[smem:$0x3FAB] =	sst s7  }
0x10: {  	[smem:$0x3FAC] =	sst s8  }
0x11: {  	[smem:$0x3FAD] =	sst s9;
	s0 =	simm.s32 @!p0 $0x0  }
0x12: {  	s1 =	sld [smem:$0x3F93];
	s0 =	simm.s32 @p0 $0x1  }
0x13: {  	[smem:$0x3FAE] =	sst s0;
	s0 =	simm.s32 @!p1 $0x0  }
0x14: {  	s2 =	sld [smem:$0x3F92];
	s0 =	simm.s32 @p1 $0x1  }
0x15: {  	[smem:$0x3FAF] =	sst s0;
	s0 =	simm.s32 @!p2 $0x0  }
0x16: {  	s3 =	sld [smem:$0x3FDB];
	s0 =	simm.s32 @p2 $0x1  }
0x17: {  	s4 =	simm.s32 $0x1BF5;
	[smem:$0x3FB1] =	sst s0  }
0x18: {  	s0 =	sld [smem:$0x3F94];
	_ =	swait.ge [sflag:s4], $0x0  }
0x19: {  	s7 =	sld [smem:$0x3F95]  }
0x1a: {  	s8 =	sadd.s32 $0xFFFFE003, lr  }
0x1b: {  	s9 =	sadd.s32 $0xFFFFFEF7, lr;
	s5 =	simm.s32 $0xFFFFFFFF;
	p2 =	slt.u32 s8, $0xFFFFF086  }
0x1c: {  	p1 =	slt.u32 s9, $0xF7A;
	s5 =	simm.s32 @!p2 $0x0  }
0x1d: {  	s5 =	simm.s32 @p1 $0x1;
	p0 =	seq.s32 s7, s2  }
0x1e: {  	s7 =	smul.u32 @!p0 $0xF7A, s2;
	p2 =	seq.s32 @!p0 s5, $0x0  }
0x1f: {  	s9 =	smul.u32 $0xF7A, s1;
	s8 =	simm.s32 @!p0 $0x1BF5;
	p2 =	por !p2, p0  }
0x20: {  	[sflag:s8] =	ssyncset.s32 @!p0 $0xFFFFF086;
	s6 =	sadd.s32 @!p0 s3, s7;
	s7 =	simm.s32 @!p0 $0x108  }
0x21: {  	s3 =	sadd.s32 s3, s9;
	s6 =	sadd.s32 @!p0 $0x88, s6;
	s7 =	simm.s32 @p2 $0x1082  }
0x22: {  	[simem:s7], [sflag:s8] =	dma.local @!p0 [hbm:s6], $0xF7A  }
0x23: {  	s9 =	sor.u32 $0xD0000000, s2;
	s6 =	simm.s32 $0x108;
	_ =	swait.ge @!p0 [sflag:s8], $0x0  }
0x24: {  	s3 =	sadd.s32 $0x88, s3;
	s6 =	simm.s32 @!p1 $0x1082;
	[sflag:s4] =	ssyncset.s32 $0xFFFFF086  }
0x25: {  	[simem:s6], [sflag:s4] =	dma.local [hbm:s3], $0xF7A  }
0x26: {  	[smem:$0x3F95] =	sst s1;
	(tag) =	ssettag s2;
	_ =	strace s9  }
0x27: {  	s1 =	sld [smem:$0x3FA5]  }
0x28: {  	s2 =	sld [smem:$0x3FA6]  }
0x29: {  	s4 =	sld [smem:$0x3FA8]  }
0x2a: {  	p0 =	seq.s32 s5, $0x0;
	s5 =	sld [smem:$0x3FA9]  }
0x2b: {  	s6 =	sld [smem:$0x3FAA]  }
0x2c: {  	s7 =	sld [smem:$0x3FAB]  }
0x2d: {  	s3 =	simm.s32 $0x108;
	s8 =	sld [smem:$0x3FAC]  }
0x2e: {  	s3 =	simm.s32 @!p0 $0x1082;
	s9 =	sld [smem:$0x3FAD]  }
0x2f: {  	lr =	sadd.s32 s0, s3;
	s0 =	sld [smem:$0x3FA4]  }
0x30: {  	s3 =	sld [smem:$0x3FA7]  }
0x31: {  	[smem:$0x3FB0] =	sst s10  }
0x32: {  	s10 =	sld [smem:$0x3FAE];
	_ =	sdelay $0x3  }
0x33: {  	p0 =	seq.s32 s10, $0x1;
	s10 =	sld [smem:$0x3FB0];
	_ =	sdelay $0x3  }
0x34: {  	[smem:$0x3FB0] =	sst s10  }
0x35: {  	s10 =	sld [smem:$0x3FAF];
	_ =	sdelay $0x3  }
0x36: {  	p1 =	seq.s32 s10, $0x1;
	s10 =	sld [smem:$0x3FB0];
	_ =	sdelay $0x3  }
0x37: {  	[smem:$0x3FB0] =	sst s10  }
0x38: {  	s10 =	sld [smem:$0x3FB1]  }
0x39: {  	_ = 	snop;
	(pc) =	sbr.ind lr, $3  }
0x3a: {  	_ = 	snop  }
0x3b: {  	_ = 	snop  }
0x3c: {  	p2 =	seq.s32 s10, $0x1;
	s10 =	sld [smem:$0x3FB0]  }
0x3d: {  	_ =	shalt  }
0x3e: {  	_ =	shalt  }
0x3f: {  	_ =	shalt  }
0x40: {  	_ =	shalt  }
0x41: {  	_ =	shalt  }
0x42: {  	_ =	shalt  }
0x43: {  	_ =	shalt  }
0x44: {  	_ =	shalt  }
0x45: {  	_ =	shalt  }
0x46: {  	_ =	shalt  }
0x47: {  	_ =	shalt  }
0x48: {  	_ =	shalt  }
0x49: {  	_ =	shalt  }
0x4a: {  	_ =	shalt  }
0x4b: {  	_ =	shalt  }
0x4c: {  	_ =	shalt  }
0x4d: {  	_ =	shalt  }
0x4e: {  	_ =	shalt  }
0x4f: {  	_ =	shalt  }
0x50: {  	_ =	shalt  }
0x51: {  	_ =	shalt  }
0x52: {  	_ =	shalt  }
0x53: {  	_ =	shalt  }
0x54: {  	_ =	shalt  }
0x55: {  	_ =	shalt  }
0x56: {  	_ =	shalt  }
0x57: {  	_ =	shalt  }
0x58: {  	_ =	shalt  }
0x59: {  	_ =	shalt  }
0x5a: {  	_ =	shalt  }
0x5b: {  	_ =	shalt  }
0x5c: {  	_ =	shalt  }
0x5d: {  	_ =	shalt  }
0x5e: {  	_ =	shalt  }
0x5f: {  	_ =	shalt  }
0x60: {  	_ =	shalt  }
0x61: {  	_ =	shalt  }
0x62: {  	_ =	shalt  }
0x63: {  	_ =	shalt  }
0x64: {  	_ =	shalt  }
0x65: {  	_ =	shalt  }
0x66: {  	_ =	shalt  }
0x67: {  	_ =	shalt  }
0x68: {  	_ =	shalt  }
0x69: {  	_ =	shalt  }
0x6a: {  	_ =	shalt  }
0x6b: {  	_ =	shalt  }
0x6c: {  	_ =	shalt  }
0x6d: {  	_ =	shalt  }
0x6e: {  	_ =	shalt  }
0x6f: {  	_ =	shalt  }
0x70: {  	_ =	shalt  }
0x71: {  	_ =	shalt  }
0x72: {  	_ =	shalt  }
0x73: {  	_ =	shalt  }
0x74: {  	_ =	shalt  }
0x75: {  	_ =	shalt  }
0x76: {  	_ =	shalt  }
0x77: {  	_ =	shalt  }
0x78: {  	_ =	shalt  }
0x79: {  	_ =	shalt  }
0x7a: {  	_ =	shalt  }
0x7b: {  	_ =	shalt  }
0x7c: {  	_ =	shalt  }
0x7d: {  	_ =	shalt  }
0x7e: {  	_ =	shalt  }
0x7f: {  	_ =	shalt  }
0x80: {  	_ =	shalt  }
0x81: {  	_ =	shalt  }
0x82: {  	_ =	shalt  }
0x83: {  	_ =	shalt  }
0x84: {  	_ =	shalt  }
0x85: {  	_ =	shalt  }
0x86: {  	_ =	shalt  }
0x87: {  	_ =	shalt  }
.Lfunc_end0:
.L_simem_size_0:
called_computation.3_lowered:
.L_overlay_start_0:
0x88: {  	s2 =	sld [smem:$0x3FD9]  }
0x89: {  	s3 =	sld [smem:$0x3FFE];
	_ =	sdelay $0x1  }
0x8a: {  	s1 =	srdreg.scid  }
0x8b: {  	s0 =	sand.u32 $0x1, s1  }
0x8c: {  	s17 =	sshll.u32 s0, $0xA;
	s2 =	sadd.s32 s3, s2  }
0x8d: {  	s2 =	sadd.s32 s2, s17  }
0x8e: {  	[smem:$0x3FBC] =	sst s2  }
0x8f: {  	_ = 	snop  }
0x90: {  	(tm) =	ssettm $0x1  }
0x91: {  	s18 =	sld [smem:$0x3FFB];
	_ =	sdelay $0x3  }
0x92: {  	_ =	strace s18  }
0x93: {  	s2 =	sld [smem:$0x3FFC];
	_ =	sdelay $0x3  }
0x94: {  	_ =	strace s2  }
0x95: {  	s2 =	sld [smem:$0x3FFD];
	_ =	sdelay $0x3  }
0x96: {  	_ =	strace s2  }
0x97: {  	_ =	strace $0x8FFFFFFF  }
0x98: {  	s19 =	sld [smem:$0x3FDB];
	_ =	sdelay $0x1  }
0x99: {  	s20 =	simm.s32 $_scs_section_size  }
0x9a: {  	s4 =	simm.s32 $_size__tile_overlayer_lowered;
	s5 =	simm.s32 $_tile_overlayer_lowered  }
0x9b: {  	s6 =	simm.s32 $0x1BFF;
	s21 =	sshll.u32 s5, $0x1;
	s3 =	sadd.s32 s20, s19  }
0x9c: {  	s22 =	simm.s32 $0x0;
	s4 =	sshll.u32 s4, $0x1;
	s5 =	sadd.s32 s21, s3  }
0x9d: {  	[timem:s22], [sflag:s6] =	dma.local [hbm:s5], s4  }
0x9e: {  	_ =	swait.ge [sflag:s6], s4  }
0x9f: {  	s4 =	ssub.s32 $0x0, s4;
	[sflag:s6] =	ssyncset.done $0x0  }
0xa0: {  	[sflag:s6] =	ssyncadd.s32 s4;
	_ =	sdelay $0x1  }
0xa1: {  	s23 =	simm.s32 $0x1B8B  }
0xa2: {  	_ =	swait.ge [sflag:s23], $0x1  }
0xa3: {  	[sflag:s23] =	ssyncset.done $0x0  }
0xa4: {  	[sflag:s23] =	ssyncadd.s32 $0xFFFFFFFF  }
0xa5: {  	s4 =	sld [smem:$0x0]  }
0xa6: {  	s5 =	sand.u32 $0xFFFFFFFE, s1  }
0xa7: {  	p0 =	sne.s32 s1, s5  }
0xa8: {  	s5 =	sshll.u32 @p0 s5, $0xE  }
0xa9: {  	s5 =	sadd.s32 @p0 $0x11B8D, s5;
	s6 =	sshll.u32 @p0 s4, $0x11  }
0xaa: {  	s5 =	sor.u32 @p0 s6, s5  }
0xab: {  	[sflag:s5] =	ssyncadd.remote.s32 @p0 $0x1;
	_ =	sdelay $0x1  }
0xac: {  	s5 =	simm.s32 @p0 $0x1B8D  }
0xad: {  	_ =	swait.eq @p0 [sflag:s5], $0x1  }
0xae: {  	[sflag:s5] =	ssyncadd.s32 @p0 $0xFFFFFFFF  }
0xaf: {  	s6 =	sshll.u32 @!p0 s1, $0xE  }
0xb0: {  	s6 =	sor.u32 @!p0 $0x4000, s6;
	s5 =	simm.s32 @!p0 $0x1B8D  }
0xb1: {  	s4 =	sshll.u32 @!p0 s4, $0x11;
	s6 =	sadd.s32 @!p0 $0x11B8D, s6;
	_ =	swait.eq @!p0 [sflag:s5], $0x1  }
0xb2: {  	s4 =	sor.u32 @!p0 s4, s6;
	[sflag:s5] =	ssyncadd.s32 @!p0 $0xFFFFFFFF  }
0xb3: {  	s25 =	simm.s32 $0x1B8E;
	s24 =	sld [smem:$0x3FFE];
	[sflag:s4] =	ssyncadd.remote.s32 @!p0 $0x1  }
0xb4: {  	s26 =	simm.s32 $execute0_lowered;
	[smem:$0x3FD2] =	sst s25  }
0xb5: {  	s5 =	sshll.u32 s26, $0x1;
	_ =	strace $0x8000004F;
	[dreg:$0x1] =	wrdreg $0xFFFFFFFF  }
0xb6: {  	s28 =	simm.s32 $_size_execute0_lowered;
	s3 =	sadd.s32 s3, s5;
	[dreg:$0x0] =	wrdreg $0x0  }
0xb7: {  	s5 =	sshll.u32 s28, $0x1;
	[dreg:$0x2] =	wrdreg s3  }
0xb8: {  	[dreg:$0x3] =	wrdreg s5  }
0xb9: {  	[dreg:$0x4] =	wrdreg $0xC0  }
0xba: {  	_ =	task [dreg:s22], $0x5FFFF  }
0xbb: {  	[dreg:$0x1] =	wrdreg $0xFFFFFFFF  }
0xbc: {  	[dreg:$0x0] =	wrdreg $0x60  }
0xbd: {  	[dreg:$0x2] =	wrdreg s24  }
0xbe: {  	[dreg:$0x3] =	wrdreg $0xA8000  }
0xbf: {  	[dreg:$0x4] =	wrdreg $0xA  }
0xc0: {  	_ =	task.clear_ibuf [dreg:s22], $0x5FFFF;
	_ =	strace $0x9000004F  }
0xc1: {  	s29 =	simm.s32 $0xA;
	_ =	strace $0x80000051  }
0xc2: {  	_ =	swait.ge [sflag:s29], $0x1  }
0xc3: {  	[sflag:s29] =	ssyncadd.s32 $0xFFFFFFFF  }
0xc4: {  	_ =	strace $0x90000051  }
0xc5: {  	_ =	sfence  }
0xc6: {  	s30 =	sld [smem:$0x0];
	_ =	sdelay $0x2  }
0xc7: {  	s31 =	sshll.u32 s1, $0xD;
	s1 =	sshrl.u32 s1, $0x2  }
0xc8: {  	s4 =	sand.u32 $0x4000, s31;
	s1 =	sadd.s32 s1, s30  }
0xc9: {  	s0 =	sor.u32 s4, s0;
	s1 =	sshll.u32 s1, $0x11  }
0xca: {  	s0 =	sor.u32 s1, s0  }
0xcb: {  	s0 =	sadd.s32 $0x8F2B, s0  }
0xcc: {  	[sflag:s0] =	ssyncadd.remote.s32 $0x1  }
0xcd: {  	_ =	sfence.sel $0xFFFF  }
0xce: {  	[dreg:$0x0] =	wrdreg $0xFFFFFFFF;
	(pc) =	sbr.abs _section_cstart, $3  }
0xcf: {  	[dreg:$0x1] =	wrdreg $0xFFFFFFFF  }
0xd0: {  	_ =	task.clear_ibuf [dreg:s22], $0x2FFFF;
	_ =	strace $0x9FFFFFFF  }
0xd1: {  	(tm) =	ssettm $0x7FFFFFFF  }
tec
execute0_lowered:
.L_overlay_start_1:
0x0: {  	(tag) =	ssettag $0x1  }
0x1: {  	s5 =	rddreg [dreg:$0x0]  }
0x2: {  	s2 =	rddreg [dreg:$0x1]  }
0x3: {  	s0 =	rddreg [dreg:$0x2];
	s3 =	simm.s32 $0x0;
	s1 =	stileid.u32  }
0x4: {  	s24 =	srdreg.scid;
	s20 =	simm.s32 $0x2800;
	s21 =	simm.s32 $0x1  }
0x5: {  	s22 =	simm.s32 $0x0;
	[smem:$0x7FF] =	sst s3;
	s10 =	smul.u32 $0x2800, s1  }
0x6: {  	s4 =	sadd.s32 $0xB6800, s5;
	s12 =	smul.u32 $0x14000, s1;
	s11 =	sadd.s32 $0xA2800, s5  }
0x7: {  	s9 =	sand.u32 $0x1, s24;
	s25 =	smul.u32 $0x50000, s1;
	s14 =	sadd.s32 $0x156800, s5  }
0x8: {  	s28 =	sshll.u32 s1, $0x6;
	_ =	strace $0x80000050;
	s15 =	smul.u32 $0x28000, s9  }
0x9: {  	s26 =	ssub.s32 $0x2, s9;
	s30 =	sor.u32 $0x2, s9;
	s19 =	smul.u32 $0x140000, s9  }
0xa: {  	s6 =	sshrl.u32 s10, $0x3;
	s7 =	sshrl.u32 s12, $0x3;
	s8 =	sshrl.u32 s26, $0x1  }
0xb: {  	s18 =	smul.u32 $0x28000, s30;
	s13 =	sadd.s32 s6, s5;
	s7 =	sadd.s32 s7, s5  }
0xc: {  	s6 =	sshrl.u32 s25, $0x2;
	s16 =	ssub.s32 s26, s8;
	s29 =	sadd.s32 s10, s15  }
0xd: {  	s15 =	smul.u32 $0x140000, s30;
	s31 =	sadd.s32 s12, s19;
	s19 =	simm.s32 $0x80  }
0xe: {  	s17 =	sadd.s32 s6, s2;
	s5 =	sadd.s32 $0x36AC00, s7;
	s6 =	sor.u32 $0x1C02, s28  }
0xf: {  	s7 =	sshrl.u32 s29, $0x3;
	s8 =	sadd.s32 $0x314C00, s13;
	s18 =	sadd.s32 s10, s18  }
0x10: {  	s10 =	sadd.s32 $0x314E80, s13;
	s13 =	sshrl.u32 s31, $0x3;
	s7 =	sadd.s32 s11, s7  }
0x11: {  	s18 =	sshrl.u32 s18, $0x3;
	s15 =	sadd.s32 s12, s15;
	s12 =	sadd.s32 s14, s13  }
0x12: {  	s9 =	sadd.s32 $0x280, s7;
	s11 =	sadd.s32 s11, s18;
	s15 =	sshrl.u32 s15, $0x3  }
0x13: {  	s18 =	simm.s32 $0x1400;
	s13 =	sadd.s32 $0x280, s11;
	s14 =	sadd.s32 s14, s15  }
0x14: {  	s15 =	smax.u32 s16, $0x1;
	s16 =	sshrl.u32 s17, $0x3;
	s17 =	simm.s32 $0x2  }
.LBB2_1:
0x15: {  	[spmem:s16], [sflag:s6] =	dma.local [hbm:s5], $0x2800  }
0x16: {  	_ =	swait.ge [sflag:s17], $0x2800  }
0x17: {  	[sflag:s17] =	ssyncset.done $0x0  }
0x18: {  	[sflag:s17] =	ssyncadd.s32 $0xFFFFD800  }
0x19: {  	[bflag:$0x0] =	sbarrier.arrive $0xFFFF  }
0x1a: {  	[tilespmem:s3], [sflag:$0x2] =	stream.linear.gather [hbm4b:s7+s3], $0x1400, $0x38;
	[tilespmem:$0x1E800] =	vst v63  }
0x1b: {  	_ =	swait.ge [sflag:s17], $0x1400  }
0x1c: {  	[sflag:s17] =	ssyncset.done $0x0  }
0x1d: {  	[sflag:s17] =	ssyncadd.s32 $0xFFFFEC00  }
0x1e: {  	[tilespmem:s18], [sflag:$0x2] =	stream.linear.gather [hbm4b:s8+s3], $0x1400, $0x38;
	[tilespmem:$0x1E800] =	vst v63  }
0x1f: {  	_ =	swait.ge [sflag:s17], $0x1400  }
0x20: {  	[sflag:s17] =	ssyncset.done $0x0  }
0x21: {  	s23 =	simm.s32 $0x0;
	[sflag:s17] =	ssyncadd.s32 $0xFFFFEC00  }
0x22: {  	[tilespmem:s20], [sflag:$0x1] =	stream.indirect.gather [hbm4b:s4+s19], $0x80, s23, s19, $0xb8;
	[tilespmem:$0x1E800] =	vst v63  }
0x23: {  	_ =	swait.ge [sflag:s21], $0x4000  }
0x24: {  	[sflag:s21] =	ssyncset.done $0x0  }
0x25: {  	s31 =	simm.s32 $0x1400;
	[sflag:s21] =	ssyncadd.s32 $0xFFFFC000  }
0x26: {  	[spmem:s2] =	stream.indirect.scatter.add.f32 [tilespmem:s20], [sflag:$0x2], $0x80, s31, s19, $0xb8;
	[tilespmem:$0x1E800] =	vst v63  }
0x27: {  	_ =	swait.ge [sflag:s17], $0x4000  }
0x28: {  	s24 =	simm.s32 $0x400;
	s23 =	simm.s32 $0x200;
	[sflag:s17] =	ssyncset.done $0x0  }
.LBB2_2:
0x29: {  	s25 =	sshra.s32 s23, $0x2  }
0x2a: {  	[sflag:s17] =	ssyncadd.s32 $0xFFFFC000;
	s23 =	smov.u32 s24;
	s26 =	sadd.s32 $0x200, s24  }
0x2b: {  	[tilespmem:s20], [sflag:$0x1] =	stream.indirect.gather [hbm4b:s4+s19], $0x80, s25, s19, $0xb8;
	[tilespmem:$0x1E800] =	vst v63  }
0x2c: {  	p0 =	sne.s32 s24, $0x4E00;
	_ =	swait.ge [sflag:s21], $0x4000  }
.Ltmp0:
0x2d: {  	[sflag:s21] =	ssyncset.done $0x0;
	(pc) =	sbr.rel @p0 .LBB2_2-.Ltmp0, $4  }
0x2e: {  	s24 =	sadd.s32 $0x1400, s25;
	[sflag:s21] =	ssyncadd.s32 $0xFFFFC000  }
0x2f: {  	[spmem:s2] =	stream.indirect.scatter.add.f32 [tilespmem:s20], [sflag:$0x2], $0x80, s24, s19, $0xb8;
	[tilespmem:$0x1E800] =	vst v63  }
0x30: {  	_ =	swait.ge [sflag:s17], $0x4000  }
0x31: {  	s24 =	smov.u32 s26;
	[sflag:s17] =	ssyncset.done $0x0  }
0x32: {  	s23 =	sshra.s32 s23, $0x2;
	[sflag:s17] =	ssyncadd.s32 $0xFFFFC000  }
0x33: {  	[tilespmem:s20], [sflag:$0x1] =	stream.indirect.gather [hbm4b:s4+s19], $0x80, s23, s19, $0xb8;
	[tilespmem:$0x1E800] =	vst v63  }
0x34: {  	_ =	swait.ge [sflag:s21], $0x4000  }
0x35: {  	[sflag:s21] =	ssyncset.done $0x0  }
0x36: {  	s23 =	sadd.s32 $0x1400, s23;
	[sflag:s21] =	ssyncadd.s32 $0xFFFFC000  }
0x37: {  	[spmem:s2] =	stream.indirect.scatter.add.f32 [tilespmem:s20], [sflag:$0x2], $0x80, s23, s19, $0xb8;
	[tilespmem:$0x1E800] =	vst v63  }
0x38: {  	_ =	swait.ge [sflag:s17], $0x4000  }
0x39: {  	[sflag:s17] =	ssyncset.done $0x0  }
0x3a: {  	s29 =	simm.s32 $0x0;
	[sflag:s17] =	ssyncadd.s32 $0xFFFFC000  }
0x3b: {  	[tilespmem:s29], [sflag:$0x2] =	stream.linear.gather [hbm4b:s9+s29], $0x1400, $0x38;
	[tilespmem:$0x1E800] =	vst v63  }
0x3c: {  	_ =	swait.ge [sflag:s17], $0x1400  }
0x3d: {  	[sflag:s17] =	ssyncset.done $0x0  }
0x3e: {  	[sflag:s17] =	ssyncadd.s32 $0xFFFFEC00  }
0x3f: {  	[tilespmem:s18], [sflag:$0x2] =	stream.linear.gather [hbm4b:s10+s29], $0x1400, $0x38;
	[tilespmem:$0x1E800] =	vst v63  }
0x40: {  	_ =	swait.ge [sflag:s17], $0x1400  }
0x41: {  	[sflag:s17] =	ssyncset.done $0x0  }
0x42: {  	s30 =	simm.s32 $0x0;
	[sflag:s17] =	ssyncadd.s32 $0xFFFFEC00  }
0x43: {  	[tilespmem:s20], [sflag:$0x1] =	stream.indirect.gather [hbm4b:s4+s19], $0x80, s30, s19, $0xb8;
	[tilespmem:$0x1E800] =	vst v63  }
0x44: {  	_ =	swait.ge [sflag:s21], $0x4000  }
0x45: {  	[sflag:s21] =	ssyncset.done $0x0  }
0x46: {  	s31 =	simm.s32 $0x1400;
	[sflag:s21] =	ssyncadd.s32 $0xFFFFC000  }
0x47: {  	[spmem:s2] =	stream.indirect.scatter.add.f32 [tilespmem:s20], [sflag:$0x2], $0x80, s31, s19, $0xb8;
	[tilespmem:$0x1E800] =	vst v63  }
0x48: {  	_ =	swait.ge [sflag:s17], $0x4000  }
0x49: {  	s24 =	simm.s32 $0x400;
	s23 =	simm.s32 $0x200;
	[sflag:s17] =	ssyncset.done $0x0  }
.LBB2_4:
0x4a: {  	s25 =	sshra.s32 s23, $0x2  }
0x4b: {  	[sflag:s17] =	ssyncadd.s32 $0xFFFFC000;
	s23 =	smov.u32 s24;
	s26 =	sadd.s32 $0x200, s24  }
0x4c: {  	[tilespmem:s20], [sflag:$0x1] =	stream.indirect.gather [hbm4b:s4+s19], $0x80, s25, s19, $0xb8;
	[tilespmem:$0x1E800] =	vst v63  }
0x4d: {  	p0 =	sne.s32 s24, $0x4E00;
	_ =	swait.ge [sflag:s21], $0x4000  }
.Ltmp1:
0x4e: {  	[sflag:s21] =	ssyncset.done $0x0;
	(pc) =	sbr.rel @p0 .LBB2_4-.Ltmp1, $4  }
0x4f: {  	s24 =	sadd.s32 $0x1400, s25;
	[sflag:s21] =	ssyncadd.s32 $0xFFFFC000  }
0x50: {  	[spmem:s2] =	stream.indirect.scatter.add.f32 [tilespmem:s20], [sflag:$0x2], $0x80, s24, s19, $0xb8;
	[tilespmem:$0x1E800] =	vst v63  }
0x51: {  	_ =	swait.ge [sflag:s17], $0x4000  }
0x52: {  	s24 =	smov.u32 s26;
	[sflag:s17] =	ssyncset.done $0x0  }
0x53: {  	s23 =	sshra.s32 s23, $0x2;
	[sflag:s17] =	ssyncadd.s32 $0xFFFFC000  }
0x54: {  	[tilespmem:s20], [sflag:$0x1] =	stream.indirect.gather [hbm4b:s4+s19], $0x80, s23, s19, $0xb8;
	[tilespmem:$0x1E800] =	vst v63  }
0x55: {  	_ =	swait.ge [sflag:s21], $0x4000  }
0x56: {  	[sflag:s21] =	ssyncset.done $0x0  }
0x57: {  	s23 =	sadd.s32 $0x1400, s23;
	[sflag:s21] =	ssyncadd.s32 $0xFFFFC000  }
0x58: {  	[spmem:s2] =	stream.indirect.scatter.add.f32 [tilespmem:s20], [sflag:$0x2], $0x80, s23, s19, $0xb8;
	[tilespmem:$0x1E800] =	vst v63  }
0x59: {  	_ =	swait.ge [sflag:s17], $0x4000  }
0x5a: {  	[sflag:s17] =	ssyncset.done $0x0  }
0x5b: {  	[sflag:s17] =	ssyncadd.s32 $0xFFFFC000  }
0x5c: {  	[bflag:$0x0] =	sbarrier.arrive $0xFFFF  }
0x5d: {  	[hbm:s12], [sflag:s6] =	dma.local [spmem:s16], $0x2800  }
0x5e: {  	_ =	swait.ge [sflag:s17], $0x2800  }
0x5f: {  	[sflag:s17] =	ssyncset.done $0x0  }
0x60: {  	[sflag:s17] =	ssyncadd.s32 $0xFFFFD800  }
0x61: {  	[spmem:s16], [sflag:s6] =	dma.local [hbm:s5], $0x2800  }
0x62: {  	_ =	swait.ge [sflag:s17], $0x2800  }
0x63: {  	[sflag:s17] =	ssyncset.done $0x0  }
0x64: {  	[sflag:s17] =	ssyncadd.s32 $0xFFFFD800  }
0x65: {  	s29 =	simm.s32 $0x0;
	[bflag:$0x0] =	sbarrier.arrive $0xFFFF  }
0x66: {  	[tilespmem:s29], [sflag:$0x2] =	stream.linear.gather [hbm4b:s11+s29], $0x1400, $0x38;
	[tilespmem:$0x1E800] =	vst v63  }
0x67: {  	_ =	swait.ge [sflag:s17], $0x1400  }
0x68: {  	[sflag:s17] =	ssyncset.done $0x0  }
0x69: {  	[sflag:s17] =	ssyncadd.s32 $0xFFFFEC00  }
0x6a: {  	[tilespmem:s18], [sflag:$0x2] =	stream.linear.gather [hbm4b:s8+s29], $0x1400, $0x38;
	[tilespmem:$0x1E800] =	vst v63  }
0x6b: {  	_ =	swait.ge [sflag:s17], $0x1400  }
0x6c: {  	[sflag:s17] =	ssyncset.done $0x0  }
0x6d: {  	s30 =	simm.s32 $0x0;
	[sflag:s17] =	ssyncadd.s32 $0xFFFFEC00  }
0x6e: {  	[tilespmem:s20], [sflag:$0x1] =	stream.indirect.gather [hbm4b:s4+s19], $0x80, s30, s19, $0xb8;
	[tilespmem:$0x1E800] =	vst v63  }
0x6f: {  	_ =	swait.ge [sflag:s21], $0x4000  }
0x70: {  	[sflag:s21] =	ssyncset.done $0x0  }
0x71: {  	s31 =	simm.s32 $0x1400;
	[sflag:s21] =	ssyncadd.s32 $0xFFFFC000  }
0x72: {  	[spmem:s2] =	stream.indirect.scatter.add.f32 [tilespmem:s20], [sflag:$0x2], $0x80, s31, s19, $0xb8;
	[tilespmem:$0x1E800] =	vst v63  }
0x73: {  	_ =	swait.ge [sflag:s17], $0x4000  }
0x74: {  	s24 =	simm.s32 $0x400;
	s23 =	simm.s32 $0x200;
	[sflag:s17] =	ssyncset.done $0x0  }
.LBB2_6:
0x75: {  	s25 =	sshra.s32 s23, $0x2  }
0x76: {  	[sflag:s17] =	ssyncadd.s32 $0xFFFFC000;
	s23 =	smov.u32 s24;
	s26 =	sadd.s32 $0x200, s24  }
0x77: {  	[tilespmem:s20], [sflag:$0x1] =	stream.indirect.gather [hbm4b:s4+s19], $0x80, s25, s19, $0xb8;
	[tilespmem:$0x1E800] =	vst v63  }
0x78: {  	p0 =	sne.s32 s24, $0x4E00;
	_ =	swait.ge [sflag:s21], $0x4000  }
.Ltmp2:
0x79: {  	[sflag:s21] =	ssyncset.done $0x0;
	(pc) =	sbr.rel @p0 .LBB2_6-.Ltmp2, $4  }
0x7a: {  	s24 =	sadd.s32 $0x1400, s25;
	[sflag:s21] =	ssyncadd.s32 $0xFFFFC000  }
0x7b: {  	[spmem:s2] =	stream.indirect.scatter.add.f32 [tilespmem:s20], [sflag:$0x2], $0x80, s24, s19, $0xb8;
	[tilespmem:$0x1E800] =	vst v63  }
0x7c: {  	_ =	swait.ge [sflag:s17], $0x4000  }
0x7d: {  	s24 =	smov.u32 s26;
	[sflag:s17] =	ssyncset.done $0x0  }
0x7e: {  	s23 =	sshra.s32 s23, $0x2;
	[sflag:s17] =	ssyncadd.s32 $0xFFFFC000  }
0x7f: {  	[tilespmem:s20], [sflag:$0x1] =	stream.indirect.gather [hbm4b:s4+s19], $0x80, s23, s19, $0xb8;
	[tilespmem:$0x1E800] =	vst v63  }
0x80: {  	_ =	swait.ge [sflag:s21], $0x4000  }
0x81: {  	[sflag:s21] =	ssyncset.done $0x0  }
0x82: {  	s23 =	sadd.s32 $0x1400, s23;
	[sflag:s21] =	ssyncadd.s32 $0xFFFFC000  }
0x83: {  	[spmem:s2] =	stream.indirect.scatter.add.f32 [tilespmem:s20], [sflag:$0x2], $0x80, s23, s19, $0xb8;
	[tilespmem:$0x1E800] =	vst v63  }
0x84: {  	_ =	swait.ge [sflag:s17], $0x4000  }
0x85: {  	[sflag:s17] =	ssyncset.done $0x0  }
0x86: {  	s29 =	simm.s32 $0x0;
	[sflag:s17] =	ssyncadd.s32 $0xFFFFC000  }
0x87: {  	[tilespmem:s29], [sflag:$0x2] =	stream.linear.gather [hbm4b:s13+s29], $0x1400, $0x38;
	[tilespmem:$0x1E800] =	vst v63  }
0x88: {  	_ =	swait.ge [sflag:s17], $0x1400  }
0x89: {  	[sflag:s17] =	ssyncset.done $0x0  }
0x8a: {  	[sflag:s17] =	ssyncadd.s32 $0xFFFFEC00  }
0x8b: {  	[tilespmem:s18], [sflag:$0x2] =	stream.linear.gather [hbm4b:s10+s29], $0x1400, $0x38;
	[tilespmem:$0x1E800] =	vst v63  }
0x8c: {  	_ =	swait.ge [sflag:s17], $0x1400  }
0x8d: {  	[sflag:s17] =	ssyncset.done $0x0  }
0x8e: {  	s30 =	simm.s32 $0x0;
	[sflag:s17] =	ssyncadd.s32 $0xFFFFEC00  }
0x8f: {  	[tilespmem:s20], [sflag:$0x1] =	stream.indirect.gather [hbm4b:s4+s19], $0x80, s30, s19, $0xb8;
	[tilespmem:$0x1E800] =	vst v63  }
0x90: {  	_ =	swait.ge [sflag:s21], $0x4000  }
0x91: {  	[sflag:s21] =	ssyncset.done $0x0  }
0x92: {  	s31 =	simm.s32 $0x1400;
	[sflag:s21] =	ssyncadd.s32 $0xFFFFC000  }
0x93: {  	[spmem:s2] =	stream.indirect.scatter.add.f32 [tilespmem:s20], [sflag:$0x2], $0x80, s31, s19, $0xb8;
	[tilespmem:$0x1E800] =	vst v63  }
0x94: {  	_ =	swait.ge [sflag:s17], $0x4000  }
0x95: {  	s24 =	simm.s32 $0x400;
	s23 =	simm.s32 $0x200;
	[sflag:s17] =	ssyncset.done $0x0  }
.LBB2_8:
0x96: {  	s25 =	sshra.s32 s23, $0x2  }
0x97: {  	[sflag:s17] =	ssyncadd.s32 $0xFFFFC000;
	s23 =	smov.u32 s24;
	s26 =	sadd.s32 $0x200, s24  }
0x98: {  	[tilespmem:s20], [sflag:$0x1] =	stream.indirect.gather [hbm4b:s4+s19], $0x80, s25, s19, $0xb8;
	[tilespmem:$0x1E800] =	vst v63  }
0x99: {  	p0 =	sne.s32 s24, $0x4E00;
	_ =	swait.ge [sflag:s21], $0x4000  }
.Ltmp3:
0x9a: {  	[sflag:s21] =	ssyncset.done $0x0;
	(pc) =	sbr.rel @p0 .LBB2_8-.Ltmp3, $4  }
0x9b: {  	s24 =	sadd.s32 $0x1400, s25;
	[sflag:s21] =	ssyncadd.s32 $0xFFFFC000  }
0x9c: {  	[spmem:s2] =	stream.indirect.scatter.add.f32 [tilespmem:s20], [sflag:$0x2], $0x80, s24, s19, $0xb8;
	[tilespmem:$0x1E800] =	vst v63  }
0x9d: {  	_ =	swait.ge [sflag:s17], $0x4000  }
0x9e: {  	s24 =	smov.u32 s26;
	[sflag:s17] =	ssyncset.done $0x0  }
0x9f: {  	s23 =	sshra.s32 s23, $0x2;
	[sflag:s17] =	ssyncadd.s32 $0xFFFFC000  }
0xa0: {  	[tilespmem:s20], [sflag:$0x1] =	stream.indirect.gather [hbm4b:s4+s19], $0x80, s23, s19, $0xb8;
	[tilespmem:$0x1E800] =	vst v63  }
0xa1: {  	_ =	swait.ge [sflag:s21], $0x4000  }
0xa2: {  	[sflag:s21] =	ssyncset.done $0x0  }
0xa3: {  	s23 =	sadd.s32 $0x1400, s23;
	[sflag:s21] =	ssyncadd.s32 $0xFFFFC000  }
0xa4: {  	[spmem:s2] =	stream.indirect.scatter.add.f32 [tilespmem:s20], [sflag:$0x2], $0x80, s23, s19, $0xb8;
	[tilespmem:$0x1E800] =	vst v63  }
0xa5: {  	_ =	swait.ge [sflag:s17], $0x4000  }
0xa6: {  	s22 =	sadd.s32 $0x1, s22;
	[sflag:s17] =	ssyncset.done $0x0  }
0xa7: {  	p0 =	sne.s32 s22, s15;
	[sflag:s17] =	ssyncadd.s32 $0xFFFFC000  }
.Ltmp4:
0xa8: {  	[bflag:$0x0] =	sbarrier.arrive $0xFFFF;
	(pc) =	sbr.rel @p0 .LBB2_1-.Ltmp4, $4  }
0xa9: {  	[hbm:s14], [sflag:s6] =	dma.local [spmem:s16], $0x2800  }
0xaa: {  	_ =	swait.ge [sflag:s17], $0x2800  }
0xab: {  	[sflag:s17] =	ssyncset.done $0x0  }
0xac: {  	[sflag:s17] =	ssyncadd.s32 $0xFFFFD800  }
0xad: {  	_ =	sfence.sel $0x180000  }
0xae: {  	[bflag:$0x0] =	sbarrier.arrive $0xFFFF  }
0xaf: {  	p0 =	sne.s32 s1, $0x0;
	_ =	strace $0x90000050  }
0xb0: {  	s0 =	sadd.s32 @!p0 $0x100000, s0;
	[bflag:$0x2] =	sbarrier.arrive $0xFFFF  }
0xb1: {  	[sflag:s0] =	ssyncadd.tile.s32 @!p0 $0x1;
	_ =	shalt  }
.Lfunc_end2:
_tile_overlayer_lowered:
.L_overlay_start_2:
0xb2: {  	(tag) =	ssettag $0x2  }
0xb3: {  	s0 =	rddreg [dreg:$0x0];
	s2 =	stileid.u32  }
0xb4: {  	s1 =	rddreg [dreg:$0x1];
	p0 =	sne.s32 s2, $0x0  }
0xb5: {  	s3 =	rddreg [dreg:$0x2];
	[bflag:$0x3] =	sbarrier.arrive $0xFFFF;
	s2 =	simm.s32 @!p0 $0x1C02  }
0xb6: {  	[timem:s3], [sflag:s2] =	dma.local @!p0 [hbm:s0], s1  }
0xb7: {  	s0 =	simm.s32 @!p0 $0x2  }
0xb8: {  	_ =	swait.ge @!p0 [sflag:s0], s1  }
0xb9: {  	s1 =	ssub.s32 @!p0 $0x0, s1;
	[sflag:s0] =	ssyncset.done @!p0 $0x0  }
0xba: {  	[sflag:s0] =	ssyncadd.s32 @!p0 s1  }
0xbb: {  	[bflag:$0x3] =	sbarrier.arrive $0xFFFF  }
0xbc: {  	_ =	shalt  }

// kernel: kernel.9.cloned.1.call-start
scs
__scs_entry_jumppad:
0x0: {  	(pc) =	sbr.rel $0x88, $3  }
0x1: {  	(tag) =	ssettag $0x0;
	lr =	simm.s32 $0x1  }
0x2: {  	[smem:$0x3F95] =	sst lr;
	_ =	strace $0xD0000000  }
0x3: {  	_ = 	snop  }
0x4: {  	_ = 	snop  }
0x5: {  	_ = 	snop  }
0x6: {  	_ = 	snop  }
0x7: {  	_ = 	snop  }
__scs_overlays_trampoline_lowered:
0x8: {  	[smem:$0x3FA4] =	sst s0  }
0x9: {  	[smem:$0x3FA5] =	sst s1  }
0xa: {  	[smem:$0x3FA6] =	sst s2  }
0xb: {  	[smem:$0x3FA7] =	sst s3  }
0xc: {  	[smem:$0x3FA8] =	sst s4  }
0xd: {  	[smem:$0x3FA9] =	sst s5  }
0xe: {  	[smem:$0x3FAA] =	sst s6  }
0xf: {  	[smem:$0x3FAB] =	sst s7  }
0x10: {  	[smem:$0x3FAC] =	sst s8  }
0x11: {  	[smem:$0x3FAD] =	sst s9;
	s0 =	simm.s32 @!p0 $0x0  }
0x12: {  	s1 =	sld [smem:$0x3F93];
	s0 =	simm.s32 @p0 $0x1  }
0x13: {  	[smem:$0x3FAE] =	sst s0;
	s0 =	simm.s32 @!p1 $0x0  }
0x14: {  	s2 =	sld [smem:$0x3F92];
	s0 =	simm.s32 @p1 $0x1  }
0x15: {  	[smem:$0x3FAF] =	sst s0;
	s0 =	simm.s32 @!p2 $0x0  }
0x16: {  	s3 =	sld [smem:$0x3FDB];
	s0 =	simm.s32 @p2 $0x1  }
0x17: {  	s4 =	simm.s32 $0x1BF5;
	[smem:$0x3FB1] =	sst s0  }
0x18: {  	s0 =	sld [smem:$0x3F94];
	_ =	swait.ge [sflag:s4], $0x0  }
0x19: {  	s7 =	sld [smem:$0x3F95]  }
0x1a: {  	s8 =	sadd.s32 $0xFFFFE003, lr  }
0x1b: {  	s9 =	sadd.s32 $0xFFFFFEF7, lr;
	s5 =	simm.s32 $0xFFFFFFFF;
	p2 =	slt.u32 s8, $0xFFFFF086  }
0x1c: {  	p1 =	slt.u32 s9, $0xF7A;
	s5 =	simm.s32 @!p2 $0x0  }
0x1d: {  	s5 =	simm.s32 @p1 $0x1;
	p0 =	seq.s32 s7, s2  }
0x1e: {  	s7 =	smul.u32 @!p0 $0xF7A, s2;
	p2 =	seq.s32 @!p0 s5, $0x0  }
0x1f: {  	s9 =	smul.u32 $0xF7A, s1;
	s8 =	simm.s32 @!p0 $0x1BF5;
	p2 =	por !p2, p0  }
0x20: {  	[sflag:s8] =	ssyncset.s32 @!p0 $0xFFFFF086;
	s6 =	sadd.s32 @!p0 s3, s7;
	s7 =	simm.s32 @!p0 $0x108  }
0x21: {  	s3 =	sadd.s32 s3, s9;
	s6 =	sadd.s32 @!p0 $0x88, s6;
	s7 =	simm.s32 @p2 $0x1082  }
0x22: {  	[simem:s7], [sflag:s8] =	dma.local @!p0 [hbm:s6], $0xF7A  }
0x23: {  	s9 =	sor.u32 $0xD0000000, s2;
	s6 =	simm.s32 $0x108;
	_ =	swait.ge @!p0 [sflag:s8], $0x0  }
0x24: {  	s3 =	sadd.s32 $0x88, s3;
	s6 =	simm.s32 @!p1 $0x1082;
	[sflag:s4] =	ssyncset.s32 $0xFFFFF086  }
0x25: {  	[simem:s6], [sflag:s4] =	dma.local [hbm:s3], $0xF7A  }
0x26: {  	[smem:$0x3F95] =	sst s1;
	(tag) =	ssettag s2;
	_ =	strace s9  }
0x27: {  	s1 =	sld [smem:$0x3FA5]  }
0x28: {  	s2 =	sld [smem:$0x3FA6]  }
0x29: {  	s4 =	sld [smem:$0x3FA8]  }
0x2a: {  	p0 =	seq.s32 s5, $0x0;
	s5 =	sld [smem:$0x3FA9]  }
0x2b: {  	s6 =	sld [smem:$0x3FAA]  }
0x2c: {  	s7 =	sld [smem:$0x3FAB]  }
0x2d: {  	s3 =	simm.s32 $0x108;
	s8 =	sld [smem:$0x3FAC]  }
0x2e: {  	s3 =	simm.s32 @!p0 $0x1082;
	s9 =	sld [smem:$0x3FAD]  }
0x2f: {  	lr =	sadd.s32 s0, s3;
	s0 =	sld [smem:$0x3FA4]  }
0x30: {  	s3 =	sld [smem:$0x3FA7]  }
0x31: {  	[smem:$0x3FB0] =	sst s10  }
0x32: {  	s10 =	sld [smem:$0x3FAE];
	_ =	sdelay $0x3  }
0x33: {  	p0 =	seq.s32 s10, $0x1;
	s10 =	sld [smem:$0x3FB0];
	_ =	sdelay $0x3  }
0x34: {  	[smem:$0x3FB0] =	sst s10  }
0x35: {  	s10 =	sld [smem:$0x3FAF];
	_ =	sdelay $0x3  }
0x36: {  	p1 =	seq.s32 s10, $0x1;
	s10 =	sld [smem:$0x3FB0];
	_ =	sdelay $0x3  }
0x37: {  	[smem:$0x3FB0] =	sst s10  }
0x38: {  	s10 =	sld [smem:$0x3FB1]  }
0x39: {  	_ = 	snop;
	(pc) =	sbr.ind lr, $3  }
0x3a: {  	_ = 	snop  }
0x3b: {  	_ = 	snop  }
0x3c: {  	p2 =	seq.s32 s10, $0x1;
	s10 =	sld [smem:$0x3FB0]  }
0x3d: {  	_ =	shalt  }
0x3e: {  	_ =	shalt  }
0x3f: {  	_ =	shalt  }
0x40: {  	_ =	shalt  }
0x41: {  	_ =	shalt  }
0x42: {  	_ =	shalt  }
0x43: {  	_ =	shalt  }
0x44: {  	_ =	shalt  }
0x45: {  	_ =	shalt  }
0x46: {  	_ =	shalt  }
0x47: {  	_ =	shalt  }
0x48: {  	_ =	shalt  }
0x49: {  	_ =	shalt  }
0x4a: {  	_ =	shalt  }
0x4b: {  	_ =	shalt  }
0x4c: {  	_ =	shalt  }
0x4d: {  	_ =	shalt  }
0x4e: {  	_ =	shalt  }
0x4f: {  	_ =	shalt  }
0x50: {  	_ =	shalt  }
0x51: {  	_ =	shalt  }
0x52: {  	_ =	shalt  }
0x53: {  	_ =	shalt  }
0x54: {  	_ =	shalt  }
0x55: {  	_ =	shalt  }
0x56: {  	_ =	shalt  }
0x57: {  	_ =	shalt  }
0x58: {  	_ =	shalt  }
0x59: {  	_ =	shalt  }
0x5a: {  	_ =	shalt  }
0x5b: {  	_ =	shalt  }
0x5c: {  	_ =	shalt  }
0x5d: {  	_ =	shalt  }
0x5e: {  	_ =	shalt  }
0x5f: {  	_ =	shalt  }
0x60: {  	_ =	shalt  }
0x61: {  	_ =	shalt  }
0x62: {  	_ =	shalt  }
0x63: {  	_ =	shalt  }
0x64: {  	_ =	shalt  }
0x65: {  	_ =	shalt  }
0x66: {  	_ =	shalt  }
0x67: {  	_ =	shalt  }
0x68: {  	_ =	shalt  }
0x69: {  	_ =	shalt  }
0x6a: {  	_ =	shalt  }
0x6b: {  	_ =	shalt  }
0x6c: {  	_ =	shalt  }
0x6d: {  	_ =	shalt  }
0x6e: {  	_ =	shalt  }
0x6f: {  	_ =	shalt  }
0x70: {  	_ =	shalt  }
0x71: {  	_ =	shalt  }
0x72: {  	_ =	shalt  }
0x73: {  	_ =	shalt  }
0x74: {  	_ =	shalt  }
0x75: {  	_ =	shalt  }
0x76: {  	_ =	shalt  }
0x77: {  	_ =	shalt  }
0x78: {  	_ =	shalt  }
0x79: {  	_ =	shalt  }
0x7a: {  	_ =	shalt  }
0x7b: {  	_ =	shalt  }
0x7c: {  	_ =	shalt  }
0x7d: {  	_ =	shalt  }
0x7e: {  	_ =	shalt  }
0x7f: {  	_ =	shalt  }
0x80: {  	_ =	shalt  }
0x81: {  	_ =	shalt  }
0x82: {  	_ =	shalt  }
0x83: {  	_ =	shalt  }
0x84: {  	_ =	shalt  }
0x85: {  	_ =	shalt  }
0x86: {  	_ =	shalt  }
0x87: {  	_ =	shalt  }
.Lfunc_end0:
.L_simem_size_0:
called_computation_lowered:
.L_overlay_start_0:
0x88: {  	s2 =	sld [smem:$0x3FD9]  }
0x89: {  	s3 =	sld [smem:$0x3FFE];
	_ =	sdelay $0x1  }
0x8a: {  	s1 =	srdreg.scid  }
0x8b: {  	s0 =	sand.u32 $0x1, s1  }
0x8c: {  	s16 =	sshll.u32 s0, $0xA;
	s2 =	sadd.s32 s3, s2  }
0x8d: {  	s2 =	sadd.s32 s2, s16  }
0x8e: {  	[smem:$0x3FBC] =	sst s2  }
0x8f: {  	_ = 	snop  }
0x90: {  	(tm) =	ssettm $0x1  }
0x91: {  	s17 =	sld [smem:$0x3FFB];
	_ =	sdelay $0x3  }
0x92: {  	_ =	strace s17  }
0x93: {  	s2 =	sld [smem:$0x3FFC];
	_ =	sdelay $0x3  }
0x94: {  	_ =	strace s2  }
0x95: {  	s2 =	sld [smem:$0x3FFD];
	_ =	sdelay $0x3  }
0x96: {  	_ =	strace s2  }
0x97: {  	_ =	strace $0x8FFFFFFF  }
0x98: {  	s18 =	sld [smem:$0x3FDB];
	_ =	sdelay $0x1  }
0x99: {  	s19 =	simm.s32 $_scs_section_size  }
0x9a: {  	s4 =	simm.s32 $_size__tile_overlayer_lowered;
	s5 =	simm.s32 $_tile_overlayer_lowered  }
0x9b: {  	s22 =	simm.s32 $0x1BFF;
	s21 =	sshll.u32 s5, $0x1;
	s2 =	sadd.s32 s19, s18  }
0x9c: {  	s6 =	simm.s32 $0x0;
	s20 =	sshll.u32 s4, $0x1;
	s4 =	sadd.s32 s21, s2  }
0x9d: {  	[timem:s6], [sflag:s22] =	dma.local [hbm:s4], s20  }
0x9e: {  	_ =	swait.ge [sflag:s22], s20  }
0x9f: {  	s3 =	ssub.s32 $0x0, s20;
	[sflag:s22] =	ssyncset.done $0x0  }
0xa0: {  	[sflag:s22] =	ssyncadd.s32 s3;
	_ =	sdelay $0x1  }
0xa1: {  	s23 =	simm.s32 $0x1B8B  }
0xa2: {  	_ =	swait.ge [sflag:s23], $0x1  }
0xa3: {  	[sflag:s23] =	ssyncset.done $0x0  }
0xa4: {  	s25 =	simm.s32 $0x1B8E;
	s24 =	sld [smem:$0x3FFE];
	[sflag:s23] =	ssyncadd.s32 $0xFFFFFFFF  }
0xa5: {  	s26 =	simm.s32 $execute0_lowered;
	[smem:$0x3FD2] =	sst s25  }
0xa6: {  	s4 =	sshll.u32 s26, $0x1;
	_ =	strace $0x80000046;
	[dreg:$0x1] =	wrdreg $0xFFFFFFFF  }
0xa7: {  	s28 =	simm.s32 $_size_execute0_lowered;
	s2 =	sadd.s32 s2, s4;
	[dreg:$0x0] =	wrdreg $0x0  }
0xa8: {  	s4 =	sshll.u32 s28, $0x1;
	[dreg:$0x2] =	wrdreg s2  }
0xa9: {  	[dreg:$0x3] =	wrdreg s4  }
0xaa: {  	[dreg:$0x4] =	wrdreg $0xC0  }
0xab: {  	_ =	task [dreg:s6], $0x5FFFF  }
0xac: {  	[dreg:$0x1] =	wrdreg $0xFFFFFFFF  }
0xad: {  	[dreg:$0x0] =	wrdreg $0x60  }
0xae: {  	[dreg:$0x2] =	wrdreg s24  }
0xaf: {  	[dreg:$0x3] =	wrdreg $0x98000  }
0xb0: {  	[dreg:$0x4] =	wrdreg $0x9  }
0xb1: {  	_ =	task.clear_ibuf [dreg:s6], $0x5FFFF;
	_ =	strace $0x90000046  }
0xb2: {  	s29 =	simm.s32 $0x9;
	_ =	strace $0x80000048  }
0xb3: {  	_ =	swait.ge [sflag:s29], $0x1  }
0xb4: {  	[sflag:s29] =	ssyncadd.s32 $0xFFFFFFFF  }
0xb5: {  	_ =	strace $0x90000048  }
0xb6: {  	_ =	sfence  }
0xb7: {  	s30 =	sld [smem:$0x0];
	_ =	sdelay $0x2  }
0xb8: {  	s31 =	sshll.u32 s1, $0xD;
	s1 =	sshrl.u32 s1, $0x2  }
0xb9: {  	s3 =	sand.u32 $0x4000, s31;
	s1 =	sadd.s32 s1, s30  }
0xba: {  	s0 =	sor.u32 s3, s0;
	s1 =	sshll.u32 s1, $0x11  }
0xbb: {  	s0 =	sor.u32 s1, s0  }
0xbc: {  	s0 =	sadd.s32 $0x8F2B, s0  }
0xbd: {  	[sflag:s0] =	ssyncadd.remote.s32 $0x1  }
0xbe: {  	_ =	sfence.sel $0xFFFF  }
0xbf: {  	[dreg:$0x0] =	wrdreg $0xFFFFFFFF;
	(pc) =	sbr.abs _section_cstart, $3  }
0xc0: {  	[dreg:$0x1] =	wrdreg $0xFFFFFFFF  }
0xc1: {  	_ =	task.clear_ibuf [dreg:s6], $0x2FFFF;
	_ =	strace $0x9FFFFFFF  }
0xc2: {  	(tm) =	ssettm $0x7FFFFFFF  }
0xc3: {  	_ =	shalt  }
tec
execute0_lowered:
.L_overlay_start_1:
0x0: {  	(tag) =	ssettag $0x1  }
0x1: {  	s6 =	rddreg [dreg:$0x0]  }
0x2: {  	s1 =	rddreg [dreg:$0x1]  }
0x3: {  	s2 =	srdreg.scid;
	s0 =	rddreg [dreg:$0x2];
	s3 =	simm.s32 $0x0  }
0x4: {  	s17 =	simm.s32 $0x80;
	s18 =	simm.s32 $0x400;
	s19 =	simm.s32 $0x1  }
0x5: {  	s20 =	simm.s32 $0x100;
	s21 =	simm.s32 $0x180;
	s7 =	sand.u32 $0x1, s2  }
0x6: {  	s22 =	simm.s32 $0x200;
	s2 =	stileid.u32;
	s5 =	smul.u32 $0x14000, s7  }
0x7: {  	s25 =	simm.s32 $0x5800;
	s28 =	simm.s32 $0x0;
	s8 =	smul.u32 $0x1400, s2  }
0x8: {  	[smem:$0x7FF] =	sst s3;
	s4 =	sadd.s32 $0x7800, s6;
	s26 =	smul.u32 $0x14000, s2  }
0x9: {  	_ =	strace $0x80000047;
	s9 =	sshll.u32 s2, $0x7;
	s10 =	smul.u32 $0x140000, s7  }
0xa: {  	s29 =	sshll.u32 s7, $0xB;
	s30 =	ssub.s32 $0x2, s7;
	s15 =	smul.u32 $0x50000, s2  }
0xb: {  	s23 =	sshll.u32 s2, $0x6;
	s9 =	sadd.s32 s9, s6;
	s31 =	sshrl.u32 s30, $0x1  }
0xc: {  	s23 =	sor.u32 $0x1C02, s23;
	s5 =	sadd.s32 s8, s5;
	s11 =	sshrl.u32 s26, $0x3  }
0xd: {  	s8 =	sadd.s32 s26, s10;
	s9 =	sadd.s32 s29, s9;
	s16 =	ssub.s32 s30, s31  }
0xe: {  	s15 =	sshrl.u32 s15, $0x2;
	s26 =	simm.s32 $0x4400;
	s5 =	sshrl.u32 s5, $0x3  }
0xf: {  	s12 =	sadd.s32 s11, s6;
	s8 =	sshrl.u32 s8, $0x3;
	s13 =	sadd.s32 s5, s6  }
0x10: {  	s5 =	sadd.s32 $0x342C00, s6;
	s14 =	sadd.s32 s8, s6;
	s6 =	sadd.s32 $0x319C00, s9  }
0x11: {  	s24 =	sadd.s32 s15, s1;
	s12 =	sadd.s32 $0x31AC00, s12;
	s7 =	sadd.s32 $0x343400, s14  }
0x12: {  	s15 =	smax.u32 s16, $0x1;
	s8 =	sadd.s32 $0x343C00, s14;
	s9 =	sadd.s32 $0x344400, s14  }
0x13: {  	s16 =	simm.s32 $0x2;
	s10 =	sadd.s32 $0x344C00, s14;
	s11 =	sadd.s32 $0x345400, s14  }
0x14: {  	s24 =	sshrl.u32 s24, $0x3;
	s13 =	sadd.s32 $0x314C00, s13;
	s14 =	sadd.s32 $0x393400, s14  }
.LBB2_1:
0x15: {  	[tilespmem:s3], [sflag:$0x2] =	stream.linear.gather [hbm4b:s6+s3], $0x280, $0x38;
	[tilespmem:$0xC000] =	vst v63  }
0x16: {  	_ =	swait.ge [sflag:s16], $0x280  }
0x17: {  	[sflag:s16] =	ssyncset.done $0x0  }
0x18: {  	[sflag:s16] =	ssyncadd.s32 $0xFFFFFD80  }
0x19: {  	[tilespmem:s18], [sflag:$0x1] =	stream.indirect.gather [hbm4b:s4+s17], $0x80, s3, s17, $0xb8;
	[tilespmem:$0xC000] =	vst v63  }
0x1a: {  	_ =	swait.ge [sflag:s19], $0x4000  }
0x1b: {  	[sflag:s19] =	ssyncset.done $0x0  }
0x1c: {  	[sflag:s19] =	ssyncadd.s32 $0xFFFFC000  }
0x1d: {  	[hbm4b:s7+s3] =	stream.linear.scatter [tilespmem:s18], [sflag:$0x2], $0x4000, $0x38;
	[tilespmem:$0xC000] =	vst v63  }
0x1e: {  	_ =	swait.ge [sflag:s16], $0x4000  }
0x1f: {  	[sflag:s16] =	ssyncset.done $0x0  }
0x20: {  	[sflag:s16] =	ssyncadd.s32 $0xFFFFC000  }
0x21: {  	[tilespmem:s18], [sflag:$0x1] =	stream.indirect.gather [hbm4b:s4+s17], $0x80, s17, s17, $0xb8;
	[tilespmem:$0xC000] =	vst v63  }
0x22: {  	_ =	swait.ge [sflag:s19], $0x4000  }
0x23: {  	[sflag:s19] =	ssyncset.done $0x0  }
0x24: {  	[sflag:s19] =	ssyncadd.s32 $0xFFFFC000  }
0x25: {  	[hbm4b:s8+s3] =	stream.linear.scatter [tilespmem:s18], [sflag:$0x2], $0x4000, $0x38;
	[tilespmem:$0xC000] =	vst v63  }
0x26: {  	_ =	swait.ge [sflag:s16], $0x4000  }
0x27: {  	[sflag:s16] =	ssyncset.done $0x0  }
0x28: {  	[sflag:s16] =	ssyncadd.s32 $0xFFFFC000  }
0x29: {  	[tilespmem:s18], [sflag:$0x1] =	stream.indirect.gather [hbm4b:s4+s17], $0x80, s20, s17, $0xb8;
	[tilespmem:$0xC000] =	vst v63  }
0x2a: {  	_ =	swait.ge [sflag:s19], $0x4000  }
0x2b: {  	[sflag:s19] =	ssyncset.done $0x0  }
0x2c: {  	[sflag:s19] =	ssyncadd.s32 $0xFFFFC000  }
0x2d: {  	[hbm4b:s9+s3] =	stream.linear.scatter [tilespmem:s18], [sflag:$0x2], $0x4000, $0x38;
	[tilespmem:$0xC000] =	vst v63  }
0x2e: {  	_ =	swait.ge [sflag:s16], $0x4000  }
0x2f: {  	[sflag:s16] =	ssyncset.done $0x0  }
0x30: {  	[sflag:s16] =	ssyncadd.s32 $0xFFFFC000  }
0x31: {  	[tilespmem:s18], [sflag:$0x1] =	stream.indirect.gather [hbm4b:s4+s17], $0x80, s21, s17, $0xb8;
	[tilespmem:$0xC000] =	vst v63  }
0x32: {  	_ =	swait.ge [sflag:s19], $0x4000  }
0x33: {  	[sflag:s19] =	ssyncset.done $0x0  }
0x34: {  	[sflag:s19] =	ssyncadd.s32 $0xFFFFC000  }
0x35: {  	[hbm4b:s10+s3] =	stream.linear.scatter [tilespmem:s18], [sflag:$0x2], $0x4000, $0x38;
	[tilespmem:$0xC000] =	vst v63  }
0x36: {  	_ =	swait.ge [sflag:s16], $0x4000  }
0x37: {  	[sflag:s16] =	ssyncset.done $0x0  }
0x38: {  	[sflag:s16] =	ssyncadd.s32 $0xFFFFC000  }
0x39: {  	[tilespmem:s18], [sflag:$0x1] =	stream.indirect.gather [hbm4b:s4+s17], $0x80, s22, s17, $0xb8;
	[tilespmem:$0xC000] =	vst v63  }
0x3a: {  	_ =	swait.ge [sflag:s19], $0x4000  }
0x3b: {  	[sflag:s19] =	ssyncset.done $0x0  }
0x3c: {  	[sflag:s19] =	ssyncadd.s32 $0xFFFFC000  }
0x3d: {  	[hbm4b:s11+s3] =	stream.linear.scatter [tilespmem:s18], [sflag:$0x2], $0x4000, $0x38;
	[tilespmem:$0xC000] =	vst v63  }
0x3e: {  	_ =	swait.ge [sflag:s16], $0x4000  }
0x3f: {  	[sflag:s16] =	ssyncset.done $0x0  }
0x40: {  	[sflag:s16] =	ssyncadd.s32 $0xFFFFC000  }
0x41: {  	[spmem:s24], [sflag:s23] =	dma.local [hbm:s12], $0x2800  }
0x42: {  	_ =	swait.ge [sflag:s16], $0x2800  }
0x43: {  	[sflag:s16] =	ssyncset.done $0x0  }
0x44: {  	[sflag:s16] =	ssyncadd.s32 $0xFFFFD800  }
0x45: {  	[tilespmem:s25], [sflag:$0x2] =	stream.linear.gather [hbm4b:s5+s3], $0x4000, $0x38;
	[tilespmem:$0xC000] =	vst v63  }
0x46: {  	_ =	swait.ge [sflag:s16], $0x4000  }
0x47: {  	[sflag:s16] =	ssyncset.done $0x0  }
0x48: {  	[sflag:s16] =	ssyncadd.s32 $0xFFFFC000  }
0x49: {  	[tilespmem:s26], [sflag:$0x2] =	stream.linear.gather [hbm4b:s13+s3], $0x1400, $0x38;
	[tilespmem:$0xC000] =	vst v63  }
0x4a: {  	_ =	swait.ge [sflag:s16], $0x1400  }
0x4b: {  	[sflag:s16] =	ssyncset.done $0x0  }
0x4c: {  	[sflag:s16] =	ssyncadd.s32 $0xFFFFEC00  }
0x4d: {  	s29 =	simm.s32 $0x4400;
	[bflag:$0x0] =	sbarrier.arrive $0xFFFF  }
0x4e: {  	[spmem:s1] =	stream.indirect.scatter.add.f32 [tilespmem:s25], [sflag:$0x2], $0x10, s29, s17, $0xb8;
	[tilespmem:$0xC000] =	vst v63  }
0x4f: {  	s29 =	simm.s32 $0x200;
	_ =	swait.ge [sflag:s16], $0x800  }
.LBB2_2:
0x50: {  	s30 =	sshra.s32 s29, $0x2;
	[sflag:s16] =	ssyncset.done $0x0;
	p0 =	sne.s32 s29, $0x4E00  }
.Ltmp0:
0x51: {  	s30 =	sadd.s32 $0x4400, s30;
	[sflag:s16] =	ssyncadd.s32 $0xFFFFF800;
	(pc) =	sbr.rel @p0 .LBB2_2-.Ltmp0, $3  }
0x52: {  	[spmem:s1] =	stream.indirect.scatter.add.f32 [tilespmem:s25], [sflag:$0x2], $0x10, s30, s17, $0xb8;
	[tilespmem:$0xC000] =	vst v63  }
0x53: {  	s29 =	sadd.s32 $0x200, s29;
	_ =	sdelay $0x1  }
0x54: {  	_ =	swait.ge [sflag:s16], $0x800  }
0x55: {  	[sflag:s16] =	ssyncset.done $0x0;
	s28 =	sadd.s32 $0x1, s28  }
0x56: {  	[sflag:s16] =	ssyncadd.s32 $0xFFFFF800;
	p0 =	sne.s32 s28, s15  }
.Ltmp1:
0x57: {  	[bflag:$0x0] =	sbarrier.arrive $0xFFFF;
	(pc) =	sbr.rel @p0 .LBB2_1-.Ltmp1, $4  }
0x58: {  	[hbm:s14], [sflag:s23] =	dma.local [spmem:s24], $0x2800  }
0x59: {  	_ =	swait.ge [sflag:s16], $0x2800  }
0x5a: {  	[sflag:s16] =	ssyncset.done $0x0  }
0x5b: {  	[sflag:s16] =	ssyncadd.s32 $0xFFFFD800  }
0x5c: {  	_ =	sfence.sel $0x180000  }
0x5d: {  	[bflag:$0x0] =	sbarrier.arrive $0xFFFF  }
0x5e: {  	p0 =	sne.s32 s2, $0x0;
	_ =	strace $0x90000047  }
0x5f: {  	s0 =	sadd.s32 @!p0 $0x100000, s0;
	[bflag:$0x2] =	sbarrier.arrive $0xFFFF  }
0x60: {  	[sflag:s0] =	ssyncadd.tile.s32 @!p0 $0x1;
	_ =	shalt  }
.Lfunc_end2:
_tile_overlayer_lowered:
.L_overlay_start_2:
0x61: {  	(tag) =	ssettag $0x2  }
0x62: {  	s0 =	rddreg [dreg:$0x0];
	s2 =	stileid.u32  }
0x63: {  	s1 =	rddreg [dreg:$0x1];
	p0 =	sne.s32 s2, $0x0  }
0x64: {  	s3 =	rddreg [dreg:$0x2];
	[bflag:$0x3] =	sbarrier.arrive $0xFFFF;
	s2 =	simm.s32 @!p0 $0x1C02  }
0x65: {  	[timem:s3], [sflag:s2] =	dma.local @!p0 [hbm:s0], s1  }
0x66: {  	s0 =	simm.s32 @!p0 $0x2  }
0x67: {  	_ =	swait.ge @!p0 [sflag:s0], s1  }
0x68: {  	s1 =	ssub.s32 @!p0 $0x0, s1;
	[sflag:s0] =	ssyncset.done @!p0 $0x0  }
0x69: {  	[sflag:s0] =	ssyncadd.s32 @!p0 s1  }
0x6a: {  	[bflag:$0x3] =	sbarrier.arrive $0xFFFF  }
0x6b: {  	_ =	shalt  }

</sc_bundles>
